<compile_context>
chip_gen: v7x
topology: tpu7x:2x2x1
jax: 0.10.2.dev20260603
libtpu: 0.0.44.dev20260713+nightly
codegen_flags: <defaults>
</compile_context>

<pallas_src>
import functools

import jax
import jax.numpy as jnp
from jax import lax
from jax.experimental import pallas as pl
from jax.experimental.pallas import tpu as pltpu
from jax.experimental.pallas import tpu_sc as plsc

N = 10000
D = 128
H = 128
E = 320000
CH = 128
NCHUNKS = E // CH
NW = 32
NSUB = 16
RPS = 624
DEGROWS = 10240


def _sc_aggregate(m, src, dst, with_deg):
    mesh = plsc.VectorSubcoreMesh(core_axis_name="c", subcore_axis_name="s")

    out_type = [jax.ShapeDtypeStruct((2, N, H), jnp.float32)]
    if with_deg:
        out_type.append(jax.ShapeDtypeStruct((2, DEGROWS), jnp.float32))

    scratch = [
        pltpu.VMEM((2, CH), jnp.int32),
        pltpu.VMEM((2, CH), jnp.int32),
        pltpu.VMEM((CH, H), jnp.float32),
        pltpu.VMEM((CH, H), jnp.float32),
        pltpu.VMEM((16, H), jnp.float32),
        pltpu.VMEM_SHARED((N, H), jnp.float32),
        pltpu.SemaphoreType.DMA,
        pltpu.SemaphoreType.DMA,
        pltpu.SemaphoreType.DMA,
        pltpu.SemaphoreType.DMA,
        pltpu.SemaphoreType.DMA,
        pltpu.SemaphoreType.DMA,
    ]
    if with_deg:
        scratch += [
            pltpu.VMEM((CH,), jnp.float32),
            pltpu.VMEM((640,), jnp.float32),
            pltpu.VMEM_SHARED((DEGROWS,), jnp.float32),
            pltpu.SemaphoreType.DMA,
        ]

    def body(m_hbm, src_hbm, dst_hbm, *rest):
        if with_deg:
            (parts_out, degp_out, sidx, didx, rows0, rows1, zrow, acc,
             si0, si1, di0, di1, sg0, sg1, ones_b, dz, dacc, sd) = rest
        else:
            (parts_out, sidx, didx, rows0, rows1, zrow, acc,
             si0, si1, di0, di1, sg0, sg1) = rest
        rows = (rows0, rows1)
        si = (si0, si1)
        di = (di0, di1)
        sg = (sg0, sg1)

        cid = lax.axis_index("c")
        sid = lax.axis_index("s")
        wid = sid * 2 + cid

        def zfill(i, _):
            for j in range(H // 16):
                zrow[i, pl.ds(j * 16, 16)] = jnp.zeros((16,), jnp.float32)
            return 0
        lax.fori_loop(0, 16, zfill, 0)

        if with_deg:
            def dzfill(i, _):
                dz[pl.ds(i * 16, 16)] = jnp.zeros((16,), jnp.float32)
                return 0
            lax.fori_loop(0, 640 // 16, dzfill, 0)

            def onesfill(i, _):
                ones_b[pl.ds(i * 16, 16)] = jnp.ones((16,), jnp.float32)
                return 0
            lax.fori_loop(0, CH // 16, onesfill, 0)

        nz = (RPS // 16) + jnp.where(sid == NSUB - 1, 1, 0)

        def zcopy(k, _):
            pltpu.sync_copy(zrow, acc.at[pl.ds(sid * RPS + k * 16, 16)])
            return 0
        lax.fori_loop(0, nz, zcopy, 0)
        if with_deg:
            pltpu.sync_copy(dz, dacc.at[pl.ds(sid * 640, 640)])
        plsc.subcore_barrier()

        extra = NCHUNKS - (NCHUNKS // NW) * NW
        nch = NCHUNKS // NW + jnp.where(wid < extra, 1, 0)
        base = wid * (NCHUNKS // NW) + jnp.minimum(wid, extra)
        nchp = NCHUNKS // NW + 2

        def issue_idx(c, b):
            pltpu.async_copy(src_hbm.at[pl.ds((base + c) * CH, CH)],
                             sidx.at[b], si[b])
            pltpu.async_copy(dst_hbm.at[pl.ds((base + c) * CH, CH)],
                             didx.at[b], di[b])

        def wait_idx(b):
            pltpu.make_async_copy(src_hbm.at[pl.ds(0, CH)], sidx.at[b],
                                  si[b]).wait()
            pltpu.make_async_copy(dst_hbm.at[pl.ds(0, CH)], didx.at[b],
                                  di[b]).wait()

        issue_idx(0, 0)
        issue_idx(1, 1)
        wait_idx(0)
        pltpu.async_copy(m_hbm.at[sidx.at[0]], rows[0], sg[0])

        def pair_body(i, _):
            for b in (0, 1):
                b1 = 1 - b
                c = 2 * i + b
                wait_idx(b1)
                pltpu.async_copy(m_hbm.at[sidx.at[b1]], rows[b1], sg[b1])
                if with_deg:
                    @pl.when(c < nch)
                    def _fire_deg():
                        pltpu.async_copy(ones_b, dacc.at[didx.at[b]], sd,
                                         add=True)
                pltpu.make_async_copy(m_hbm.at[sidx.at[b]], rows[b],
                                      sg[b]).wait()
                if with_deg:
                    @pl.when(c < nch)
                    def _wait_deg():
                        pltpu.make_async_copy(ones_b, dacc.at[didx.at[b]],
                                              sd).wait()

                @pl.when(c < nch)
                def _scatter():
                    pltpu.sync_copy(rows[b], acc.at[didx.at[b]], add=True)
                issue_idx(c + 2, b)
            return 0
        lax.fori_loop(0, nchp // 2, pair_body, 0)

        pltpu.make_async_copy(m_hbm.at[sidx.at[0]], rows[0], sg[0]).wait()
        wait_idx(1)

        plsc.subcore_barrier()

        r0 = sid * RPS
        pltpu.sync_copy(acc.at[pl.ds(r0, RPS)],
                        parts_out.at[cid, pl.ds(r0, RPS)])

        @pl.when(sid == NSUB - 1)
        def _tail():
            pltpu.sync_copy(acc.at[pl.ds(NSUB * RPS, N - NSUB * RPS)],
                            parts_out.at[cid, pl.ds(NSUB * RPS, N - NSUB * RPS)])
        if with_deg:
            d0 = sid * 640
            pltpu.sync_copy(dacc.at[pl.ds(d0, 640)],
                            degp_out.at[cid, pl.ds(d0, 640)])

    fn = pl.kernel(body, out_type=out_type, mesh=mesh, scratch_types=scratch)
    return fn(m, src, dst)


def _tc_linear_relu(x, w, b):
    n, k = x.shape
    m = w.shape[1]
    tn = 1000

    def body(x_ref, w_ref, b_ref, o_ref):
        o_ref[...] = jax.nn.relu(
            jnp.dot(x_ref[...], w_ref[...],
                    preferred_element_type=jnp.float32,
                    precision=lax.Precision.HIGHEST) + b_ref[...])

    return pl.pallas_call(
        body,
        grid=(n // tn,),
        in_specs=[
            pl.BlockSpec((tn, k), lambda i: (i, 0)),
            pl.BlockSpec((k, m), lambda i: (0, 0)),
            pl.BlockSpec((1, m), lambda i: (0, 0)),
        ],
        out_specs=pl.BlockSpec((tn, m), lambda i: (i, 0)),
        out_shape=jax.ShapeDtypeStruct((n, m), jnp.float32),
    )(x, w, b.reshape(1, -1))


def _tc_combine(h, parts, degp, w_h, w_a, w_b, m_w, m_b):
    tn = 1000

    def body(h_ref, p_ref, d_ref, wh_ref, wa_ref, wb_ref, mw_ref, mb_ref,
             hn_ref, o2_ref):
        deg = d_ref[0, :, :1] + d_ref[1, :, :1]
        agg = (p_ref[0] + p_ref[1]) / jnp.maximum(deg, 1.0)
        z = jax.nn.relu(
            jnp.dot(h_ref[...], wh_ref[...],
                    preferred_element_type=jnp.float32,
                    precision=lax.Precision.HIGHEST)
            + jnp.dot(agg, wa_ref[...],
                      preferred_element_type=jnp.float32,
                      precision=lax.Precision.HIGHEST)
            + wb_ref[...])
        nrm = jnp.sqrt(jnp.sum(z * z, axis=-1, keepdims=True))
        hn = z / jnp.maximum(nrm, 1e-6)
        hn_ref[...] = hn
        o2_ref[...] = jax.nn.relu(
            jnp.dot(hn, mw_ref[...],
                    preferred_element_type=jnp.float32,
                    precision=lax.Precision.HIGHEST) + mb_ref[...])

    return pl.pallas_call(
        body,
        grid=(N // tn,),
        in_specs=[
            pl.BlockSpec((tn, D), lambda i: (i, 0)),
            pl.BlockSpec((2, tn, H), lambda i: (0, i, 0)),
            pl.BlockSpec((2, tn, 1), lambda i: (0, i, 0)),
            pl.BlockSpec((D, D), lambda i: (0, 0)),
            pl.BlockSpec((H, D), lambda i: (0, 0)),
            pl.BlockSpec((1, D), lambda i: (0, 0)),
            pl.BlockSpec((D, D), lambda i: (0, 0)),
            pl.BlockSpec((1, D), lambda i: (0, 0)),
        ],
        out_specs=[
            pl.BlockSpec((tn, D), lambda i: (i, 0)),
            pl.BlockSpec((tn, D), lambda i: (i, 0)),
        ],
        out_shape=[
            jax.ShapeDtypeStruct((N, D), jnp.float32),
            jax.ShapeDtypeStruct((N, D), jnp.float32),
        ],
    )(h, parts, degp, w_h, w_a, w_b.reshape(1, -1), m_w, m_b.reshape(1, -1))


def kernel(x, edge_index, Q0_w, Q0_b, W0_w, W0_b, Q1_w, Q1_b, W1_w, W1_b, G_w, G_b):
    pad = jnp.zeros((8 * CH,), jnp.int32)
    src = jnp.concatenate([edge_index[0], pad])
    dst = jnp.concatenate([edge_index[1], pad])

    m0 = _tc_linear_relu(x, Q0_w, Q0_b)
    parts0, degp = _sc_aggregate(m0, src, dst, with_deg=True)
    degp = degp[:, :N].reshape(2, N, 1)

    h1, m1 = _tc_combine(x, parts0, degp, W0_w[:D], W0_w[D:], W0_b, Q1_w, Q1_b)

    parts1 = _sc_aggregate(m1, src, dst, with_deg=False)[0]
    _, out = _tc_combine(h1, parts1, degp, W1_w[:D], W1_w[D:], W1_b, G_w, G_b)
    return out

# --- scband reference (transcript-rebuilt; emitter-appended) ---
"""Pipeline reference for scband-pcn-31224412242715 (READ-ONLY COPY).

The authoritative reference and input builder live on the scoring server;
editing this copy changes nothing except your own understanding.
"""

import jax, jax.numpy as jnp
import numpy as np

N = 10000
E = 320000
D = 128  # in_feats == out_feats (required for stacked PinConv layers)
H = 128  # hidden_size


def _pinconv(h, src, dst, Q_w, Q_b, W_w, W_b):
    # PinSAGE-style conv: neighbor message = relu(Q h_u + q), mean-aggregate,
    # concat with self, relu(W [.]) and L2-normalize.
    m_all = jax.nn.relu(h @ Q_w + Q_b)            # [N, H] (node-level transform)
    m = jnp.take(m_all, src, axis=0)              # [E, H] gather by source node
    agg = jax.ops.segment_sum(m, dst, num_segments=N)          # [N, H] scatter-add
    deg = jax.ops.segment_sum(jnp.ones((dst.shape[0],), jnp.float32), dst, num_segments=N)
    agg = agg / jnp.maximum(deg, 1.0)[:, None]    # mean aggregation
    z = jax.nn.relu(jnp.concatenate([h, agg], axis=-1) @ W_w + W_b)  # [N, D]
    nrm = jnp.linalg.norm(z, axis=-1, keepdims=True)
    return z / jnp.maximum(nrm, 1e-6)


def setup_inputs(seed: int = 0) -> dict:
    key = jax.random.key(seed)
    ks = jax.random.split(key, 12)
    inp = {}
    inp["x"] = jax.random.normal(ks[0], (N, D), dtype=jnp.float32)
    inp["edge_index"] = jax.random.randint(ks[1], (2, E), 0, N, dtype=jnp.int32)
    sQ = float(np.sqrt(2.0 / (D + H)))
    sW = float(np.sqrt(2.0 / (D + H + D)))
    sG = float(np.sqrt(2.0 / (D + D)))
    inp["Q0_w"] = jax.random.normal(ks[2], (D, H), dtype=jnp.float32) * sQ
    inp["Q0_b"] = jnp.zeros((H,), dtype=jnp.float32)
    inp["W0_w"] = jax.random.normal(ks[3], (D + H, D), dtype=jnp.float32) * sW
    inp["W0_b"] = jnp.zeros((D,), dtype=jnp.float32)
    inp["Q1_w"] = jax.random.normal(ks[4], (D, H), dtype=jnp.float32) * sQ
    inp["Q1_b"] = jnp.zeros((H,), dtype=jnp.float32)
    inp["W1_w"] = jax.random.normal(ks[5], (D + H, D), dtype=jnp.float32) * sW
    inp["W1_b"] = jnp.zeros((D,), dtype=jnp.float32)
    inp["G_w"] = jax.random.normal(ks[6], (D, D), dtype=jnp.float32) * sG
    inp["G_b"] = jnp.zeros((D,), dtype=jnp.float32)
    return inp


def reference(x, edge_index, Q0_w, Q0_b, W0_w, W0_b, Q1_w, Q1_b, W1_w, W1_b, G_w, G_b):
    src = edge_index[0]
    dst = edge_index[1]
    h = _pinconv(x, src, dst, Q0_w, Q0_b, W0_w, W0_b)
    h = _pinconv(h, src, dst, Q1_w, Q1_b, W1_w, W1_b)
    return jax.nn.relu(h @ G_w + G_b)

if __name__ == "__main__":
    import jax
    _d = setup_inputs()
    print(jax.jit(kernel)(*tuple(_d.values())))

</pallas_src>

<mosaic_0001>
#map = affine_map<(d0, d1) -> (0, 0)>
#map1 = affine_map<(d0, d1) -> (0)>
#map2 = affine_map<(d0, d1) -> (0, 0, 0)>
module attributes {stable_mosaic.version = 14 : i64} {
  func.func @body(%arg0: i32, %arg1: i32, %arg2: memref<10000x128xf32, #tpu.memory_space<hbm>>, %arg3: memref<321024xi32, #tpu.memory_space<hbm>>, %arg4: memref<321024xi32, #tpu.memory_space<hbm>>, %arg5: memref<2x10000x128xf32, #tpu.memory_space<hbm>>, %arg6: memref<2x10240xf32, #tpu.memory_space<hbm>>, %arg7: memref<2x128xi32, #tpu.memory_space<vmem>>, %arg8: memref<2x128xi32, #tpu.memory_space<vmem>>, %arg9: memref<128x128xf32, #tpu.memory_space<vmem>>, %arg10: memref<128x128xf32, #tpu.memory_space<vmem>>, %arg11: memref<16x128xf32, #tpu.memory_space<vmem>>, %arg12: memref<10000x128xf32, #tpu.memory_space<vmem_shared>>, %arg13: memref<!tpu.dma_semaphore, #tpu.memory_space<semaphore_mem>>, %arg14: memref<!tpu.dma_semaphore, #tpu.memory_space<semaphore_mem>>, %arg15: memref<!tpu.dma_semaphore, #tpu.memory_space<semaphore_mem>>, %arg16: memref<!tpu.dma_semaphore, #tpu.memory_space<semaphore_mem>>, %arg17: memref<!tpu.dma_semaphore, #tpu.memory_space<semaphore_mem>>, %arg18: memref<!tpu.dma_semaphore, #tpu.memory_space<semaphore_mem>>, %arg19: memref<128xf32, #tpu.memory_space<vmem>>, %arg20: memref<640xf32, #tpu.memory_space<vmem>>, %arg21: memref<10240xf32, #tpu.memory_space<vmem_shared>>, %arg22: memref<!tpu.dma_semaphore, #tpu.memory_space<semaphore_mem>>) attributes {dimension_semantics = [#tpu.dimension_semantics<core_parallel>, #tpu.dimension_semantics<subcore_parallel>], iteration_bounds = array<i64: 2, 16>, scalar_prefetch = 0 : i64, scratch_operands = 16 : i64, tpu.core_type = #tpu.core_type<sc_vector_subcore>, window_params = [{transform_indices = #map}, {transform_indices = #map1}, {transform_indices = #map1}, {transform_indices = #map2}, {transform_indices = #map}]} {
    %mul3A = arith.constant 2 : i32
    %mul3A_0 = arith.muli %arg1, %mul3A : i32
    %add3A = arith.addi %mul3A_0, %arg0 : i32
    %scan3A = arith.constant 0 : i32
    %scan3A_1 = arith.constant 0 : i32
    %scan3A_2 = arith.constant 16 : i32
    %scan3A_3 = arith.addi %scan3A_1, %scan3A_2 : i32
    %scan3A_4 = arith.constant 1 : i32
    %scan3A_5 = scf.for %scan3A_171 = %scan3A_1 to %scan3A_3 step %scan3A_4 iter_args(%scan3A_172 = %scan3A) -> (i32)  : i32 {
      %broadcast_in_dim3A = arith.constant 0.000000e+00 : f32
      %broadcast_in_dim3A_173 = vector.broadcast %broadcast_in_dim3A : f32 to vector<16xf32>
      %swap3A = arith.index_cast %scan3A_171 : i32 to index
      %swap3A_174 = arith.constant 0 : index
      %swap3A_175 = tpu.vector_load %arg11[%swap3A, %swap3A_174] {strides = array<i32>} : memref<16x128xf32, #tpu.memory_space<vmem>>, vector<1x16xf32>,
      %swap3A_176 = vector.shape_cast %swap3A_175 : vector<1x16xf32> to vector<16xf32>
      %swap3A_177 = vector.shape_cast %broadcast_in_dim3A_173 : vector<16xf32> to vector<1x16xf32>
      tpu.vector_store %arg11[%swap3A, %swap3A_174], %swap3A_177 {strides = array<i32>} : memref<16x128xf32, #tpu.memory_space<vmem>>, vector<1x16xf32>,
      %broadcast_in_dim3A_178 = arith.constant 0.000000e+00 : f32
      %broadcast_in_dim3A_179 = vector.broadcast %broadcast_in_dim3A_178 : f32 to vector<16xf32>
      %swap3A_180 = arith.index_cast %scan3A_171 : i32 to index
      %swap3A_181 = arith.constant 16 : index
      %swap3A_182 = tpu.vector_load %arg11[%swap3A_180, %swap3A_181] {strides = array<i32>} : memref<16x128xf32, #tpu.memory_space<vmem>>, vector<1x16xf32>,
      %swap3A_183 = vector.shape_cast %swap3A_182 : vector<1x16xf32> to vector<16xf32>
      %swap3A_184 = vector.shape_cast %broadcast_in_dim3A_179 : vector<16xf32> to vector<1x16xf32>
      tpu.vector_store %arg11[%swap3A_180, %swap3A_181], %swap3A_184 {strides = array<i32>} : memref<16x128xf32, #tpu.memory_space<vmem>>, vector<1x16xf32>,
      %broadcast_in_dim3A_185 = arith.constant 0.000000e+00 : f32
      %broadcast_in_dim3A_186 = vector.broadcast %broadcast_in_dim3A_185 : f32 to vector<16xf32>
      %swap3A_187 = arith.index_cast %scan3A_171 : i32 to index
      %swap3A_188 = arith.constant 32 : index
      %swap3A_189 = tpu.vector_load %arg11[%swap3A_187, %swap3A_188] {strides = array<i32>} : memref<16x128xf32, #tpu.memory_space<vmem>>, vector<1x16xf32>,
      %swap3A_190 = vector.shape_cast %swap3A_189 : vector<1x16xf32> to vector<16xf32>
      %swap3A_191 = vector.shape_cast %broadcast_in_dim3A_186 : vector<16xf32> to vector<1x16xf32>
      tpu.vector_store %arg11[%swap3A_187, %swap3A_188], %swap3A_191 {strides = array<i32>} : memref<16x128xf32, #tpu.memory_space<vmem>>, vector<1x16xf32>,
      %broadcast_in_dim3A_192 = arith.constant 0.000000e+00 : f32
      %broadcast_in_dim3A_193 = vector.broadcast %broadcast_in_dim3A_192 : f32 to vector<16xf32>
      %swap3A_194 = arith.index_cast %scan3A_171 : i32 to index
      %swap3A_195 = arith.constant 48 : index
      %swap3A_196 = tpu.vector_load %arg11[%swap3A_194, %swap3A_195] {strides = array<i32>} : memref<16x128xf32, #tpu.memory_space<vmem>>, vector<1x16xf32>,
      %swap3A_197 = vector.shape_cast %swap3A_196 : vector<1x16xf32> to vector<16xf32>
      %swap3A_198 = vector.shape_cast %broadcast_in_dim3A_193 : vector<16xf32> to vector<1x16xf32>
      tpu.vector_store %arg11[%swap3A_194, %swap3A_195], %swap3A_198 {strides = array<i32>} : memref<16x128xf32, #tpu.memory_space<vmem>>, vector<1x16xf32>,
      %broadcast_in_dim3A_199 = arith.constant 0.000000e+00 : f32
      %broadcast_in_dim3A_200 = vector.broadcast %broadcast_in_dim3A_199 : f32 to vector<16xf32>
      %swap3A_201 = arith.index_cast %scan3A_171 : i32 to index
      %swap3A_202 = arith.constant 64 : index
      %swap3A_203 = tpu.vector_load %arg11[%swap3A_201, %swap3A_202] {strides = array<i32>} : memref<16x128xf32, #tpu.memory_space<vmem>>, vector<1x16xf32>,
      %swap3A_204 = vector.shape_cast %swap3A_203 : vector<1x16xf32> to vector<16xf32>
      %swap3A_205 = vector.shape_cast %broadcast_in_dim3A_200 : vector<16xf32> to vector<1x16xf32>
      tpu.vector_store %arg11[%swap3A_201, %swap3A_202], %swap3A_205 {strides = array<i32>} : memref<16x128xf32, #tpu.memory_space<vmem>>, vector<1x16xf32>,
      %broadcast_in_dim3A_206 = arith.constant 0.000000e+00 : f32
      %broadcast_in_dim3A_207 = vector.broadcast %broadcast_in_dim3A_206 : f32 to vector<16xf32>
      %swap3A_208 = arith.index_cast %scan3A_171 : i32 to index
      %swap3A_209 = arith.constant 80 : index
      %swap3A_210 = tpu.vector_load %arg11[%swap3A_208, %swap3A_209] {strides = array<i32>} : memref<16x128xf32, #tpu.memory_space<vmem>>, vector<1x16xf32>,
      %swap3A_211 = vector.shape_cast %swap3A_210 : vector<1x16xf32> to vector<16xf32>
      %swap3A_212 = vector.shape_cast %broadcast_in_dim3A_207 : vector<16xf32> to vector<1x16xf32>
      tpu.vector_store %arg11[%swap3A_208, %swap3A_209], %swap3A_212 {strides = array<i32>} : memref<16x128xf32, #tpu.memory_space<vmem>>, vector<1x16xf32>,
      %broadcast_in_dim3A_213 = arith.constant 0.000000e+00 : f32
      %broadcast_in_dim3A_214 = vector.broadcast %broadcast_in_dim3A_213 : f32 to vector<16xf32>
      %swap3A_215 = arith.index_cast %scan3A_171 : i32 to index
      %swap3A_216 = arith.constant 96 : index
      %swap3A_217 = tpu.vector_load %arg11[%swap3A_215, %swap3A_216] {strides = array<i32>} : memref<16x128xf32, #tpu.memory_space<vmem>>, vector<1x16xf32>,
      %swap3A_218 = vector.shape_cast %swap3A_217 : vector<1x16xf32> to vector<16xf32>
      %swap3A_219 = vector.shape_cast %broadcast_in_dim3A_214 : vector<16xf32> to vector<1x16xf32>
      tpu.vector_store %arg11[%swap3A_215, %swap3A_216], %swap3A_219 {strides = array<i32>} : memref<16x128xf32, #tpu.memory_space<vmem>>, vector<1x16xf32>,
      %broadcast_in_dim3A_220 = arith.constant 0.000000e+00 : f32
      %broadcast_in_dim3A_221 = vector.broadcast %broadcast_in_dim3A_220 : f32 to vector<16xf32>
      %swap3A_222 = arith.index_cast %scan3A_171 : i32 to index
      %swap3A_223 = arith.constant 112 : index
      %swap3A_224 = tpu.vector_load %arg11[%swap3A_222, %swap3A_223] {strides = array<i32>} : memref<16x128xf32, #tpu.memory_space<vmem>>, vector<1x16xf32>,
      %swap3A_225 = vector.shape_cast %swap3A_224 : vector<1x16xf32> to vector<16xf32>
      %swap3A_226 = vector.shape_cast %broadcast_in_dim3A_221 : vector<16xf32> to vector<1x16xf32>
      tpu.vector_store %arg11[%swap3A_222, %swap3A_223], %swap3A_226 {strides = array<i32>} : memref<16x128xf32, #tpu.memory_space<vmem>>, vector<1x16xf32>,
      %scan3A_227 = arith.constant 0 : i32
      scf.yield %scan3A_227 : i32
    }
    %scan3A_6 = arith.constant 16 : i32
    %scan3A_7 = arith.constant 0 : i32
    %scan3A_8 = arith.constant 0 : i32
    %scan3A_9 = arith.constant 40 : i32
    %scan3A_10 = arith.addi %scan3A_8, %scan3A_9 : i32
    %scan3A_11 = arith.constant 1 : i32
    %scan3A_12 = scf.for %scan3A_171 = %scan3A_8 to %scan3A_10 step %scan3A_11 iter_args(%scan3A_172 = %scan3A_7) -> (i32)  : i32 {
      %broadcast_in_dim3A = arith.constant 0.000000e+00 : f32
      %broadcast_in_dim3A_173 = vector.broadcast %broadcast_in_dim3A : f32 to vector<16xf32>
      %mul3A_174 = arith.constant 16 : i32
      %mul3A_175 = arith.muli %scan3A_171, %mul3A_174 : i32
      %swap3A = arith.index_cast %mul3A_175 : i32 to index
      %swap3A_176 = tpu.vector_load %arg20[%swap3A] {strides = array<i32>} : memref<640xf32, #tpu.memory_space<vmem>>, vector<16xf32>,
      %swap3A_177 = vector.shape_cast %swap3A_176 : vector<16xf32> to vector<16xf32>
      %swap3A_178 = vector.shape_cast %broadcast_in_dim3A_173 : vector<16xf32> to vector<16xf32>
      tpu.vector_store %arg20[%swap3A], %swap3A_178 {strides = array<i32>} : memref<640xf32, #tpu.memory_space<vmem>>, vector<16xf32>,
      %scan3A_179 = arith.constant 0 : i32
      scf.yield %scan3A_179 : i32
    }
    %scan3A_13 = arith.constant 40 : i32
    %scan3A_14 = arith.constant 0 : i32
    %scan3A_15 = arith.constant 0 : i32
    %scan3A_16 = arith.constant 8 : i32
    %scan3A_17 = arith.addi %scan3A_15, %scan3A_16 : i32
    %scan3A_18 = arith.constant 1 : i32
    %scan3A_19 = scf.for %scan3A_171 = %scan3A_15 to %scan3A_17 step %scan3A_18 iter_args(%scan3A_172 = %scan3A_14) -> (i32)  : i32 {
      %broadcast_in_dim3A = arith.constant 1.000000e+00 : f32
      %broadcast_in_dim3A_173 = vector.broadcast %broadcast_in_dim3A : f32 to vector<16xf32>
      %mul3A_174 = arith.constant 16 : i32
      %mul3A_175 = arith.muli %scan3A_171, %mul3A_174 : i32
      %swap3A = arith.index_cast %mul3A_175 : i32 to index
      %swap3A_176 = tpu.vector_load %arg19[%swap3A] {strides = array<i32>} : memref<128xf32, #tpu.memory_space<vmem>>, vector<16xf32>,
      %swap3A_177 = vector.shape_cast %swap3A_176 : vector<16xf32> to vector<16xf32>
      %swap3A_178 = vector.shape_cast %broadcast_in_dim3A_173 : vector<16xf32> to vector<16xf32>
      tpu.vector_store %arg19[%swap3A], %swap3A_178 {strides = array<i32>} : memref<128xf32, #tpu.memory_space<vmem>>, vector<16xf32>,
      %scan3A_179 = arith.constant 0 : i32
      scf.yield %scan3A_179 : i32
    }
    %scan3A_20 = arith.constant 8 : i32
    %eq3A = arith.constant 15 : i32
    %eq3A_21 = arith.cmpi eq, %arg1, %eq3A : i32
    %jit3A = arith.constant 1 : i32
    %jit3A_22 = arith.constant 0 : i32
    %select_n3A = arith.select %eq3A_21, %jit3A, %jit3A_22 : i32
    %add3A_23 = arith.constant 39 : i32
    %add3A_24 = arith.addi %add3A_23, %select_n3A : i32
    %while3A = arith.constant 0 : i32
    %while3A_25 = arith.constant 0 : i32
    %while3A_26 = arith.subi %add3A_24, %while3A : i32
    %while3A_27 = arith.addi %while3A, %while3A_26 : i32
    %while3A_28 = arith.constant 1 : i32
    %while3A_29 = arith.divsi %while3A_26, %while3A_28 : i32
    %while3A_30 = arith.muli %while3A_29, %while3A_28 : i32
    %while3A_31 = arith.addi %while3A, %while3A_30 : i32
    %while3A_32 = arith.constant 1 : i32
    %while3A_33 = scf.for %while3A_171 = %while3A to %while3A_31 step %while3A_32 iter_args(%while3A_172 = %while3A_25) -> (i32)  : i32 {
      %mul3A_173 = arith.constant 624 : i32
      %mul3A_174 = arith.muli %arg1, %mul3A_173 : i32
      %mul3A_175 = arith.constant 16 : i32
      %mul3A_176 = arith.muli %while3A_171, %mul3A_175 : i32
      %add3A_177 = arith.addi %mul3A_174, %mul3A_176 : i32
      "tpu.region"() ({
        %run_scoped3A = tpu.sem_alloc : memref<!tpu.dma_semaphore, #tpu.memory_space<semaphore_mem>>
        %dma_start3A_179 = arith.constant 0 : i32
        %dma_start3A_180 = tpu.memref_slice %arg12[%add3A_177, %dma_start3A_179] : memref<10000x128xf32, #tpu.memory_space<vmem_shared>> -> memref<16x128xf32, #tpu.memory_space<vmem_shared>>
        %dma_start3A_181 = arith.constant 0 : i32
        %dma_start3A_182 = tpu.memref_slice %arg12[%add3A_177, %dma_start3A_181] : memref<10000x128xf32, #tpu.memory_space<vmem_shared>> -> memref<16x128xf32, #tpu.memory_space<vmem_shared>>
        tpu.enqueue_dma source(%arg11 : memref<16x128xf32, #tpu.memory_space<vmem>>) target(%dma_start3A_182 : memref<16x128xf32, #tpu.memory_space<vmem_shared>>) target_semaphore(%run_scoped3A : memref<!tpu.dma_semaphore, #tpu.memory_space<semaphore_mem>>)
        %dma_wait3A_183 = arith.constant 0 : i32
        %dma_wait3A_184 = tpu.memref_slice %arg12[%add3A_177, %dma_wait3A_183] : memref<10000x128xf32, #tpu.memory_space<vmem_shared>> -> memref<16x128xf32, #tpu.memory_space<vmem_shared>>
        %dma_wait3A_185 = arith.constant 0 : i32
        %dma_wait3A_186 = tpu.memref_slice %arg12[%add3A_177, %dma_wait3A_185] : memref<10000x128xf32, #tpu.memory_space<vmem_shared>> -> memref<16x128xf32, #tpu.memory_space<vmem_shared>>
        tpu.wait_dma2 semaphore(%run_scoped3A : memref<!tpu.dma_semaphore, #tpu.memory_space<semaphore_mem>>) src(%arg11 : memref<16x128xf32, #tpu.memory_space<vmem>>) dst(%dma_wait3A_186 : memref<16x128xf32, #tpu.memory_space<vmem_shared>>)
        tpu.yield
      }) : () -> ()
      %while3A_178 = arith.constant 0 : i32
      scf.yield %while3A_178 : i32
    }
    %while3A_34 = arith.constant 1 : i32
    %while3A_35 = scf.for %while3A_171 = %while3A_31 to %while3A_27 step %while3A_34 iter_args(%while3A_172 = %while3A_33) -> (i32)  : i32 {
      %mul3A_173 = arith.constant 624 : i32
      %mul3A_174 = arith.muli %arg1, %mul3A_173 : i32
      %mul3A_175 = arith.constant 16 : i32
      %mul3A_176 = arith.muli %while3A_171, %mul3A_175 : i32
      %add3A_177 = arith.addi %mul3A_174, %mul3A_176 : i32
      "tpu.region"() ({
        %run_scoped3A = tpu.sem_alloc : memref<!tpu.dma_semaphore, #tpu.memory_space<semaphore_mem>>
        %dma_start3A_179 = arith.constant 0 : i32
        %dma_start3A_180 = tpu.memref_slice %arg12[%add3A_177, %dma_start3A_179] : memref<10000x128xf32, #tpu.memory_space<vmem_shared>> -> memref<16x128xf32, #tpu.memory_space<vmem_shared>>
        %dma_start3A_181 = arith.constant 0 : i32
        %dma_start3A_182 = tpu.memref_slice %arg12[%add3A_177, %dma_start3A_181] : memref<10000x128xf32, #tpu.memory_space<vmem_shared>> -> memref<16x128xf32, #tpu.memory_space<vmem_shared>>
        tpu.enqueue_dma source(%arg11 : memref<16x128xf32, #tpu.memory_space<vmem>>) target(%dma_start3A_182 : memref<16x128xf32, #tpu.memory_space<vmem_shared>>) target_semaphore(%run_scoped3A : memref<!tpu.dma_semaphore, #tpu.memory_space<semaphore_mem>>)
        %dma_wait3A_183 = arith.constant 0 : i32
        %dma_wait3A_184 = tpu.memref_slice %arg12[%add3A_177, %dma_wait3A_183] : memref<10000x128xf32, #tpu.memory_space<vmem_shared>> -> memref<16x128xf32, #tpu.memory_space<vmem_shared>>
        %dma_wait3A_185 = arith.constant 0 : i32
        %dma_wait3A_186 = tpu.memref_slice %arg12[%add3A_177, %dma_wait3A_185] : memref<10000x128xf32, #tpu.memory_space<vmem_shared>> -> memref<16x128xf32, #tpu.memory_space<vmem_shared>>
        tpu.wait_dma2 semaphore(%run_scoped3A : memref<!tpu.dma_semaphore, #tpu.memory_space<semaphore_mem>>) src(%arg11 : memref<16x128xf32, #tpu.memory_space<vmem>>) dst(%dma_wait3A_186 : memref<16x128xf32, #tpu.memory_space<vmem_shared>>)
        tpu.yield
      }) : () -> ()
      %while3A_178 = arith.constant 0 : i32
      scf.yield %while3A_178 : i32
    }
    %mul3A_36 = arith.constant 640 : i32
    %mul3A_37 = arith.muli %arg1, %mul3A_36 : i32
    "tpu.region"() ({
      %run_scoped3A = tpu.sem_alloc : memref<!tpu.dma_semaphore, #tpu.memory_space<semaphore_mem>>
      %dma_start3A_171 = tpu.memref_slice %arg21[%mul3A_37] : memref<10240xf32, #tpu.memory_space<vmem_shared>> -> memref<640xf32, #tpu.memory_space<vmem_shared>>
      %dma_start3A_172 = tpu.memref_slice %arg21[%mul3A_37] : memref<10240xf32, #tpu.memory_space<vmem_shared>> -> memref<640xf32, #tpu.memory_space<vmem_shared>>
      tpu.enqueue_dma source(%arg20 : memref<640xf32, #tpu.memory_space<vmem>>) target(%dma_start3A_172 : memref<640xf32, #tpu.memory_space<vmem_shared>>) target_semaphore(%run_scoped3A : memref<!tpu.dma_semaphore, #tpu.memory_space<semaphore_mem>>)
      %dma_wait3A_173 = tpu.memref_slice %arg21[%mul3A_37] : memref<10240xf32, #tpu.memory_space<vmem_shared>> -> memref<640xf32, #tpu.memory_space<vmem_shared>>
      %dma_wait3A_174 = tpu.memref_slice %arg21[%mul3A_37] : memref<10240xf32, #tpu.memory_space<vmem_shared>> -> memref<640xf32, #tpu.memory_space<vmem_shared>>
      tpu.wait_dma2 semaphore(%run_scoped3A : memref<!tpu.dma_semaphore, #tpu.memory_space<semaphore_mem>>) src(%arg20 : memref<640xf32, #tpu.memory_space<vmem>>) dst(%dma_wait3A_174 : memref<640xf32, #tpu.memory_space<vmem_shared>>)
      tpu.yield
    }) : () -> ()
    %barrier3A = arith.constant 0 : index
    tpu.barrier barrier_id(%barrier3A)
    %lt3A = arith.constant 4 : i32
    %lt3A_38 = arith.cmpi slt, %add3A, %lt3A : i32
    %jit3A_39 = arith.constant 1 : i32
    %jit3A_40 = arith.constant 0 : i32
    %select_n3A_41 = arith.select %lt3A_38, %jit3A_39, %jit3A_40 : i32
    %add3A_42 = arith.constant 78 : i32
    %add3A_43 = arith.addi %add3A_42, %select_n3A_41 : i32
    %mul3A_44 = arith.constant 78 : i32
    %mul3A_45 = arith.muli %add3A, %mul3A_44 : i32
    %min3A = arith.constant 4 : i32
    %min3A_46 = arith.minsi %add3A, %min3A : i32
    %add3A_47 = arith.addi %mul3A_45, %min3A_46 : i32
    %add3A_48 = arith.constant 0 : i32
    %add3A_49 = arith.addi %add3A_47, %add3A_48 : i32
    %mul3A_50 = arith.constant 128 : i32
    %mul3A_51 = arith.muli %add3A_49, %mul3A_50 : i32
    %dma_start3A = arith.constant 0 : i32
    %dma_start3A_52 = arith.constant 0 : i32
    %dma_start3A_53 = tpu.memref_slice %arg7[%dma_start3A, %dma_start3A_52] : memref<2x128xi32, #tpu.memory_space<vmem>> -> memref<1x128xi32, #tpu.memory_space<vmem>>
    %dma_start3A_54 = tpu.memref_squeeze %dma_start3A_53 : memref<1x128xi32, #tpu.memory_space<vmem>> -> memref<128xi32, #tpu.memory_space<vmem>>
    %dma_start3A_55 = tpu.memref_slice %arg3[%mul3A_51] : memref<321024xi32, #tpu.memory_space<hbm>> -> memref<128xi32, #tpu.memory_space<hbm>>
    %dma_start3A_56 = arith.constant 0 : i32
    %dma_start3A_57 = tpu.memref_slice %arg7[%dma_start3A, %dma_start3A_56] : memref<2x128xi32, #tpu.memory_space<vmem>> -> memref<1x128xi32, #tpu.memory_space<vmem>>
    %dma_start3A_58 = tpu.memref_squeeze %dma_start3A_57 : memref<1x128xi32, #tpu.memory_space<vmem>> -> memref<128xi32, #tpu.memory_space<vmem>>
    %dma_start3A_59 = tpu.memref_slice %arg3[%mul3A_51] : memref<321024xi32, #tpu.memory_space<hbm>> -> memref<128xi32, #tpu.memory_space<hbm>>
    tpu.enqueue_dma source(%dma_start3A_59 : memref<128xi32, #tpu.memory_space<hbm>>) target(%dma_start3A_58 : memref<128xi32, #tpu.memory_space<vmem>>) target_semaphore(%arg13 : memref<!tpu.dma_semaphore, #tpu.memory_space<semaphore_mem>>)
    %add3A_60 = arith.constant 0 : i32
    %add3A_61 = arith.addi %add3A_47, %add3A_60 : i32
    %mul3A_62 = arith.constant 128 : i32
    %mul3A_63 = arith.muli %add3A_61, %mul3A_62 : i32
    %dma_start3A_64 = arith.constant 0 : i32
    %dma_start3A_65 = arith.constant 0 : i32
    %dma_start3A_66 = tpu.memref_slice %arg8[%dma_start3A_64, %dma_start3A_65] : memref<2x128xi32, #tpu.memory_space<vmem>> -> memref<1x128xi32, #tpu.memory_space<vmem>>
    %dma_start3A_67 = tpu.memref_squeeze %dma_start3A_66 : memref<1x128xi32, #tpu.memory_space<vmem>> -> memref<128xi32, #tpu.memory_space<vmem>>
    %dma_start3A_68 = tpu.memref_slice %arg4[%mul3A_63] : memref<321024xi32, #tpu.memory_space<hbm>> -> memref<128xi32, #tpu.memory_space<hbm>>
    %dma_start3A_69 = arith.constant 0 : i32
    %dma_start3A_70 = tpu.memref_slice %arg8[%dma_start3A_64, %dma_start3A_69] : memref<2x128xi32, #tpu.memory_space<vmem>> -> memref<1x128xi32, #tpu.memory_space<vmem>>
    %dma_start3A_71 = tpu.memref_squeeze %dma_start3A_70 : memref<1x128xi32, #tpu.memory_space<vmem>> -> memref<128xi32, #tpu.memory_space<vmem>>
    %dma_start3A_72 = tpu.memref_slice %arg4[%mul3A_63] : memref<321024xi32, #tpu.memory_space<hbm>> -> memref<128xi32, #tpu.memory_space<hbm>>
    tpu.enqueue_dma source(%dma_start3A_72 : memref<128xi32, #tpu.memory_space<hbm>>) target(%dma_start3A_71 : memref<128xi32, #tpu.memory_space<vmem>>) target_semaphore(%arg15 : memref<!tpu.dma_semaphore, #tpu.memory_space<semaphore_mem>>)
    %add3A_73 = arith.constant 1 : i32
    %add3A_74 = arith.addi %add3A_47, %add3A_73 : i32
    %mul3A_75 = arith.constant 128 : i32
    %mul3A_76 = arith.muli %add3A_74, %mul3A_75 : i32
    %dma_start3A_77 = arith.constant 1 : i32
    %dma_start3A_78 = arith.constant 0 : i32
    %dma_start3A_79 = tpu.memref_slice %arg7[%dma_start3A_77, %dma_start3A_78] : memref<2x128xi32, #tpu.memory_space<vmem>> -> memref<1x128xi32, #tpu.memory_space<vmem>>
    %dma_start3A_80 = tpu.memref_squeeze %dma_start3A_79 : memref<1x128xi32, #tpu.memory_space<vmem>> -> memref<128xi32, #tpu.memory_space<vmem>>
    %dma_start3A_81 = tpu.memref_slice %arg3[%mul3A_76] : memref<321024xi32, #tpu.memory_space<hbm>> -> memref<128xi32, #tpu.memory_space<hbm>>
    %dma_start3A_82 = arith.constant 0 : i32
    %dma_start3A_83 = tpu.memref_slice %arg7[%dma_start3A_77, %dma_start3A_82] : memref<2x128xi32, #tpu.memory_space<vmem>> -> memref<1x128xi32, #tpu.memory_space<vmem>>
    %dma_start3A_84 = tpu.memref_squeeze %dma_start3A_83 : memref<1x128xi32, #tpu.memory_space<vmem>> -> memref<128xi32, #tpu.memory_space<vmem>>
    %dma_start3A_85 = tpu.memref_slice %arg3[%mul3A_76] : memref<321024xi32, #tpu.memory_space<hbm>> -> memref<128xi32, #tpu.memory_space<hbm>>
    tpu.enqueue_dma source(%dma_start3A_85 : memref<128xi32, #tpu.memory_space<hbm>>) target(%dma_start3A_84 : memref<128xi32, #tpu.memory_space<vmem>>) target_semaphore(%arg14 : memref<!tpu.dma_semaphore, #tpu.memory_space<semaphore_mem>>)
    %add3A_86 = arith.constant 1 : i32
    %add3A_87 = arith.addi %add3A_47, %add3A_86 : i32
    %mul3A_88 = arith.constant 128 : i32
    %mul3A_89 = arith.muli %add3A_87, %mul3A_88 : i32
    %dma_start3A_90 = arith.constant 1 : i32
    %dma_start3A_91 = arith.constant 0 : i32
    %dma_start3A_92 = tpu.memref_slice %arg8[%dma_start3A_90, %dma_start3A_91] : memref<2x128xi32, #tpu.memory_space<vmem>> -> memref<1x128xi32, #tpu.memory_space<vmem>>
    %dma_start3A_93 = tpu.memref_squeeze %dma_start3A_92 : memref<1x128xi32, #tpu.memory_space<vmem>> -> memref<128xi32, #tpu.memory_space<vmem>>
    %dma_start3A_94 = tpu.memref_slice %arg4[%mul3A_89] : memref<321024xi32, #tpu.memory_space<hbm>> -> memref<128xi32, #tpu.memory_space<hbm>>
    %dma_start3A_95 = arith.constant 0 : i32
    %dma_start3A_96 = tpu.memref_slice %arg8[%dma_start3A_90, %dma_start3A_95] : memref<2x128xi32, #tpu.memory_space<vmem>> -> memref<1x128xi32, #tpu.memory_space<vmem>>
    %dma_start3A_97 = tpu.memref_squeeze %dma_start3A_96 : memref<1x128xi32, #tpu.memory_space<vmem>> -> memref<128xi32, #tpu.memory_space<vmem>>
    %dma_start3A_98 = tpu.memref_slice %arg4[%mul3A_89] : memref<321024xi32, #tpu.memory_space<hbm>> -> memref<128xi32, #tpu.memory_space<hbm>>
    tpu.enqueue_dma source(%dma_start3A_98 : memref<128xi32, #tpu.memory_space<hbm>>) target(%dma_start3A_97 : memref<128xi32, #tpu.memory_space<vmem>>) target_semaphore(%arg16 : memref<!tpu.dma_semaphore, #tpu.memory_space<semaphore_mem>>)
    %dma_wait3A = arith.constant 0 : i32
    %dma_wait3A_99 = arith.constant 0 : i32
    %dma_wait3A_100 = tpu.memref_slice %arg7[%dma_wait3A, %dma_wait3A_99] : memref<2x128xi32, #tpu.memory_space<vmem>> -> memref<1x128xi32, #tpu.memory_space<vmem>>
    %dma_wait3A_101 = tpu.memref_squeeze %dma_wait3A_100 : memref<1x128xi32, #tpu.memory_space<vmem>> -> memref<128xi32, #tpu.memory_space<vmem>>
    %dma_wait3A_102 = arith.constant 0 : i32
    %dma_wait3A_103 = tpu.memref_slice %arg3[%dma_wait3A_102] : memref<321024xi32, #tpu.memory_space<hbm>> -> memref<128xi32, #tpu.memory_space<hbm>>
    %dma_wait3A_104 = arith.constant 0 : i32
    %dma_wait3A_105 = tpu.memref_slice %arg7[%dma_wait3A, %dma_wait3A_104] : memref<2x128xi32, #tpu.memory_space<vmem>> -> memref<1x128xi32, #tpu.memory_space<vmem>>
    %dma_wait3A_106 = tpu.memref_squeeze %dma_wait3A_105 : memref<1x128xi32, #tpu.memory_space<vmem>> -> memref<128xi32, #tpu.memory_space<vmem>>
    %dma_wait3A_107 = arith.constant 0 : i32
    %dma_wait3A_108 = tpu.memref_slice %arg3[%dma_wait3A_107] : memref<321024xi32, #tpu.memory_space<hbm>> -> memref<128xi32, #tpu.memory_space<hbm>>
    tpu.wait_dma2 semaphore(%arg13 : memref<!tpu.dma_semaphore, #tpu.memory_space<semaphore_mem>>) src(%dma_wait3A_108 : memref<128xi32, #tpu.memory_space<hbm>>) dst(%dma_wait3A_106 : memref<128xi32, #tpu.memory_space<vmem>>)
    %dma_wait3A_109 = arith.constant 0 : i32
    %dma_wait3A_110 = arith.constant 0 : i32
    %dma_wait3A_111 = tpu.memref_slice %arg8[%dma_wait3A_109, %dma_wait3A_110] : memref<2x128xi32, #tpu.memory_space<vmem>> -> memref<1x128xi32, #tpu.memory_space<vmem>>
    %dma_wait3A_112 = tpu.memref_squeeze %dma_wait3A_111 : memref<1x128xi32, #tpu.memory_space<vmem>> -> memref<128xi32, #tpu.memory_space<vmem>>
    %dma_wait3A_113 = arith.constant 0 : i32
    %dma_wait3A_114 = tpu.memref_slice %arg4[%dma_wait3A_113] : memref<321024xi32, #tpu.memory_space<hbm>> -> memref<128xi32, #tpu.memory_space<hbm>>
    %dma_wait3A_115 = arith.constant 0 : i32
    %dma_wait3A_116 = tpu.memref_slice %arg8[%dma_wait3A_109, %dma_wait3A_115] : memref<2x128xi32, #tpu.memory_space<vmem>> -> memref<1x128xi32, #tpu.memory_space<vmem>>
    %dma_wait3A_117 = tpu.memref_squeeze %dma_wait3A_116 : memref<1x128xi32, #tpu.memory_space<vmem>> -> memref<128xi32, #tpu.memory_space<vmem>>
    %dma_wait3A_118 = arith.constant 0 : i32
    %dma_wait3A_119 = tpu.memref_slice %arg4[%dma_wait3A_118] : memref<321024xi32, #tpu.memory_space<hbm>> -> memref<128xi32, #tpu.memory_space<hbm>>
    tpu.wait_dma2 semaphore(%arg15 : memref<!tpu.dma_semaphore, #tpu.memory_space<semaphore_mem>>) src(%dma_wait3A_119 : memref<128xi32, #tpu.memory_space<hbm>>) dst(%dma_wait3A_117 : memref<128xi32, #tpu.memory_space<vmem>>)
    %dma_start3A_120 = arith.constant 0 : i32
    %dma_start3A_121 = arith.constant 0 : i32
    %dma_start3A_122 = tpu.memref_slice %arg7[%dma_start3A_120, %dma_start3A_121] : memref<2x128xi32, #tpu.memory_space<vmem>> -> memref<1x128xi32, #tpu.memory_space<vmem>>
    %dma_start3A_123 = tpu.memref_squeeze %dma_start3A_122 : memref<1x128xi32, #tpu.memory_space<vmem>> -> memref<128xi32, #tpu.memory_space<vmem>>
    %dma_start3A_124 = arith.constant 0 : i32
    %dma_start3A_125 = arith.constant 0 : i32
    %dma_start3A_126 = tpu.memref_slice %arg2[%dma_start3A_124, %dma_start3A_125] : memref<10000x128xf32, #tpu.memory_space<hbm>> -> memref<10000x128xf32, #tpu.memory_space<hbm>>
    tpu.enqueue_indirect_dma source(%dma_start3A_126 : memref<10000x128xf32, #tpu.memory_space<hbm>>) target(%arg9 : memref<128x128xf32, #tpu.memory_space<vmem>>) offsets(%dma_start3A_123 : memref<128xi32, #tpu.memory_space<vmem>>) semaphore(%arg17 : memref<!tpu.dma_semaphore, #tpu.memory_space<semaphore_mem>>)
    %scan3A_127 = arith.constant 0 : i32
    %scan3A_128 = arith.constant 0 : i32
    %scan3A_129 = arith.constant 40 : i32
    %scan3A_130 = arith.addi %scan3A_128, %scan3A_129 : i32
    %scan3A_131 = arith.constant 1 : i32
    %scan3A_132 = scf.for %scan3A_171 = %scan3A_128 to %scan3A_130 step %scan3A_131 iter_args(%scan3A_172 = %scan3A_127) -> (i32)  : i32 {
      %mul3A_173 = arith.constant 2 : i32
      %mul3A_174 = arith.muli %mul3A_173, %scan3A_171 : i32
      %add3A_175 = arith.constant 0 : i32
      %add3A_176 = arith.addi %mul3A_174, %add3A_175 : i32
      %dma_wait3A_177 = arith.constant 1 : i32
      %dma_wait3A_178 = arith.constant 0 : i32
      %dma_wait3A_179 = tpu.memref_slice %arg7[%dma_wait3A_177, %dma_wait3A_178] : memref<2x128xi32, #tpu.memory_space<vmem>> -> memref<1x128xi32, #tpu.memory_space<vmem>>
      %dma_wait3A_180 = tpu.memref_squeeze %dma_wait3A_179 : memref<1x128xi32, #tpu.memory_space<vmem>> -> memref<128xi32, #tpu.memory_space<vmem>>
      %dma_wait3A_181 = arith.constant 0 : i32
      %dma_wait3A_182 = tpu.memref_slice %arg3[%dma_wait3A_181] : memref<321024xi32, #tpu.memory_space<hbm>> -> memref<128xi32, #tpu.memory_space<hbm>>
      %dma_wait3A_183 = arith.constant 0 : i32
      %dma_wait3A_184 = tpu.memref_slice %arg7[%dma_wait3A_177, %dma_wait3A_183] : memref<2x128xi32, #tpu.memory_space<vmem>> -> memref<1x128xi32, #tpu.memory_space<vmem>>
      %dma_wait3A_185 = tpu.memref_squeeze %dma_wait3A_184 : memref<1x128xi32, #tpu.memory_space<vmem>> -> memref<128xi32, #tpu.memory_space<vmem>>
      %dma_wait3A_186 = arith.constant 0 : i32
      %dma_wait3A_187 = tpu.memref_slice %arg3[%dma_wait3A_186] : memref<321024xi32, #tpu.memory_space<hbm>> -> memref<128xi32, #tpu.memory_space<hbm>>
      tpu.wait_dma2 semaphore(%arg14 : memref<!tpu.dma_semaphore, #tpu.memory_space<semaphore_mem>>) src(%dma_wait3A_187 : memref<128xi32, #tpu.memory_space<hbm>>) dst(%dma_wait3A_185 : memref<128xi32, #tpu.memory_space<vmem>>)
      %dma_wait3A_188 = arith.constant 1 : i32
      %dma_wait3A_189 = arith.constant 0 : i32
      %dma_wait3A_190 = tpu.memref_slice %arg8[%dma_wait3A_188, %dma_wait3A_189] : memref<2x128xi32, #tpu.memory_space<vmem>> -> memref<1x128xi32, #tpu.memory_space<vmem>>
      %dma_wait3A_191 = tpu.memref_squeeze %dma_wait3A_190 : memref<1x128xi32, #tpu.memory_space<vmem>> -> memref<128xi32, #tpu.memory_space<vmem>>
      %dma_wait3A_192 = arith.constant 0 : i32
      %dma_wait3A_193 = tpu.memref_slice %arg4[%dma_wait3A_192] : memref<321024xi32, #tpu.memory_space<hbm>> -> memref<128xi32, #tpu.memory_space<hbm>>
      %dma_wait3A_194 = arith.constant 0 : i32
      %dma_wait3A_195 = tpu.memref_slice %arg8[%dma_wait3A_188, %dma_wait3A_194] : memref<2x128xi32, #tpu.memory_space<vmem>> -> memref<1x128xi32, #tpu.memory_space<vmem>>
      %dma_wait3A_196 = tpu.memref_squeeze %dma_wait3A_195 : memref<1x128xi32, #tpu.memory_space<vmem>> -> memref<128xi32, #tpu.memory_space<vmem>>
      %dma_wait3A_197 = arith.constant 0 : i32
      %dma_wait3A_198 = tpu.memref_slice %arg4[%dma_wait3A_197] : memref<321024xi32, #tpu.memory_space<hbm>> -> memref<128xi32, #tpu.memory_space<hbm>>
      tpu.wait_dma2 semaphore(%arg16 : memref<!tpu.dma_semaphore, #tpu.memory_space<semaphore_mem>>) src(%dma_wait3A_198 : memref<128xi32, #tpu.memory_space<hbm>>) dst(%dma_wait3A_196 : memref<128xi32, #tpu.memory_space<vmem>>)
      %dma_start3A_199 = arith.constant 1 : i32
      %dma_start3A_200 = arith.constant 0 : i32
      %dma_start3A_201 = tpu.memref_slice %arg7[%dma_start3A_199, %dma_start3A_200] : memref<2x128xi32, #tpu.memory_space<vmem>> -> memref<1x128xi32, #tpu.memory_space<vmem>>
      %dma_start3A_202 = tpu.memref_squeeze %dma_start3A_201 : memref<1x128xi32, #tpu.memory_space<vmem>> -> memref<128xi32, #tpu.memory_space<vmem>>
      %dma_start3A_203 = arith.constant 0 : i32
      %dma_start3A_204 = arith.constant 0 : i32
      %dma_start3A_205 = tpu.memref_slice %arg2[%dma_start3A_203, %dma_start3A_204] : memref<10000x128xf32, #tpu.memory_space<hbm>> -> memref<10000x128xf32, #tpu.memory_space<hbm>>
      tpu.enqueue_indirect_dma source(%dma_start3A_205 : memref<10000x128xf32, #tpu.memory_space<hbm>>) target(%arg10 : memref<128x128xf32, #tpu.memory_space<vmem>>) offsets(%dma_start3A_202 : memref<128xi32, #tpu.memory_space<vmem>>) semaphore(%arg18 : memref<!tpu.dma_semaphore, #tpu.memory_space<semaphore_mem>>)
      %lt3A_206 = arith.cmpi slt, %add3A_176, %add3A_43 : i32
      %convert_element_type3A_207 = arith.extui %lt3A_206 : i1 to i32
      %cond3A_208 = arith.constant 0 : i32
      %cond3A_209 = arith.cmpi ne, %convert_element_type3A_207, %cond3A_208 : i32
      scf.if %cond3A_209 {
        %dma_start3A_330 = arith.constant 0 : i32
        %dma_start3A_331 = arith.constant 0 : i32
        %dma_start3A_332 = tpu.memref_slice %arg8[%dma_start3A_330, %dma_start3A_331] : memref<2x128xi32, #tpu.memory_space<vmem>> -> memref<1x128xi32, #tpu.memory_space<vmem>>
        %dma_start3A_333 = tpu.memref_squeeze %dma_start3A_332 : memref<1x128xi32, #tpu.memory_space<vmem>> -> memref<128xi32, #tpu.memory_space<vmem>>
        %dma_start3A_334 = arith.constant 0 : i32
        %dma_start3A_335 = tpu.memref_slice %arg21[%dma_start3A_334] : memref<10240xf32, #tpu.memory_space<vmem_shared>> -> memref<10240xf32, #tpu.memory_space<vmem_shared>>
        tpu.enqueue_indirect_dma source(%arg19 : memref<128xf32, #tpu.memory_space<vmem>>) target(%dma_start3A_335 : memref<10240xf32, #tpu.memory_space<vmem_shared>>) offsets(%dma_start3A_333 : memref<128xi32, #tpu.memory_space<vmem>>) semaphore(%arg22 : memref<!tpu.dma_semaphore, #tpu.memory_space<semaphore_mem>>) {add = true}
      } else {
      }
      %dma_wait3A_210 = arith.constant 0 : i32
      %dma_wait3A_211 = arith.constant 0 : i32
      %dma_wait3A_212 = tpu.memref_slice %arg7[%dma_wait3A_210, %dma_wait3A_211] : memref<2x128xi32, #tpu.memory_space<vmem>> -> memref<1x128xi32, #tpu.memory_space<vmem>>
      %dma_wait3A_213 = tpu.memref_squeeze %dma_wait3A_212 : memref<1x128xi32, #tpu.memory_space<vmem>> -> memref<128xi32, #tpu.memory_space<vmem>>
      %dma_wait3A_214 = arith.constant 0 : i32
      %dma_wait3A_215 = arith.constant 0 : i32
      %dma_wait3A_216 = tpu.memref_slice %arg2[%dma_wait3A_214, %dma_wait3A_215] : memref<10000x128xf32, #tpu.memory_space<hbm>> -> memref<10000x128xf32, #tpu.memory_space<hbm>>
      tpu.wait_indirect_dma semaphore(%arg17 : memref<!tpu.dma_semaphore, #tpu.memory_space<semaphore_mem>>) src(%dma_wait3A_216 : memref<10000x128xf32, #tpu.memory_space<hbm>>) dst(%arg9 : memref<128x128xf32, #tpu.memory_space<vmem>>)
      %lt3A_217 = arith.cmpi slt, %add3A_176, %add3A_43 : i32
      %convert_element_type3A_218 = arith.extui %lt3A_217 : i1 to i32
      %cond3A_219 = arith.constant 0 : i32
      %cond3A_220 = arith.cmpi ne, %convert_element_type3A_218, %cond3A_219 : i32
      scf.if %cond3A_220 {
        %dma_wait3A_330 = arith.constant 0 : i32
        %dma_wait3A_331 = arith.constant 0 : i32
        %dma_wait3A_332 = tpu.memref_slice %arg8[%dma_wait3A_330, %dma_wait3A_331] : memref<2x128xi32, #tpu.memory_space<vmem>> -> memref<1x128xi32, #tpu.memory_space<vmem>>
        %dma_wait3A_333 = tpu.memref_squeeze %dma_wait3A_332 : memref<1x128xi32, #tpu.memory_space<vmem>> -> memref<128xi32, #tpu.memory_space<vmem>>
        %dma_wait3A_334 = arith.constant 0 : i32
        %dma_wait3A_335 = tpu.memref_slice %arg21[%dma_wait3A_334] : memref<10240xf32, #tpu.memory_space<vmem_shared>> -> memref<10240xf32, #tpu.memory_space<vmem_shared>>
        tpu.wait_indirect_dma semaphore(%arg22 : memref<!tpu.dma_semaphore, #tpu.memory_space<semaphore_mem>>) src(%arg19 : memref<128xf32, #tpu.memory_space<vmem>>) dst(%dma_wait3A_335 : memref<10240xf32, #tpu.memory_space<vmem_shared>>)
      } else {
      }
      %lt3A_221 = arith.cmpi slt, %add3A_176, %add3A_43 : i32
      %convert_element_type3A_222 = arith.extui %lt3A_221 : i1 to i32
      %cond3A_223 = arith.constant 0 : i32
      %cond3A_224 = arith.cmpi ne, %convert_element_type3A_222, %cond3A_223 : i32
      scf.if %cond3A_224 {
        %run_scoped3A = arith.constant 0 : i32
        "tpu.region"() ({
          %run_scoped3A_330 = tpu.sem_alloc : memref<!tpu.dma_semaphore, #tpu.memory_space<semaphore_mem>>
          %dma_start3A_331 = arith.constant 0 : i32
          %dma_start3A_332 = tpu.memref_slice %arg8[%run_scoped3A, %dma_start3A_331] : memref<2x128xi32, #tpu.memory_space<vmem>> -> memref<1x128xi32, #tpu.memory_space<vmem>>
          %dma_start3A_333 = tpu.memref_squeeze %dma_start3A_332 : memref<1x128xi32, #tpu.memory_space<vmem>> -> memref<128xi32, #tpu.memory_space<vmem>>
          %dma_start3A_334 = arith.constant 0 : i32
          %dma_start3A_335 = arith.constant 0 : i32
          %dma_start3A_336 = tpu.memref_slice %arg12[%dma_start3A_334, %dma_start3A_335] : memref<10000x128xf32, #tpu.memory_space<vmem_shared>> -> memref<10000x128xf32, #tpu.memory_space<vmem_shared>>
          tpu.enqueue_indirect_dma source(%arg9 : memref<128x128xf32, #tpu.memory_space<vmem>>) target(%dma_start3A_336 : memref<10000x128xf32, #tpu.memory_space<vmem_shared>>) offsets(%dma_start3A_333 : memref<128xi32, #tpu.memory_space<vmem>>) semaphore(%run_scoped3A_330 : memref<!tpu.dma_semaphore, #tpu.memory_space<semaphore_mem>>) {add = true}
          %dma_wait3A_337 = arith.constant 0 : i32
          %dma_wait3A_338 = tpu.memref_slice %arg8[%run_scoped3A, %dma_wait3A_337] : memref<2x128xi32, #tpu.memory_space<vmem>> -> memref<1x128xi32, #tpu.memory_space<vmem>>
          %dma_wait3A_339 = tpu.memref_squeeze %dma_wait3A_338 : memref<1x128xi32, #tpu.memory_space<vmem>> -> memref<128xi32, #tpu.memory_space<vmem>>
          %dma_wait3A_340 = arith.constant 0 : i32
          %dma_wait3A_341 = arith.constant 0 : i32
          %dma_wait3A_342 = tpu.memref_slice %arg12[%dma_wait3A_340, %dma_wait3A_341] : memref<10000x128xf32, #tpu.memory_space<vmem_shared>> -> memref<10000x128xf32, #tpu.memory_space<vmem_shared>>
          tpu.wait_indirect_dma semaphore(%run_scoped3A_330 : memref<!tpu.dma_semaphore, #tpu.memory_space<semaphore_mem>>) src(%arg9 : memref<128x128xf32, #tpu.memory_space<vmem>>) dst(%dma_wait3A_342 : memref<10000x128xf32, #tpu.memory_space<vmem_shared>>)
          tpu.yield
        }) : () -> ()
      } else {
      }
      %add3A_225 = arith.constant 2 : i32
      %add3A_226 = arith.addi %add3A_176, %add3A_225 : i32
      %add3A_227 = arith.addi %add3A_47, %add3A_226 : i32
      %mul3A_228 = arith.constant 128 : i32
      %mul3A_229 = arith.muli %add3A_227, %mul3A_228 : i32
      %dma_start3A_230 = arith.constant 0 : i32
      %dma_start3A_231 = arith.constant 0 : i32
      %dma_start3A_232 = tpu.memref_slice %arg7[%dma_start3A_230, %dma_start3A_231] : memref<2x128xi32, #tpu.memory_space<vmem>> -> memref<1x128xi32, #tpu.memory_space<vmem>>
      %dma_start3A_233 = tpu.memref_squeeze %dma_start3A_232 : memref<1x128xi32, #tpu.memory_space<vmem>> -> memref<128xi32, #tpu.memory_space<vmem>>
      %dma_start3A_234 = tpu.memref_slice %arg3[%mul3A_229] : memref<321024xi32, #tpu.memory_space<hbm>> -> memref<128xi32, #tpu.memory_space<hbm>>
      %dma_start3A_235 = arith.constant 0 : i32
      %dma_start3A_236 = tpu.memref_slice %arg7[%dma_start3A_230, %dma_start3A_235] : memref<2x128xi32, #tpu.memory_space<vmem>> -> memref<1x128xi32, #tpu.memory_space<vmem>>
      %dma_start3A_237 = tpu.memref_squeeze %dma_start3A_236 : memref<1x128xi32, #tpu.memory_space<vmem>> -> memref<128xi32, #tpu.memory_space<vmem>>
      %dma_start3A_238 = tpu.memref_slice %arg3[%mul3A_229] : memref<321024xi32, #tpu.memory_space<hbm>> -> memref<128xi32, #tpu.memory_space<hbm>>
      tpu.enqueue_dma source(%dma_start3A_238 : memref<128xi32, #tpu.memory_space<hbm>>) target(%dma_start3A_237 : memref<128xi32, #tpu.memory_space<vmem>>) target_semaphore(%arg13 : memref<!tpu.dma_semaphore, #tpu.memory_space<semaphore_mem>>)
      %add3A_239 = arith.addi %add3A_47, %add3A_226 : i32
      %mul3A_240 = arith.constant 128 : i32
      %mul3A_241 = arith.muli %add3A_239, %mul3A_240 : i32
      %dma_start3A_242 = arith.constant 0 : i32
      %dma_start3A_243 = arith.constant 0 : i32
      %dma_start3A_244 = tpu.memref_slice %arg8[%dma_start3A_242, %dma_start3A_243] : memref<2x128xi32, #tpu.memory_space<vmem>> -> memref<1x128xi32, #tpu.memory_space<vmem>>
      %dma_start3A_245 = tpu.memref_squeeze %dma_start3A_244 : memref<1x128xi32, #tpu.memory_space<vmem>> -> memref<128xi32, #tpu.memory_space<vmem>>
      %dma_start3A_246 = tpu.memref_slice %arg4[%mul3A_241] : memref<321024xi32, #tpu.memory_space<hbm>> -> memref<128xi32, #tpu.memory_space<hbm>>
      %dma_start3A_247 = arith.constant 0 : i32
      %dma_start3A_248 = tpu.memref_slice %arg8[%dma_start3A_242, %dma_start3A_247] : memref<2x128xi32, #tpu.memory_space<vmem>> -> memref<1x128xi32, #tpu.memory_space<vmem>>
      %dma_start3A_249 = tpu.memref_squeeze %dma_start3A_248 : memref<1x128xi32, #tpu.memory_space<vmem>> -> memref<128xi32, #tpu.memory_space<vmem>>
      %dma_start3A_250 = tpu.memref_slice %arg4[%mul3A_241] : memref<321024xi32, #tpu.memory_space<hbm>> -> memref<128xi32, #tpu.memory_space<hbm>>
      tpu.enqueue_dma source(%dma_start3A_250 : memref<128xi32, #tpu.memory_space<hbm>>) target(%dma_start3A_249 : memref<128xi32, #tpu.memory_space<vmem>>) target_semaphore(%arg15 : memref<!tpu.dma_semaphore, #tpu.memory_space<semaphore_mem>>)
      %mul3A_251 = arith.constant 2 : i32
      %mul3A_252 = arith.muli %mul3A_251, %scan3A_171 : i32
      %add3A_253 = arith.constant 1 : i32
      %add3A_254 = arith.addi %mul3A_252, %add3A_253 : i32
      %dma_wait3A_255 = arith.constant 0 : i32
      %dma_wait3A_256 = arith.constant 0 : i32
      %dma_wait3A_257 = tpu.memref_slice %arg7[%dma_wait3A_255, %dma_wait3A_256] : memref<2x128xi32, #tpu.memory_space<vmem>> -> memref<1x128xi32, #tpu.memory_space<vmem>>
      %dma_wait3A_258 = tpu.memref_squeeze %dma_wait3A_257 : memref<1x128xi32, #tpu.memory_space<vmem>> -> memref<128xi32, #tpu.memory_space<vmem>>
      %dma_wait3A_259 = arith.constant 0 : i32
      %dma_wait3A_260 = tpu.memref_slice %arg3[%dma_wait3A_259] : memref<321024xi32, #tpu.memory_space<hbm>> -> memref<128xi32, #tpu.memory_space<hbm>>
      %dma_wait3A_261 = arith.constant 0 : i32
      %dma_wait3A_262 = tpu.memref_slice %arg7[%dma_wait3A_255, %dma_wait3A_261] : memref<2x128xi32, #tpu.memory_space<vmem>> -> memref<1x128xi32, #tpu.memory_space<vmem>>
      %dma_wait3A_263 = tpu.memref_squeeze %dma_wait3A_262 : memref<1x128xi32, #tpu.memory_space<vmem>> -> memref<128xi32, #tpu.memory_space<vmem>>
      %dma_wait3A_264 = arith.constant 0 : i32
      %dma_wait3A_265 = tpu.memref_slice %arg3[%dma_wait3A_264] : memref<321024xi32, #tpu.memory_space<hbm>> -> memref<128xi32, #tpu.memory_space<hbm>>
      tpu.wait_dma2 semaphore(%arg13 : memref<!tpu.dma_semaphore, #tpu.memory_space<semaphore_mem>>) src(%dma_wait3A_265 : memref<128xi32, #tpu.memory_space<hbm>>) dst(%dma_wait3A_263 : memref<128xi32, #tpu.memory_space<vmem>>)
      %dma_wait3A_266 = arith.constant 0 : i32
      %dma_wait3A_267 = arith.constant 0 : i32
      %dma_wait3A_268 = tpu.memref_slice %arg8[%dma_wait3A_266, %dma_wait3A_267] : memref<2x128xi32, #tpu.memory_space<vmem>> -> memref<1x128xi32, #tpu.memory_space<vmem>>
      %dma_wait3A_269 = tpu.memref_squeeze %dma_wait3A_268 : memref<1x128xi32, #tpu.memory_space<vmem>> -> memref<128xi32, #tpu.memory_space<vmem>>
      %dma_wait3A_270 = arith.constant 0 : i32
      %dma_wait3A_271 = tpu.memref_slice %arg4[%dma_wait3A_270] : memref<321024xi32, #tpu.memory_space<hbm>> -> memref<128xi32, #tpu.memory_space<hbm>>
      %dma_wait3A_272 = arith.constant 0 : i32
      %dma_wait3A_273 = tpu.memref_slice %arg8[%dma_wait3A_266, %dma_wait3A_272] : memref<2x128xi32, #tpu.memory_space<vmem>> -> memref<1x128xi32, #tpu.memory_space<vmem>>
      %dma_wait3A_274 = tpu.memref_squeeze %dma_wait3A_273 : memref<1x128xi32, #tpu.memory_space<vmem>> -> memref<128xi32, #tpu.memory_space<vmem>>
      %dma_wait3A_275 = arith.constant 0 : i32
      %dma_wait3A_276 = tpu.memref_slice %arg4[%dma_wait3A_275] : memref<321024xi32, #tpu.memory_space<hbm>> -> memref<128xi32, #tpu.memory_space<hbm>>
      tpu.wait_dma2 semaphore(%arg15 : memref<!tpu.dma_semaphore, #tpu.memory_space<semaphore_mem>>) src(%dma_wait3A_276 : memref<128xi32, #tpu.memory_space<hbm>>) dst(%dma_wait3A_274 : memref<128xi32, #tpu.memory_space<vmem>>)
      %dma_start3A_277 = arith.constant 0 : i32
      %dma_start3A_278 = arith.constant 0 : i32
      %dma_start3A_279 = tpu.memref_slice %arg7[%dma_start3A_277, %dma_start3A_278] : memref<2x128xi32, #tpu.memory_space<vmem>> -> memref<1x128xi32, #tpu.memory_space<vmem>>
      %dma_start3A_280 = tpu.memref_squeeze %dma_start3A_279 : memref<1x128xi32, #tpu.memory_space<vmem>> -> memref<128xi32, #tpu.memory_space<vmem>>
      %dma_start3A_281 = arith.constant 0 : i32
      %dma_start3A_282 = arith.constant 0 : i32
      %dma_start3A_283 = tpu.memref_slice %arg2[%dma_start3A_281, %dma_start3A_282] : memref<10000x128xf32, #tpu.memory_space<hbm>> -> memref<10000x128xf32, #tpu.memory_space<hbm>>
      tpu.enqueue_indirect_dma source(%dma_start3A_283 : memref<10000x128xf32, #tpu.memory_space<hbm>>) target(%arg9 : memref<128x128xf32, #tpu.memory_space<vmem>>) offsets(%dma_start3A_280 : memref<128xi32, #tpu.memory_space<vmem>>) semaphore(%arg17 : memref<!tpu.dma_semaphore, #tpu.memory_space<semaphore_mem>>)
      %lt3A_284 = arith.cmpi slt, %add3A_254, %add3A_43 : i32
      %convert_element_type3A_285 = arith.extui %lt3A_284 : i1 to i32
      %cond3A_286 = arith.constant 0 : i32
      %cond3A_287 = arith.cmpi ne, %convert_element_type3A_285, %cond3A_286 : i32
      scf.if %cond3A_287 {
        %dma_start3A_330 = arith.constant 1 : i32
        %dma_start3A_331 = arith.constant 0 : i32
        %dma_start3A_332 = tpu.memref_slice %arg8[%dma_start3A_330, %dma_start3A_331] : memref<2x128xi32, #tpu.memory_space<vmem>> -> memref<1x128xi32, #tpu.memory_space<vmem>>
        %dma_start3A_333 = tpu.memref_squeeze %dma_start3A_332 : memref<1x128xi32, #tpu.memory_space<vmem>> -> memref<128xi32, #tpu.memory_space<vmem>>
        %dma_start3A_334 = arith.constant 0 : i32
        %dma_start3A_335 = tpu.memref_slice %arg21[%dma_start3A_334] : memref<10240xf32, #tpu.memory_space<vmem_shared>> -> memref<10240xf32, #tpu.memory_space<vmem_shared>>
        tpu.enqueue_indirect_dma source(%arg19 : memref<128xf32, #tpu.memory_space<vmem>>) target(%dma_start3A_335 : memref<10240xf32, #tpu.memory_space<vmem_shared>>) offsets(%dma_start3A_333 : memref<128xi32, #tpu.memory_space<vmem>>) semaphore(%arg22 : memref<!tpu.dma_semaphore, #tpu.memory_space<semaphore_mem>>) {add = true}
      } else {
      }
      %dma_wait3A_288 = arith.constant 1 : i32
      %dma_wait3A_289 = arith.constant 0 : i32
      %dma_wait3A_290 = tpu.memref_slice %arg7[%dma_wait3A_288, %dma_wait3A_289] : memref<2x128xi32, #tpu.memory_space<vmem>> -> memref<1x128xi32, #tpu.memory_space<vmem>>
      %dma_wait3A_291 = tpu.memref_squeeze %dma_wait3A_290 : memref<1x128xi32, #tpu.memory_space<vmem>> -> memref<128xi32, #tpu.memory_space<vmem>>
      %dma_wait3A_292 = arith.constant 0 : i32
      %dma_wait3A_293 = arith.constant 0 : i32
      %dma_wait3A_294 = tpu.memref_slice %arg2[%dma_wait3A_292, %dma_wait3A_293] : memref<10000x128xf32, #tpu.memory_space<hbm>> -> memref<10000x128xf32, #tpu.memory_space<hbm>>
      tpu.wait_indirect_dma semaphore(%arg18 : memref<!tpu.dma_semaphore, #tpu.memory_space<semaphore_mem>>) src(%dma_wait3A_294 : memref<10000x128xf32, #tpu.memory_space<hbm>>) dst(%arg10 : memref<128x128xf32, #tpu.memory_space<vmem>>)
      %lt3A_295 = arith.cmpi slt, %add3A_254, %add3A_43 : i32
      %convert_element_type3A_296 = arith.extui %lt3A_295 : i1 to i32
      %cond3A_297 = arith.constant 0 : i32
      %cond3A_298 = arith.cmpi ne, %convert_element_type3A_296, %cond3A_297 : i32
      scf.if %cond3A_298 {
        %dma_wait3A_330 = arith.constant 1 : i32
        %dma_wait3A_331 = arith.constant 0 : i32
        %dma_wait3A_332 = tpu.memref_slice %arg8[%dma_wait3A_330, %dma_wait3A_331] : memref<2x128xi32, #tpu.memory_space<vmem>> -> memref<1x128xi32, #tpu.memory_space<vmem>>
        %dma_wait3A_333 = tpu.memref_squeeze %dma_wait3A_332 : memref<1x128xi32, #tpu.memory_space<vmem>> -> memref<128xi32, #tpu.memory_space<vmem>>
        %dma_wait3A_334 = arith.constant 0 : i32
        %dma_wait3A_335 = tpu.memref_slice %arg21[%dma_wait3A_334] : memref<10240xf32, #tpu.memory_space<vmem_shared>> -> memref<10240xf32, #tpu.memory_space<vmem_shared>>
        tpu.wait_indirect_dma semaphore(%arg22 : memref<!tpu.dma_semaphore, #tpu.memory_space<semaphore_mem>>) src(%arg19 : memref<128xf32, #tpu.memory_space<vmem>>) dst(%dma_wait3A_335 : memref<10240xf32, #tpu.memory_space<vmem_shared>>)
      } else {
      }
      %lt3A_299 = arith.cmpi slt, %add3A_254, %add3A_43 : i32
      %convert_element_type3A_300 = arith.extui %lt3A_299 : i1 to i32
      %cond3A_301 = arith.constant 0 : i32
      %cond3A_302 = arith.cmpi ne, %convert_element_type3A_300, %cond3A_301 : i32
      scf.if %cond3A_302 {
        %run_scoped3A = arith.constant 1 : i32
        "tpu.region"() ({
          %run_scoped3A_330 = tpu.sem_alloc : memref<!tpu.dma_semaphore, #tpu.memory_space<semaphore_mem>>
          %dma_start3A_331 = arith.constant 0 : i32
          %dma_start3A_332 = tpu.memref_slice %arg8[%run_scoped3A, %dma_start3A_331] : memref<2x128xi32, #tpu.memory_space<vmem>> -> memref<1x128xi32, #tpu.memory_space<vmem>>
          %dma_start3A_333 = tpu.memref_squeeze %dma_start3A_332 : memref<1x128xi32, #tpu.memory_space<vmem>> -> memref<128xi32, #tpu.memory_space<vmem>>
          %dma_start3A_334 = arith.constant 0 : i32
          %dma_start3A_335 = arith.constant 0 : i32
          %dma_start3A_336 = tpu.memref_slice %arg12[%dma_start3A_334, %dma_start3A_335] : memref<10000x128xf32, #tpu.memory_space<vmem_shared>> -> memref<10000x128xf32, #tpu.memory_space<vmem_shared>>
          tpu.enqueue_indirect_dma source(%arg10 : memref<128x128xf32, #tpu.memory_space<vmem>>) target(%dma_start3A_336 : memref<10000x128xf32, #tpu.memory_space<vmem_shared>>) offsets(%dma_start3A_333 : memref<128xi32, #tpu.memory_space<vmem>>) semaphore(%run_scoped3A_330 : memref<!tpu.dma_semaphore, #tpu.memory_space<semaphore_mem>>) {add = true}
          %dma_wait3A_337 = arith.constant 0 : i32
          %dma_wait3A_338 = tpu.memref_slice %arg8[%run_scoped3A, %dma_wait3A_337] : memref<2x128xi32, #tpu.memory_space<vmem>> -> memref<1x128xi32, #tpu.memory_space<vmem>>
          %dma_wait3A_339 = tpu.memref_squeeze %dma_wait3A_338 : memref<1x128xi32, #tpu.memory_space<vmem>> -> memref<128xi32, #tpu.memory_space<vmem>>
          %dma_wait3A_340 = arith.constant 0 : i32
          %dma_wait3A_341 = arith.constant 0 : i32
          %dma_wait3A_342 = tpu.memref_slice %arg12[%dma_wait3A_340, %dma_wait3A_341] : memref<10000x128xf32, #tpu.memory_space<vmem_shared>> -> memref<10000x128xf32, #tpu.memory_space<vmem_shared>>
          tpu.wait_indirect_dma semaphore(%run_scoped3A_330 : memref<!tpu.dma_semaphore, #tpu.memory_space<semaphore_mem>>) src(%arg10 : memref<128x128xf32, #tpu.memory_space<vmem>>) dst(%dma_wait3A_342 : memref<10000x128xf32, #tpu.memory_space<vmem_shared>>)
          tpu.yield
        }) : () -> ()
      } else {
      }
      %add3A_303 = arith.constant 2 : i32
      %add3A_304 = arith.addi %add3A_254, %add3A_303 : i32
      %add3A_305 = arith.addi %add3A_47, %add3A_304 : i32
      %mul3A_306 = arith.constant 128 : i32
      %mul3A_307 = arith.muli %add3A_305, %mul3A_306 : i32
      %dma_start3A_308 = arith.constant 1 : i32
      %dma_start3A_309 = arith.constant 0 : i32
      %dma_start3A_310 = tpu.memref_slice %arg7[%dma_start3A_308, %dma_start3A_309] : memref<2x128xi32, #tpu.memory_space<vmem>> -> memref<1x128xi32, #tpu.memory_space<vmem>>
      %dma_start3A_311 = tpu.memref_squeeze %dma_start3A_310 : memref<1x128xi32, #tpu.memory_space<vmem>> -> memref<128xi32, #tpu.memory_space<vmem>>
      %dma_start3A_312 = tpu.memref_slice %arg3[%mul3A_307] : memref<321024xi32, #tpu.memory_space<hbm>> -> memref<128xi32, #tpu.memory_space<hbm>>
      %dma_start3A_313 = arith.constant 0 : i32
      %dma_start3A_314 = tpu.memref_slice %arg7[%dma_start3A_308, %dma_start3A_313] : memref<2x128xi32, #tpu.memory_space<vmem>> -> memref<1x128xi32, #tpu.memory_space<vmem>>
      %dma_start3A_315 = tpu.memref_squeeze %dma_start3A_314 : memref<1x128xi32, #tpu.memory_space<vmem>> -> memref<128xi32, #tpu.memory_space<vmem>>
      %dma_start3A_316 = tpu.memref_slice %arg3[%mul3A_307] : memref<321024xi32, #tpu.memory_space<hbm>> -> memref<128xi32, #tpu.memory_space<hbm>>
      tpu.enqueue_dma source(%dma_start3A_316 : memref<128xi32, #tpu.memory_space<hbm>>) target(%dma_start3A_315 : memref<128xi32, #tpu.memory_space<vmem>>) target_semaphore(%arg14 : memref<!tpu.dma_semaphore, #tpu.memory_space<semaphore_mem>>)
      %add3A_317 = arith.addi %add3A_47, %add3A_304 : i32
      %mul3A_318 = arith.constant 128 : i32
      %mul3A_319 = arith.muli %add3A_317, %mul3A_318 : i32
      %dma_start3A_320 = arith.constant 1 : i32
      %dma_start3A_321 = arith.constant 0 : i32
      %dma_start3A_322 = tpu.memref_slice %arg8[%dma_start3A_320, %dma_start3A_321] : memref<2x128xi32, #tpu.memory_space<vmem>> -> memref<1x128xi32, #tpu.memory_space<vmem>>
      %dma_start3A_323 = tpu.memref_squeeze %dma_start3A_322 : memref<1x128xi32, #tpu.memory_space<vmem>> -> memref<128xi32, #tpu.memory_space<vmem>>
      %dma_start3A_324 = tpu.memref_slice %arg4[%mul3A_319] : memref<321024xi32, #tpu.memory_space<hbm>> -> memref<128xi32, #tpu.memory_space<hbm>>
      %dma_start3A_325 = arith.constant 0 : i32
      %dma_start3A_326 = tpu.memref_slice %arg8[%dma_start3A_320, %dma_start3A_325] : memref<2x128xi32, #tpu.memory_space<vmem>> -> memref<1x128xi32, #tpu.memory_space<vmem>>
      %dma_start3A_327 = tpu.memref_squeeze %dma_start3A_326 : memref<1x128xi32, #tpu.memory_space<vmem>> -> memref<128xi32, #tpu.memory_space<vmem>>
      %dma_start3A_328 = tpu.memref_slice %arg4[%mul3A_319] : memref<321024xi32, #tpu.memory_space<hbm>> -> memref<128xi32, #tpu.memory_space<hbm>>
      tpu.enqueue_dma source(%dma_start3A_328 : memref<128xi32, #tpu.memory_space<hbm>>) target(%dma_start3A_327 : memref<128xi32, #tpu.memory_space<vmem>>) target_semaphore(%arg16 : memref<!tpu.dma_semaphore, #tpu.memory_space<semaphore_mem>>)
      %scan3A_329 = arith.constant 0 : i32
      scf.yield %scan3A_329 : i32
    }
    %scan3A_133 = arith.constant 40 : i32
    %dma_wait3A_134 = arith.constant 0 : i32
    %dma_wait3A_135 = arith.constant 0 : i32
    %dma_wait3A_136 = tpu.memref_slice %arg7[%dma_wait3A_134, %dma_wait3A_135] : memref<2x128xi32, #tpu.memory_space<vmem>> -> memref<1x128xi32, #tpu.memory_space<vmem>>
    %dma_wait3A_137 = tpu.memref_squeeze %dma_wait3A_136 : memref<1x128xi32, #tpu.memory_space<vmem>> -> memref<128xi32, #tpu.memory_space<vmem>>
    %dma_wait3A_138 = arith.constant 0 : i32
    %dma_wait3A_139 = arith.constant 0 : i32
    %dma_wait3A_140 = tpu.memref_slice %arg2[%dma_wait3A_138, %dma_wait3A_139] : memref<10000x128xf32, #tpu.memory_space<hbm>> -> memref<10000x128xf32, #tpu.memory_space<hbm>>
    tpu.wait_indirect_dma semaphore(%arg17 : memref<!tpu.dma_semaphore, #tpu.memory_space<semaphore_mem>>) src(%dma_wait3A_140 : memref<10000x128xf32, #tpu.memory_space<hbm>>) dst(%arg9 : memref<128x128xf32, #tpu.memory_space<vmem>>)
    %dma_wait3A_141 = arith.constant 1 : i32
    %dma_wait3A_142 = arith.constant 0 : i32
    %dma_wait3A_143 = tpu.memref_slice %arg7[%dma_wait3A_141, %dma_wait3A_142] : memref<2x128xi32, #tpu.memory_space<vmem>> -> memref<1x128xi32, #tpu.memory_space<vmem>>
    %dma_wait3A_144 = tpu.memref_squeeze %dma_wait3A_143 : memref<1x128xi32, #tpu.memory_space<vmem>> -> memref<128xi32, #tpu.memory_space<vmem>>
    %dma_wait3A_145 = arith.constant 0 : i32
    %dma_wait3A_146 = tpu.memref_slice %arg3[%dma_wait3A_145] : memref<321024xi32, #tpu.memory_space<hbm>> -> memref<128xi32, #tpu.memory_space<hbm>>
    %dma_wait3A_147 = arith.constant 0 : i32
    %dma_wait3A_148 = tpu.memref_slice %arg7[%dma_wait3A_141, %dma_wait3A_147] : memref<2x128xi32, #tpu.memory_space<vmem>> -> memref<1x128xi32, #tpu.memory_space<vmem>>
    %dma_wait3A_149 = tpu.memref_squeeze %dma_wait3A_148 : memref<1x128xi32, #tpu.memory_space<vmem>> -> memref<128xi32, #tpu.memory_space<vmem>>
    %dma_wait3A_150 = arith.constant 0 : i32
    %dma_wait3A_151 = tpu.memref_slice %arg3[%dma_wait3A_150] : memref<321024xi32, #tpu.memory_space<hbm>> -> memref<128xi32, #tpu.memory_space<hbm>>
    tpu.wait_dma2 semaphore(%arg14 : memref<!tpu.dma_semaphore, #tpu.memory_space<semaphore_mem>>) src(%dma_wait3A_151 : memref<128xi32, #tpu.memory_space<hbm>>) dst(%dma_wait3A_149 : memref<128xi32, #tpu.memory_space<vmem>>)
    %dma_wait3A_152 = arith.constant 1 : i32
    %dma_wait3A_153 = arith.constant 0 : i32
    %dma_wait3A_154 = tpu.memref_slice %arg8[%dma_wait3A_152, %dma_wait3A_153] : memref<2x128xi32, #tpu.memory_space<vmem>> -> memref<1x128xi32, #tpu.memory_space<vmem>>
    %dma_wait3A_155 = tpu.memref_squeeze %dma_wait3A_154 : memref<1x128xi32, #tpu.memory_space<vmem>> -> memref<128xi32, #tpu.memory_space<vmem>>
    %dma_wait3A_156 = arith.constant 0 : i32
    %dma_wait3A_157 = tpu.memref_slice %arg4[%dma_wait3A_156] : memref<321024xi32, #tpu.memory_space<hbm>> -> memref<128xi32, #tpu.memory_space<hbm>>
    %dma_wait3A_158 = arith.constant 0 : i32
    %dma_wait3A_159 = tpu.memref_slice %arg8[%dma_wait3A_152, %dma_wait3A_158] : memref<2x128xi32, #tpu.memory_space<vmem>> -> memref<1x128xi32, #tpu.memory_space<vmem>>
    %dma_wait3A_160 = tpu.memref_squeeze %dma_wait3A_159 : memref<1x128xi32, #tpu.memory_space<vmem>> -> memref<128xi32, #tpu.memory_space<vmem>>
    %dma_wait3A_161 = arith.constant 0 : i32
    %dma_wait3A_162 = tpu.memref_slice %arg4[%dma_wait3A_161] : memref<321024xi32, #tpu.memory_space<hbm>> -> memref<128xi32, #tpu.memory_space<hbm>>
    tpu.wait_dma2 semaphore(%arg16 : memref<!tpu.dma_semaphore, #tpu.memory_space<semaphore_mem>>) src(%dma_wait3A_162 : memref<128xi32, #tpu.memory_space<hbm>>) dst(%dma_wait3A_160 : memref<128xi32, #tpu.memory_space<vmem>>)
    %barrier3A_163 = arith.constant 0 : index
    tpu.barrier barrier_id(%barrier3A_163)
    %mul3A_164 = arith.constant 624 : i32
    %mul3A_165 = arith.muli %arg1, %mul3A_164 : i32
    "tpu.region"() ({
      %run_scoped3A = tpu.sem_alloc : memref<!tpu.dma_semaphore, #tpu.memory_space<semaphore_mem>>
      %dma_start3A_171 = arith.constant 0 : i32
      %dma_start3A_172 = tpu.memref_slice %arg5[%arg0, %mul3A_165, %dma_start3A_171] : memref<2x10000x128xf32, #tpu.memory_space<hbm>> -> memref<1x624x128xf32, #tpu.memory_space<hbm>>
      %dma_start3A_173 = tpu.memref_squeeze %dma_start3A_172 : memref<1x624x128xf32, #tpu.memory_space<hbm>> -> memref<624x128xf32, #tpu.memory_space<hbm>>
      %dma_start3A_174 = arith.constant 0 : i32
      %dma_start3A_175 = tpu.memref_slice %arg12[%mul3A_165, %dma_start3A_174] : memref<10000x128xf32, #tpu.memory_space<vmem_shared>> -> memref<624x128xf32, #tpu.memory_space<vmem_shared>>
      tpu.enqueue_dma source(%dma_start3A_175 : memref<624x128xf32, #tpu.memory_space<vmem_shared>>) target(%dma_start3A_173 : memref<624x128xf32, #tpu.memory_space<hbm>>) target_semaphore(%run_scoped3A : memref<!tpu.dma_semaphore, #tpu.memory_space<semaphore_mem>>)
      %dma_wait3A_176 = arith.constant 0 : i32
      %dma_wait3A_177 = tpu.memref_slice %arg5[%arg0, %mul3A_165, %dma_wait3A_176] : memref<2x10000x128xf32, #tpu.memory_space<hbm>> -> memref<1x624x128xf32, #tpu.memory_space<hbm>>
      %dma_wait3A_178 = tpu.memref_squeeze %dma_wait3A_177 : memref<1x624x128xf32, #tpu.memory_space<hbm>> -> memref<624x128xf32, #tpu.memory_space<hbm>>
      %dma_wait3A_179 = arith.constant 0 : i32
      %dma_wait3A_180 = tpu.memref_slice %arg12[%mul3A_165, %dma_wait3A_179] : memref<10000x128xf32, #tpu.memory_space<vmem_shared>> -> memref<624x128xf32, #tpu.memory_space<vmem_shared>>
      tpu.wait_dma2 semaphore(%run_scoped3A : memref<!tpu.dma_semaphore, #tpu.memory_space<semaphore_mem>>) src(%dma_wait3A_180 : memref<624x128xf32, #tpu.memory_space<vmem_shared>>) dst(%dma_wait3A_178 : memref<624x128xf32, #tpu.memory_space<hbm>>)
      tpu.yield
    }) : () -> ()
    %eq3A_166 = arith.constant 15 : i32
    %eq3A_167 = arith.cmpi eq, %arg1, %eq3A_166 : i32
    %convert_element_type3A = arith.extui %eq3A_167 : i1 to i32
    %cond3A = arith.constant 0 : i32
    %cond3A_168 = arith.cmpi ne, %convert_element_type3A, %cond3A : i32
    scf.if %cond3A_168 {
      "tpu.region"() ({
        %run_scoped3A = tpu.sem_alloc : memref<!tpu.dma_semaphore, #tpu.memory_space<semaphore_mem>>
        %dma_start3A_171 = arith.constant 9984 : i32
        %dma_start3A_172 = arith.constant 0 : i32
        %dma_start3A_173 = tpu.memref_slice %arg5[%arg0, %dma_start3A_171, %dma_start3A_172] : memref<2x10000x128xf32, #tpu.memory_space<hbm>> -> memref<1x16x128xf32, #tpu.memory_space<hbm>>
        %dma_start3A_174 = tpu.memref_squeeze %dma_start3A_173 : memref<1x16x128xf32, #tpu.memory_space<hbm>> -> memref<16x128xf32, #tpu.memory_space<hbm>>
        %dma_start3A_175 = arith.constant 9984 : i32
        %dma_start3A_176 = arith.constant 0 : i32
        %dma_start3A_177 = tpu.memref_slice %arg12[%dma_start3A_175, %dma_start3A_176] : memref<10000x128xf32, #tpu.memory_space<vmem_shared>> -> memref<16x128xf32, #tpu.memory_space<vmem_shared>>
        tpu.enqueue_dma source(%dma_start3A_177 : memref<16x128xf32, #tpu.memory_space<vmem_shared>>) target(%dma_start3A_174 : memref<16x128xf32, #tpu.memory_space<hbm>>) target_semaphore(%run_scoped3A : memref<!tpu.dma_semaphore, #tpu.memory_space<semaphore_mem>>)
        %dma_wait3A_178 = arith.constant 9984 : i32
        %dma_wait3A_179 = arith.constant 0 : i32
        %dma_wait3A_180 = tpu.memref_slice %arg5[%arg0, %dma_wait3A_178, %dma_wait3A_179] : memref<2x10000x128xf32, #tpu.memory_space<hbm>> -> memref<1x16x128xf32, #tpu.memory_space<hbm>>
        %dma_wait3A_181 = tpu.memref_squeeze %dma_wait3A_180 : memref<1x16x128xf32, #tpu.memory_space<hbm>> -> memref<16x128xf32, #tpu.memory_space<hbm>>
        %dma_wait3A_182 = arith.constant 9984 : i32
        %dma_wait3A_183 = arith.constant 0 : i32
        %dma_wait3A_184 = tpu.memref_slice %arg12[%dma_wait3A_182, %dma_wait3A_183] : memref<10000x128xf32, #tpu.memory_space<vmem_shared>> -> memref<16x128xf32, #tpu.memory_space<vmem_shared>>
        tpu.wait_dma2 semaphore(%run_scoped3A : memref<!tpu.dma_semaphore, #tpu.memory_space<semaphore_mem>>) src(%dma_wait3A_184 : memref<16x128xf32, #tpu.memory_space<vmem_shared>>) dst(%dma_wait3A_181 : memref<16x128xf32, #tpu.memory_space<hbm>>)
        tpu.yield
      }) : () -> ()
    } else {
    }
    %mul3A_169 = arith.constant 640 : i32
    %mul3A_170 = arith.muli %arg1, %mul3A_169 : i32
    "tpu.region"() ({
      %run_scoped3A = tpu.sem_alloc : memref<!tpu.dma_semaphore, #tpu.memory_space<semaphore_mem>>
      %dma_start3A_171 = tpu.memref_slice %arg6[%arg0, %mul3A_170] : memref<2x10240xf32, #tpu.memory_space<hbm>> -> memref<1x640xf32, #tpu.memory_space<hbm>>
      %dma_start3A_172 = tpu.memref_squeeze %dma_start3A_171 : memref<1x640xf32, #tpu.memory_space<hbm>> -> memref<640xf32, #tpu.memory_space<hbm>>
      %dma_start3A_173 = tpu.memref_slice %arg21[%mul3A_170] : memref<10240xf32, #tpu.memory_space<vmem_shared>> -> memref<640xf32, #tpu.memory_space<vmem_shared>>
      tpu.enqueue_dma source(%dma_start3A_173 : memref<640xf32, #tpu.memory_space<vmem_shared>>) target(%dma_start3A_172 : memref<640xf32, #tpu.memory_space<hbm>>) target_semaphore(%run_scoped3A : memref<!tpu.dma_semaphore, #tpu.memory_space<semaphore_mem>>)
      %dma_wait3A_174 = tpu.memref_slice %arg6[%arg0, %mul3A_170] : memref<2x10240xf32, #tpu.memory_space<hbm>> -> memref<1x640xf32, #tpu.memory_space<hbm>>
      %dma_wait3A_175 = tpu.memref_squeeze %dma_wait3A_174 : memref<1x640xf32, #tpu.memory_space<hbm>> -> memref<640xf32, #tpu.memory_space<hbm>>
      %dma_wait3A_176 = tpu.memref_slice %arg21[%mul3A_170] : memref<10240xf32, #tpu.memory_space<vmem_shared>> -> memref<640xf32, #tpu.memory_space<vmem_shared>>
      tpu.wait_dma2 semaphore(%run_scoped3A : memref<!tpu.dma_semaphore, #tpu.memory_space<semaphore_mem>>) src(%dma_wait3A_176 : memref<640xf32, #tpu.memory_space<vmem_shared>>) dst(%dma_wait3A_175 : memref<640xf32, #tpu.memory_space<hbm>>)
      tpu.yield
    }) : () -> ()
    return
  }
}

#map = affine_map<(d0, d1) -> (0, 0)>
#map1 = affine_map<(d0, d1) -> (0)>
#map2 = affine_map<(d0, d1) -> (0, 0, 0)>
module attributes {stable_mosaic.version = 14 : i64} {
  func.func @body(%arg0: i32, %arg1: i32, %arg2: memref<10000x128xf32, #tpu.memory_space<hbm>>, %arg3: memref<321024xi32, #tpu.memory_space<hbm>>, %arg4: memref<321024xi32, #tpu.memory_space<hbm>>, %arg5: memref<2x10000x128xf32, #tpu.memory_space<hbm>>, %arg6: memref<2x128xi32, #tpu.memory_space<vmem>>, %arg7: memref<2x128xi32, #tpu.memory_space<vmem>>, %arg8: memref<128x128xf32, #tpu.memory_space<vmem>>, %arg9: memref<128x128xf32, #tpu.memory_space<vmem>>, %arg10: memref<16x128xf32, #tpu.memory_space<vmem>>, %arg11: memref<10000x128xf32, #tpu.memory_space<vmem_shared>>, %arg12: memref<!tpu.dma_semaphore, #tpu.memory_space<semaphore_mem>>, %arg13: memref<!tpu.dma_semaphore, #tpu.memory_space<semaphore_mem>>, %arg14: memref<!tpu.dma_semaphore, #tpu.memory_space<semaphore_mem>>, %arg15: memref<!tpu.dma_semaphore, #tpu.memory_space<semaphore_mem>>, %arg16: memref<!tpu.dma_semaphore, #tpu.memory_space<semaphore_mem>>, %arg17: memref<!tpu.dma_semaphore, #tpu.memory_space<semaphore_mem>>) attributes {dimension_semantics = [#tpu.dimension_semantics<core_parallel>, #tpu.dimension_semantics<subcore_parallel>], iteration_bounds = array<i64: 2, 16>, scalar_prefetch = 0 : i64, scratch_operands = 12 : i64, tpu.core_type = #tpu.core_type<sc_vector_subcore>, window_params = [{transform_indices = #map}, {transform_indices = #map1}, {transform_indices = #map1}, {transform_indices = #map2}]} {
    %mul3A = arith.constant 2 : i32
    %mul3A_0 = arith.muli %arg1, %mul3A : i32
    %add3A = arith.addi %mul3A_0, %arg0 : i32
    %scan3A = arith.constant 0 : i32
    %scan3A_1 = arith.constant 0 : i32
    %scan3A_2 = arith.constant 16 : i32
    %scan3A_3 = arith.addi %scan3A_1, %scan3A_2 : i32
    %scan3A_4 = arith.constant 1 : i32
    %scan3A_5 = scf.for %scan3A_153 = %scan3A_1 to %scan3A_3 step %scan3A_4 iter_args(%scan3A_154 = %scan3A) -> (i32)  : i32 {
      %broadcast_in_dim3A = arith.constant 0.000000e+00 : f32
      %broadcast_in_dim3A_155 = vector.broadcast %broadcast_in_dim3A : f32 to vector<16xf32>
      %swap3A = arith.index_cast %scan3A_153 : i32 to index
      %swap3A_156 = arith.constant 0 : index
      %swap3A_157 = tpu.vector_load %arg10[%swap3A, %swap3A_156] {strides = array<i32>} : memref<16x128xf32, #tpu.memory_space<vmem>>, vector<1x16xf32>,
      %swap3A_158 = vector.shape_cast %swap3A_157 : vector<1x16xf32> to vector<16xf32>
      %swap3A_159 = vector.shape_cast %broadcast_in_dim3A_155 : vector<16xf32> to vector<1x16xf32>
      tpu.vector_store %arg10[%swap3A, %swap3A_156], %swap3A_159 {strides = array<i32>} : memref<16x128xf32, #tpu.memory_space<vmem>>, vector<1x16xf32>,
      %broadcast_in_dim3A_160 = arith.constant 0.000000e+00 : f32
      %broadcast_in_dim3A_161 = vector.broadcast %broadcast_in_dim3A_160 : f32 to vector<16xf32>
      %swap3A_162 = arith.index_cast %scan3A_153 : i32 to index
      %swap3A_163 = arith.constant 16 : index
      %swap3A_164 = tpu.vector_load %arg10[%swap3A_162, %swap3A_163] {strides = array<i32>} : memref<16x128xf32, #tpu.memory_space<vmem>>, vector<1x16xf32>,
      %swap3A_165 = vector.shape_cast %swap3A_164 : vector<1x16xf32> to vector<16xf32>
      %swap3A_166 = vector.shape_cast %broadcast_in_dim3A_161 : vector<16xf32> to vector<1x16xf32>
      tpu.vector_store %arg10[%swap3A_162, %swap3A_163], %swap3A_166 {strides = array<i32>} : memref<16x128xf32, #tpu.memory_space<vmem>>, vector<1x16xf32>,
      %broadcast_in_dim3A_167 = arith.constant 0.000000e+00 : f32
      %broadcast_in_dim3A_168 = vector.broadcast %broadcast_in_dim3A_167 : f32 to vector<16xf32>
      %swap3A_169 = arith.index_cast %scan3A_153 : i32 to index
      %swap3A_170 = arith.constant 32 : index
      %swap3A_171 = tpu.vector_load %arg10[%swap3A_169, %swap3A_170] {strides = array<i32>} : memref<16x128xf32, #tpu.memory_space<vmem>>, vector<1x16xf32>,
      %swap3A_172 = vector.shape_cast %swap3A_171 : vector<1x16xf32> to vector<16xf32>
      %swap3A_173 = vector.shape_cast %broadcast_in_dim3A_168 : vector<16xf32> to vector<1x16xf32>
      tpu.vector_store %arg10[%swap3A_169, %swap3A_170], %swap3A_173 {strides = array<i32>} : memref<16x128xf32, #tpu.memory_space<vmem>>, vector<1x16xf32>,
      %broadcast_in_dim3A_174 = arith.constant 0.000000e+00 : f32
      %broadcast_in_dim3A_175 = vector.broadcast %broadcast_in_dim3A_174 : f32 to vector<16xf32>
      %swap3A_176 = arith.index_cast %scan3A_153 : i32 to index
      %swap3A_177 = arith.constant 48 : index
      %swap3A_178 = tpu.vector_load %arg10[%swap3A_176, %swap3A_177] {strides = array<i32>} : memref<16x128xf32, #tpu.memory_space<vmem>>, vector<1x16xf32>,
      %swap3A_179 = vector.shape_cast %swap3A_178 : vector<1x16xf32> to vector<16xf32>
      %swap3A_180 = vector.shape_cast %broadcast_in_dim3A_175 : vector<16xf32> to vector<1x16xf32>
      tpu.vector_store %arg10[%swap3A_176, %swap3A_177], %swap3A_180 {strides = array<i32>} : memref<16x128xf32, #tpu.memory_space<vmem>>, vector<1x16xf32>,
      %broadcast_in_dim3A_181 = arith.constant 0.000000e+00 : f32
      %broadcast_in_dim3A_182 = vector.broadcast %broadcast_in_dim3A_181 : f32 to vector<16xf32>
      %swap3A_183 = arith.index_cast %scan3A_153 : i32 to index
      %swap3A_184 = arith.constant 64 : index
      %swap3A_185 = tpu.vector_load %arg10[%swap3A_183, %swap3A_184] {strides = array<i32>} : memref<16x128xf32, #tpu.memory_space<vmem>>, vector<1x16xf32>,
      %swap3A_186 = vector.shape_cast %swap3A_185 : vector<1x16xf32> to vector<16xf32>
      %swap3A_187 = vector.shape_cast %broadcast_in_dim3A_182 : vector<16xf32> to vector<1x16xf32>
      tpu.vector_store %arg10[%swap3A_183, %swap3A_184], %swap3A_187 {strides = array<i32>} : memref<16x128xf32, #tpu.memory_space<vmem>>, vector<1x16xf32>,
      %broadcast_in_dim3A_188 = arith.constant 0.000000e+00 : f32
      %broadcast_in_dim3A_189 = vector.broadcast %broadcast_in_dim3A_188 : f32 to vector<16xf32>
      %swap3A_190 = arith.index_cast %scan3A_153 : i32 to index
      %swap3A_191 = arith.constant 80 : index
      %swap3A_192 = tpu.vector_load %arg10[%swap3A_190, %swap3A_191] {strides = array<i32>} : memref<16x128xf32, #tpu.memory_space<vmem>>, vector<1x16xf32>,
      %swap3A_193 = vector.shape_cast %swap3A_192 : vector<1x16xf32> to vector<16xf32>
      %swap3A_194 = vector.shape_cast %broadcast_in_dim3A_189 : vector<16xf32> to vector<1x16xf32>
      tpu.vector_store %arg10[%swap3A_190, %swap3A_191], %swap3A_194 {strides = array<i32>} : memref<16x128xf32, #tpu.memory_space<vmem>>, vector<1x16xf32>,
      %broadcast_in_dim3A_195 = arith.constant 0.000000e+00 : f32
      %broadcast_in_dim3A_196 = vector.broadcast %broadcast_in_dim3A_195 : f32 to vector<16xf32>
      %swap3A_197 = arith.index_cast %scan3A_153 : i32 to index
      %swap3A_198 = arith.constant 96 : index
      %swap3A_199 = tpu.vector_load %arg10[%swap3A_197, %swap3A_198] {strides = array<i32>} : memref<16x128xf32, #tpu.memory_space<vmem>>, vector<1x16xf32>,
      %swap3A_200 = vector.shape_cast %swap3A_199 : vector<1x16xf32> to vector<16xf32>
      %swap3A_201 = vector.shape_cast %broadcast_in_dim3A_196 : vector<16xf32> to vector<1x16xf32>
      tpu.vector_store %arg10[%swap3A_197, %swap3A_198], %swap3A_201 {strides = array<i32>} : memref<16x128xf32, #tpu.memory_space<vmem>>, vector<1x16xf32>,
      %broadcast_in_dim3A_202 = arith.constant 0.000000e+00 : f32
      %broadcast_in_dim3A_203 = vector.broadcast %broadcast_in_dim3A_202 : f32 to vector<16xf32>
      %swap3A_204 = arith.index_cast %scan3A_153 : i32 to index
      %swap3A_205 = arith.constant 112 : index
      %swap3A_206 = tpu.vector_load %arg10[%swap3A_204, %swap3A_205] {strides = array<i32>} : memref<16x128xf32, #tpu.memory_space<vmem>>, vector<1x16xf32>,
      %swap3A_207 = vector.shape_cast %swap3A_206 : vector<1x16xf32> to vector<16xf32>
      %swap3A_208 = vector.shape_cast %broadcast_in_dim3A_203 : vector<16xf32> to vector<1x16xf32>
      tpu.vector_store %arg10[%swap3A_204, %swap3A_205], %swap3A_208 {strides = array<i32>} : memref<16x128xf32, #tpu.memory_space<vmem>>, vector<1x16xf32>,
      %scan3A_209 = arith.constant 0 : i32
      scf.yield %scan3A_209 : i32
    }
    %scan3A_6 = arith.constant 16 : i32
    %eq3A = arith.constant 15 : i32
    %eq3A_7 = arith.cmpi eq, %arg1, %eq3A : i32
    %jit3A = arith.constant 1 : i32
    %jit3A_8 = arith.constant 0 : i32
    %select_n3A = arith.select %eq3A_7, %jit3A, %jit3A_8 : i32
    %add3A_9 = arith.constant 39 : i32
    %add3A_10 = arith.addi %add3A_9, %select_n3A : i32
    %while3A = arith.constant 0 : i32
    %while3A_11 = arith.constant 0 : i32
    %while3A_12 = arith.subi %add3A_10, %while3A : i32
    %while3A_13 = arith.addi %while3A, %while3A_12 : i32
    %while3A_14 = arith.constant 1 : i32
    %while3A_15 = arith.divsi %while3A_12, %while3A_14 : i32
    %while3A_16 = arith.muli %while3A_15, %while3A_14 : i32
    %while3A_17 = arith.addi %while3A, %while3A_16 : i32
    %while3A_18 = arith.constant 1 : i32
    %while3A_19 = scf.for %while3A_153 = %while3A to %while3A_17 step %while3A_18 iter_args(%while3A_154 = %while3A_11) -> (i32)  : i32 {
      %mul3A_155 = arith.constant 624 : i32
      %mul3A_156 = arith.muli %arg1, %mul3A_155 : i32
      %mul3A_157 = arith.constant 16 : i32
      %mul3A_158 = arith.muli %while3A_153, %mul3A_157 : i32
      %add3A_159 = arith.addi %mul3A_156, %mul3A_158 : i32
      "tpu.region"() ({
        %run_scoped3A = tpu.sem_alloc : memref<!tpu.dma_semaphore, #tpu.memory_space<semaphore_mem>>
        %dma_start3A_161 = arith.constant 0 : i32
        %dma_start3A_162 = tpu.memref_slice %arg11[%add3A_159, %dma_start3A_161] : memref<10000x128xf32, #tpu.memory_space<vmem_shared>> -> memref<16x128xf32, #tpu.memory_space<vmem_shared>>
        %dma_start3A_163 = arith.constant 0 : i32
        %dma_start3A_164 = tpu.memref_slice %arg11[%add3A_159, %dma_start3A_163] : memref<10000x128xf32, #tpu.memory_space<vmem_shared>> -> memref<16x128xf32, #tpu.memory_space<vmem_shared>>
        tpu.enqueue_dma source(%arg10 : memref<16x128xf32, #tpu.memory_space<vmem>>) target(%dma_start3A_164 : memref<16x128xf32, #tpu.memory_space<vmem_shared>>) target_semaphore(%run_scoped3A : memref<!tpu.dma_semaphore, #tpu.memory_space<semaphore_mem>>)
        %dma_wait3A_165 = arith.constant 0 : i32
        %dma_wait3A_166 = tpu.memref_slice %arg11[%add3A_159, %dma_wait3A_165] : memref<10000x128xf32, #tpu.memory_space<vmem_shared>> -> memref<16x128xf32, #tpu.memory_space<vmem_shared>>
        %dma_wait3A_167 = arith.constant 0 : i32
        %dma_wait3A_168 = tpu.memref_slice %arg11[%add3A_159, %dma_wait3A_167] : memref<10000x128xf32, #tpu.memory_space<vmem_shared>> -> memref<16x128xf32, #tpu.memory_space<vmem_shared>>
        tpu.wait_dma2 semaphore(%run_scoped3A : memref<!tpu.dma_semaphore, #tpu.memory_space<semaphore_mem>>) src(%arg10 : memref<16x128xf32, #tpu.memory_space<vmem>>) dst(%dma_wait3A_168 : memref<16x128xf32, #tpu.memory_space<vmem_shared>>)
        tpu.yield
      }) : () -> ()
      %while3A_160 = arith.constant 0 : i32
      scf.yield %while3A_160 : i32
    }
    %while3A_20 = arith.constant 1 : i32
    %while3A_21 = scf.for %while3A_153 = %while3A_17 to %while3A_13 step %while3A_20 iter_args(%while3A_154 = %while3A_19) -> (i32)  : i32 {
      %mul3A_155 = arith.constant 624 : i32
      %mul3A_156 = arith.muli %arg1, %mul3A_155 : i32
      %mul3A_157 = arith.constant 16 : i32
      %mul3A_158 = arith.muli %while3A_153, %mul3A_157 : i32
      %add3A_159 = arith.addi %mul3A_156, %mul3A_158 : i32
      "tpu.region"() ({
        %run_scoped3A = tpu.sem_alloc : memref<!tpu.dma_semaphore, #tpu.memory_space<semaphore_mem>>
        %dma_start3A_161 = arith.constant 0 : i32
        %dma_start3A_162 = tpu.memref_slice %arg11[%add3A_159, %dma_start3A_161] : memref<10000x128xf32, #tpu.memory_space<vmem_shared>> -> memref<16x128xf32, #tpu.memory_space<vmem_shared>>
        %dma_start3A_163 = arith.constant 0 : i32
        %dma_start3A_164 = tpu.memref_slice %arg11[%add3A_159, %dma_start3A_163] : memref<10000x128xf32, #tpu.memory_space<vmem_shared>> -> memref<16x128xf32, #tpu.memory_space<vmem_shared>>
        tpu.enqueue_dma source(%arg10 : memref<16x128xf32, #tpu.memory_space<vmem>>) target(%dma_start3A_164 : memref<16x128xf32, #tpu.memory_space<vmem_shared>>) target_semaphore(%run_scoped3A : memref<!tpu.dma_semaphore, #tpu.memory_space<semaphore_mem>>)
        %dma_wait3A_165 = arith.constant 0 : i32
        %dma_wait3A_166 = tpu.memref_slice %arg11[%add3A_159, %dma_wait3A_165] : memref<10000x128xf32, #tpu.memory_space<vmem_shared>> -> memref<16x128xf32, #tpu.memory_space<vmem_shared>>
        %dma_wait3A_167 = arith.constant 0 : i32
        %dma_wait3A_168 = tpu.memref_slice %arg11[%add3A_159, %dma_wait3A_167] : memref<10000x128xf32, #tpu.memory_space<vmem_shared>> -> memref<16x128xf32, #tpu.memory_space<vmem_shared>>
        tpu.wait_dma2 semaphore(%run_scoped3A : memref<!tpu.dma_semaphore, #tpu.memory_space<semaphore_mem>>) src(%arg10 : memref<16x128xf32, #tpu.memory_space<vmem>>) dst(%dma_wait3A_168 : memref<16x128xf32, #tpu.memory_space<vmem_shared>>)
        tpu.yield
      }) : () -> ()
      %while3A_160 = arith.constant 0 : i32
      scf.yield %while3A_160 : i32
    }
    %barrier3A = arith.constant 0 : index
    tpu.barrier barrier_id(%barrier3A)
    %lt3A = arith.constant 4 : i32
    %lt3A_22 = arith.cmpi slt, %add3A, %lt3A : i32
    %jit3A_23 = arith.constant 1 : i32
    %jit3A_24 = arith.constant 0 : i32
    %select_n3A_25 = arith.select %lt3A_22, %jit3A_23, %jit3A_24 : i32
    %add3A_26 = arith.constant 78 : i32
    %add3A_27 = arith.addi %add3A_26, %select_n3A_25 : i32
    %mul3A_28 = arith.constant 78 : i32
    %mul3A_29 = arith.muli %add3A, %mul3A_28 : i32
    %min3A = arith.constant 4 : i32
    %min3A_30 = arith.minsi %add3A, %min3A : i32
    %add3A_31 = arith.addi %mul3A_29, %min3A_30 : i32
    %add3A_32 = arith.constant 0 : i32
    %add3A_33 = arith.addi %add3A_31, %add3A_32 : i32
    %mul3A_34 = arith.constant 128 : i32
    %mul3A_35 = arith.muli %add3A_33, %mul3A_34 : i32
    %dma_start3A = arith.constant 0 : i32
    %dma_start3A_36 = arith.constant 0 : i32
    %dma_start3A_37 = tpu.memref_slice %arg6[%dma_start3A, %dma_start3A_36] : memref<2x128xi32, #tpu.memory_space<vmem>> -> memref<1x128xi32, #tpu.memory_space<vmem>>
    %dma_start3A_38 = tpu.memref_squeeze %dma_start3A_37 : memref<1x128xi32, #tpu.memory_space<vmem>> -> memref<128xi32, #tpu.memory_space<vmem>>
    %dma_start3A_39 = tpu.memref_slice %arg3[%mul3A_35] : memref<321024xi32, #tpu.memory_space<hbm>> -> memref<128xi32, #tpu.memory_space<hbm>>
    %dma_start3A_40 = arith.constant 0 : i32
    %dma_start3A_41 = tpu.memref_slice %arg6[%dma_start3A, %dma_start3A_40] : memref<2x128xi32, #tpu.memory_space<vmem>> -> memref<1x128xi32, #tpu.memory_space<vmem>>
    %dma_start3A_42 = tpu.memref_squeeze %dma_start3A_41 : memref<1x128xi32, #tpu.memory_space<vmem>> -> memref<128xi32, #tpu.memory_space<vmem>>
    %dma_start3A_43 = tpu.memref_slice %arg3[%mul3A_35] : memref<321024xi32, #tpu.memory_space<hbm>> -> memref<128xi32, #tpu.memory_space<hbm>>
    tpu.enqueue_dma source(%dma_start3A_43 : memref<128xi32, #tpu.memory_space<hbm>>) target(%dma_start3A_42 : memref<128xi32, #tpu.memory_space<vmem>>) target_semaphore(%arg12 : memref<!tpu.dma_semaphore, #tpu.memory_space<semaphore_mem>>)
    %add3A_44 = arith.constant 0 : i32
    %add3A_45 = arith.addi %add3A_31, %add3A_44 : i32
    %mul3A_46 = arith.constant 128 : i32
    %mul3A_47 = arith.muli %add3A_45, %mul3A_46 : i32
    %dma_start3A_48 = arith.constant 0 : i32
    %dma_start3A_49 = arith.constant 0 : i32
    %dma_start3A_50 = tpu.memref_slice %arg7[%dma_start3A_48, %dma_start3A_49] : memref<2x128xi32, #tpu.memory_space<vmem>> -> memref<1x128xi32, #tpu.memory_space<vmem>>
    %dma_start3A_51 = tpu.memref_squeeze %dma_start3A_50 : memref<1x128xi32, #tpu.memory_space<vmem>> -> memref<128xi32, #tpu.memory_space<vmem>>
    %dma_start3A_52 = tpu.memref_slice %arg4[%mul3A_47] : memref<321024xi32, #tpu.memory_space<hbm>> -> memref<128xi32, #tpu.memory_space<hbm>>
    %dma_start3A_53 = arith.constant 0 : i32
    %dma_start3A_54 = tpu.memref_slice %arg7[%dma_start3A_48, %dma_start3A_53] : memref<2x128xi32, #tpu.memory_space<vmem>> -> memref<1x128xi32, #tpu.memory_space<vmem>>
    %dma_start3A_55 = tpu.memref_squeeze %dma_start3A_54 : memref<1x128xi32, #tpu.memory_space<vmem>> -> memref<128xi32, #tpu.memory_space<vmem>>
    %dma_start3A_56 = tpu.memref_slice %arg4[%mul3A_47] : memref<321024xi32, #tpu.memory_space<hbm>> -> memref<128xi32, #tpu.memory_space<hbm>>
    tpu.enqueue_dma source(%dma_start3A_56 : memref<128xi32, #tpu.memory_space<hbm>>) target(%dma_start3A_55 : memref<128xi32, #tpu.memory_space<vmem>>) target_semaphore(%arg14 : memref<!tpu.dma_semaphore, #tpu.memory_space<semaphore_mem>>)
    %add3A_57 = arith.constant 1 : i32
    %add3A_58 = arith.addi %add3A_31, %add3A_57 : i32
    %mul3A_59 = arith.constant 128 : i32
    %mul3A_60 = arith.muli %add3A_58, %mul3A_59 : i32
    %dma_start3A_61 = arith.constant 1 : i32
    %dma_start3A_62 = arith.constant 0 : i32
    %dma_start3A_63 = tpu.memref_slice %arg6[%dma_start3A_61, %dma_start3A_62] : memref<2x128xi32, #tpu.memory_space<vmem>> -> memref<1x128xi32, #tpu.memory_space<vmem>>
    %dma_start3A_64 = tpu.memref_squeeze %dma_start3A_63 : memref<1x128xi32, #tpu.memory_space<vmem>> -> memref<128xi32, #tpu.memory_space<vmem>>
    %dma_start3A_65 = tpu.memref_slice %arg3[%mul3A_60] : memref<321024xi32, #tpu.memory_space<hbm>> -> memref<128xi32, #tpu.memory_space<hbm>>
    %dma_start3A_66 = arith.constant 0 : i32
    %dma_start3A_67 = tpu.memref_slice %arg6[%dma_start3A_61, %dma_start3A_66] : memref<2x128xi32, #tpu.memory_space<vmem>> -> memref<1x128xi32, #tpu.memory_space<vmem>>
    %dma_start3A_68 = tpu.memref_squeeze %dma_start3A_67 : memref<1x128xi32, #tpu.memory_space<vmem>> -> memref<128xi32, #tpu.memory_space<vmem>>
    %dma_start3A_69 = tpu.memref_slice %arg3[%mul3A_60] : memref<321024xi32, #tpu.memory_space<hbm>> -> memref<128xi32, #tpu.memory_space<hbm>>
    tpu.enqueue_dma source(%dma_start3A_69 : memref<128xi32, #tpu.memory_space<hbm>>) target(%dma_start3A_68 : memref<128xi32, #tpu.memory_space<vmem>>) target_semaphore(%arg13 : memref<!tpu.dma_semaphore, #tpu.memory_space<semaphore_mem>>)
    %add3A_70 = arith.constant 1 : i32
    %add3A_71 = arith.addi %add3A_31, %add3A_70 : i32
    %mul3A_72 = arith.constant 128 : i32
    %mul3A_73 = arith.muli %add3A_71, %mul3A_72 : i32
    %dma_start3A_74 = arith.constant 1 : i32
    %dma_start3A_75 = arith.constant 0 : i32
    %dma_start3A_76 = tpu.memref_slice %arg7[%dma_start3A_74, %dma_start3A_75] : memref<2x128xi32, #tpu.memory_space<vmem>> -> memref<1x128xi32, #tpu.memory_space<vmem>>
    %dma_start3A_77 = tpu.memref_squeeze %dma_start3A_76 : memref<1x128xi32, #tpu.memory_space<vmem>> -> memref<128xi32, #tpu.memory_space<vmem>>
    %dma_start3A_78 = tpu.memref_slice %arg4[%mul3A_73] : memref<321024xi32, #tpu.memory_space<hbm>> -> memref<128xi32, #tpu.memory_space<hbm>>
    %dma_start3A_79 = arith.constant 0 : i32
    %dma_start3A_80 = tpu.memref_slice %arg7[%dma_start3A_74, %dma_start3A_79] : memref<2x128xi32, #tpu.memory_space<vmem>> -> memref<1x128xi32, #tpu.memory_space<vmem>>
    %dma_start3A_81 = tpu.memref_squeeze %dma_start3A_80 : memref<1x128xi32, #tpu.memory_space<vmem>> -> memref<128xi32, #tpu.memory_space<vmem>>
    %dma_start3A_82 = tpu.memref_slice %arg4[%mul3A_73] : memref<321024xi32, #tpu.memory_space<hbm>> -> memref<128xi32, #tpu.memory_space<hbm>>
    tpu.enqueue_dma source(%dma_start3A_82 : memref<128xi32, #tpu.memory_space<hbm>>) target(%dma_start3A_81 : memref<128xi32, #tpu.memory_space<vmem>>) target_semaphore(%arg15 : memref<!tpu.dma_semaphore, #tpu.memory_space<semaphore_mem>>)
    %dma_wait3A = arith.constant 0 : i32
    %dma_wait3A_83 = arith.constant 0 : i32
    %dma_wait3A_84 = tpu.memref_slice %arg6[%dma_wait3A, %dma_wait3A_83] : memref<2x128xi32, #tpu.memory_space<vmem>> -> memref<1x128xi32, #tpu.memory_space<vmem>>
    %dma_wait3A_85 = tpu.memref_squeeze %dma_wait3A_84 : memref<1x128xi32, #tpu.memory_space<vmem>> -> memref<128xi32, #tpu.memory_space<vmem>>
    %dma_wait3A_86 = arith.constant 0 : i32
    %dma_wait3A_87 = tpu.memref_slice %arg3[%dma_wait3A_86] : memref<321024xi32, #tpu.memory_space<hbm>> -> memref<128xi32, #tpu.memory_space<hbm>>
    %dma_wait3A_88 = arith.constant 0 : i32
    %dma_wait3A_89 = tpu.memref_slice %arg6[%dma_wait3A, %dma_wait3A_88] : memref<2x128xi32, #tpu.memory_space<vmem>> -> memref<1x128xi32, #tpu.memory_space<vmem>>
    %dma_wait3A_90 = tpu.memref_squeeze %dma_wait3A_89 : memref<1x128xi32, #tpu.memory_space<vmem>> -> memref<128xi32, #tpu.memory_space<vmem>>
    %dma_wait3A_91 = arith.constant 0 : i32
    %dma_wait3A_92 = tpu.memref_slice %arg3[%dma_wait3A_91] : memref<321024xi32, #tpu.memory_space<hbm>> -> memref<128xi32, #tpu.memory_space<hbm>>
    tpu.wait_dma2 semaphore(%arg12 : memref<!tpu.dma_semaphore, #tpu.memory_space<semaphore_mem>>) src(%dma_wait3A_92 : memref<128xi32, #tpu.memory_space<hbm>>) dst(%dma_wait3A_90 : memref<128xi32, #tpu.memory_space<vmem>>)
    %dma_wait3A_93 = arith.constant 0 : i32
    %dma_wait3A_94 = arith.constant 0 : i32
    %dma_wait3A_95 = tpu.memref_slice %arg7[%dma_wait3A_93, %dma_wait3A_94] : memref<2x128xi32, #tpu.memory_space<vmem>> -> memref<1x128xi32, #tpu.memory_space<vmem>>
    %dma_wait3A_96 = tpu.memref_squeeze %dma_wait3A_95 : memref<1x128xi32, #tpu.memory_space<vmem>> -> memref<128xi32, #tpu.memory_space<vmem>>
    %dma_wait3A_97 = arith.constant 0 : i32
    %dma_wait3A_98 = tpu.memref_slice %arg4[%dma_wait3A_97] : memref<321024xi32, #tpu.memory_space<hbm>> -> memref<128xi32, #tpu.memory_space<hbm>>
    %dma_wait3A_99 = arith.constant 0 : i32
    %dma_wait3A_100 = tpu.memref_slice %arg7[%dma_wait3A_93, %dma_wait3A_99] : memref<2x128xi32, #tpu.memory_space<vmem>> -> memref<1x128xi32, #tpu.memory_space<vmem>>
    %dma_wait3A_101 = tpu.memref_squeeze %dma_wait3A_100 : memref<1x128xi32, #tpu.memory_space<vmem>> -> memref<128xi32, #tpu.memory_space<vmem>>
    %dma_wait3A_102 = arith.constant 0 : i32
    %dma_wait3A_103 = tpu.memref_slice %arg4[%dma_wait3A_102] : memref<321024xi32, #tpu.memory_space<hbm>> -> memref<128xi32, #tpu.memory_space<hbm>>
    tpu.wait_dma2 semaphore(%arg14 : memref<!tpu.dma_semaphore, #tpu.memory_space<semaphore_mem>>) src(%dma_wait3A_103 : memref<128xi32, #tpu.memory_space<hbm>>) dst(%dma_wait3A_101 : memref<128xi32, #tpu.memory_space<vmem>>)
    %dma_start3A_104 = arith.constant 0 : i32
    %dma_start3A_105 = arith.constant 0 : i32
    %dma_start3A_106 = tpu.memref_slice %arg6[%dma_start3A_104, %dma_start3A_105] : memref<2x128xi32, #tpu.memory_space<vmem>> -> memref<1x128xi32, #tpu.memory_space<vmem>>
    %dma_start3A_107 = tpu.memref_squeeze %dma_start3A_106 : memref<1x128xi32, #tpu.memory_space<vmem>> -> memref<128xi32, #tpu.memory_space<vmem>>
    %dma_start3A_108 = arith.constant 0 : i32
    %dma_start3A_109 = arith.constant 0 : i32
    %dma_start3A_110 = tpu.memref_slice %arg2[%dma_start3A_108, %dma_start3A_109] : memref<10000x128xf32, #tpu.memory_space<hbm>> -> memref<10000x128xf32, #tpu.memory_space<hbm>>
    tpu.enqueue_indirect_dma source(%dma_start3A_110 : memref<10000x128xf32, #tpu.memory_space<hbm>>) target(%arg8 : memref<128x128xf32, #tpu.memory_space<vmem>>) offsets(%dma_start3A_107 : memref<128xi32, #tpu.memory_space<vmem>>) semaphore(%arg16 : memref<!tpu.dma_semaphore, #tpu.memory_space<semaphore_mem>>)
    %scan3A_111 = arith.constant 0 : i32
    %scan3A_112 = arith.constant 0 : i32
    %scan3A_113 = arith.constant 40 : i32
    %scan3A_114 = arith.addi %scan3A_112, %scan3A_113 : i32
    %scan3A_115 = arith.constant 1 : i32
    %scan3A_116 = scf.for %scan3A_153 = %scan3A_112 to %scan3A_114 step %scan3A_115 iter_args(%scan3A_154 = %scan3A_111) -> (i32)  : i32 {
      %mul3A_155 = arith.constant 2 : i32
      %mul3A_156 = arith.muli %mul3A_155, %scan3A_153 : i32
      %add3A_157 = arith.constant 0 : i32
      %add3A_158 = arith.addi %mul3A_156, %add3A_157 : i32
      %dma_wait3A_159 = arith.constant 1 : i32
      %dma_wait3A_160 = arith.constant 0 : i32
      %dma_wait3A_161 = tpu.memref_slice %arg6[%dma_wait3A_159, %dma_wait3A_160] : memref<2x128xi32, #tpu.memory_space<vmem>> -> memref<1x128xi32, #tpu.memory_space<vmem>>
      %dma_wait3A_162 = tpu.memref_squeeze %dma_wait3A_161 : memref<1x128xi32, #tpu.memory_space<vmem>> -> memref<128xi32, #tpu.memory_space<vmem>>
      %dma_wait3A_163 = arith.constant 0 : i32
      %dma_wait3A_164 = tpu.memref_slice %arg3[%dma_wait3A_163] : memref<321024xi32, #tpu.memory_space<hbm>> -> memref<128xi32, #tpu.memory_space<hbm>>
      %dma_wait3A_165 = arith.constant 0 : i32
      %dma_wait3A_166 = tpu.memref_slice %arg6[%dma_wait3A_159, %dma_wait3A_165] : memref<2x128xi32, #tpu.memory_space<vmem>> -> memref<1x128xi32, #tpu.memory_space<vmem>>
      %dma_wait3A_167 = tpu.memref_squeeze %dma_wait3A_166 : memref<1x128xi32, #tpu.memory_space<vmem>> -> memref<128xi32, #tpu.memory_space<vmem>>
      %dma_wait3A_168 = arith.constant 0 : i32
      %dma_wait3A_169 = tpu.memref_slice %arg3[%dma_wait3A_168] : memref<321024xi32, #tpu.memory_space<hbm>> -> memref<128xi32, #tpu.memory_space<hbm>>
      tpu.wait_dma2 semaphore(%arg13 : memref<!tpu.dma_semaphore, #tpu.memory_space<semaphore_mem>>) src(%dma_wait3A_169 : memref<128xi32, #tpu.memory_space<hbm>>) dst(%dma_wait3A_167 : memref<128xi32, #tpu.memory_space<vmem>>)
      %dma_wait3A_170 = arith.constant 1 : i32
      %dma_wait3A_171 = arith.constant 0 : i32
      %dma_wait3A_172 = tpu.memref_slice %arg7[%dma_wait3A_170, %dma_wait3A_171] : memref<2x128xi32, #tpu.memory_space<vmem>> -> memref<1x128xi32, #tpu.memory_space<vmem>>
      %dma_wait3A_173 = tpu.memref_squeeze %dma_wait3A_172 : memref<1x128xi32, #tpu.memory_space<vmem>> -> memref<128xi32, #tpu.memory_space<vmem>>
      %dma_wait3A_174 = arith.constant 0 : i32
      %dma_wait3A_175 = tpu.memref_slice %arg4[%dma_wait3A_174] : memref<321024xi32, #tpu.memory_space<hbm>> -> memref<128xi32, #tpu.memory_space<hbm>>
      %dma_wait3A_176 = arith.constant 0 : i32
      %dma_wait3A_177 = tpu.memref_slice %arg7[%dma_wait3A_170, %dma_wait3A_176] : memref<2x128xi32, #tpu.memory_space<vmem>> -> memref<1x128xi32, #tpu.memory_space<vmem>>
      %dma_wait3A_178 = tpu.memref_squeeze %dma_wait3A_177 : memref<1x128xi32, #tpu.memory_space<vmem>> -> memref<128xi32, #tpu.memory_space<vmem>>
      %dma_wait3A_179 = arith.constant 0 : i32
      %dma_wait3A_180 = tpu.memref_slice %arg4[%dma_wait3A_179] : memref<321024xi32, #tpu.memory_space<hbm>> -> memref<128xi32, #tpu.memory_space<hbm>>
      tpu.wait_dma2 semaphore(%arg15 : memref<!tpu.dma_semaphore, #tpu.memory_space<semaphore_mem>>) src(%dma_wait3A_180 : memref<128xi32, #tpu.memory_space<hbm>>) dst(%dma_wait3A_178 : memref<128xi32, #tpu.memory_space<vmem>>)
      %dma_start3A_181 = arith.constant 1 : i32
      %dma_start3A_182 = arith.constant 0 : i32
      %dma_start3A_183 = tpu.memref_slice %arg6[%dma_start3A_181, %dma_start3A_182] : memref<2x128xi32, #tpu.memory_space<vmem>> -> memref<1x128xi32, #tpu.memory_space<vmem>>
      %dma_start3A_184 = tpu.memref_squeeze %dma_start3A_183 : memref<1x128xi32, #tpu.memory_space<vmem>> -> memref<128xi32, #tpu.memory_space<vmem>>
      %dma_start3A_185 = arith.constant 0 : i32
      %dma_start3A_186 = arith.constant 0 : i32
      %dma_start3A_187 = tpu.memref_slice %arg2[%dma_start3A_185, %dma_start3A_186] : memref<10000x128xf32, #tpu.memory_space<hbm>> -> memref<10000x128xf32, #tpu.memory_space<hbm>>
      tpu.enqueue_indirect_dma source(%dma_start3A_187 : memref<10000x128xf32, #tpu.memory_space<hbm>>) target(%arg9 : memref<128x128xf32, #tpu.memory_space<vmem>>) offsets(%dma_start3A_184 : memref<128xi32, #tpu.memory_space<vmem>>) semaphore(%arg17 : memref<!tpu.dma_semaphore, #tpu.memory_space<semaphore_mem>>)
      %dma_wait3A_188 = arith.constant 0 : i32
      %dma_wait3A_189 = arith.constant 0 : i32
      %dma_wait3A_190 = tpu.memref_slice %arg6[%dma_wait3A_188, %dma_wait3A_189] : memref<2x128xi32, #tpu.memory_space<vmem>> -> memref<1x128xi32, #tpu.memory_space<vmem>>
      %dma_wait3A_191 = tpu.memref_squeeze %dma_wait3A_190 : memref<1x128xi32, #tpu.memory_space<vmem>> -> memref<128xi32, #tpu.memory_space<vmem>>
      %dma_wait3A_192 = arith.constant 0 : i32
      %dma_wait3A_193 = arith.constant 0 : i32
      %dma_wait3A_194 = tpu.memref_slice %arg2[%dma_wait3A_192, %dma_wait3A_193] : memref<10000x128xf32, #tpu.memory_space<hbm>> -> memref<10000x128xf32, #tpu.memory_space<hbm>>
      tpu.wait_indirect_dma semaphore(%arg16 : memref<!tpu.dma_semaphore, #tpu.memory_space<semaphore_mem>>) src(%dma_wait3A_194 : memref<10000x128xf32, #tpu.memory_space<hbm>>) dst(%arg8 : memref<128x128xf32, #tpu.memory_space<vmem>>)
      %lt3A_195 = arith.cmpi slt, %add3A_158, %add3A_27 : i32
      %convert_element_type3A_196 = arith.extui %lt3A_195 : i1 to i32
      %cond3A_197 = arith.constant 0 : i32
      %cond3A_198 = arith.cmpi ne, %convert_element_type3A_196, %cond3A_197 : i32
      scf.if %cond3A_198 {
        %run_scoped3A = arith.constant 0 : i32
        "tpu.region"() ({
          %run_scoped3A_296 = tpu.sem_alloc : memref<!tpu.dma_semaphore, #tpu.memory_space<semaphore_mem>>
          %dma_start3A_297 = arith.constant 0 : i32
          %dma_start3A_298 = tpu.memref_slice %arg7[%run_scoped3A, %dma_start3A_297] : memref<2x128xi32, #tpu.memory_space<vmem>> -> memref<1x128xi32, #tpu.memory_space<vmem>>
          %dma_start3A_299 = tpu.memref_squeeze %dma_start3A_298 : memref<1x128xi32, #tpu.memory_space<vmem>> -> memref<128xi32, #tpu.memory_space<vmem>>
          %dma_start3A_300 = arith.constant 0 : i32
          %dma_start3A_301 = arith.constant 0 : i32
          %dma_start3A_302 = tpu.memref_slice %arg11[%dma_start3A_300, %dma_start3A_301] : memref<10000x128xf32, #tpu.memory_space<vmem_shared>> -> memref<10000x128xf32, #tpu.memory_space<vmem_shared>>
          tpu.enqueue_indirect_dma source(%arg8 : memref<128x128xf32, #tpu.memory_space<vmem>>) target(%dma_start3A_302 : memref<10000x128xf32, #tpu.memory_space<vmem_shared>>) offsets(%dma_start3A_299 : memref<128xi32, #tpu.memory_space<vmem>>) semaphore(%run_scoped3A_296 : memref<!tpu.dma_semaphore, #tpu.memory_space<semaphore_mem>>) {add = true}
          %dma_wait3A_303 = arith.constant 0 : i32
          %dma_wait3A_304 = tpu.memref_slice %arg7[%run_scoped3A, %dma_wait3A_303] : memref<2x128xi32, #tpu.memory_space<vmem>> -> memref<1x128xi32, #tpu.memory_space<vmem>>
          %dma_wait3A_305 = tpu.memref_squeeze %dma_wait3A_304 : memref<1x128xi32, #tpu.memory_space<vmem>> -> memref<128xi32, #tpu.memory_space<vmem>>
          %dma_wait3A_306 = arith.constant 0 : i32
          %dma_wait3A_307 = arith.constant 0 : i32
          %dma_wait3A_308 = tpu.memref_slice %arg11[%dma_wait3A_306, %dma_wait3A_307] : memref<10000x128xf32, #tpu.memory_space<vmem_shared>> -> memref<10000x128xf32, #tpu.memory_space<vmem_shared>>
          tpu.wait_indirect_dma semaphore(%run_scoped3A_296 : memref<!tpu.dma_semaphore, #tpu.memory_space<semaphore_mem>>) src(%arg8 : memref<128x128xf32, #tpu.memory_space<vmem>>) dst(%dma_wait3A_308 : memref<10000x128xf32, #tpu.memory_space<vmem_shared>>)
          tpu.yield
        }) : () -> ()
      } else {
      }
      %add3A_199 = arith.constant 2 : i32
      %add3A_200 = arith.addi %add3A_158, %add3A_199 : i32
      %add3A_201 = arith.addi %add3A_31, %add3A_200 : i32
      %mul3A_202 = arith.constant 128 : i32
      %mul3A_203 = arith.muli %add3A_201, %mul3A_202 : i32
      %dma_start3A_204 = arith.constant 0 : i32
      %dma_start3A_205 = arith.constant 0 : i32
      %dma_start3A_206 = tpu.memref_slice %arg6[%dma_start3A_204, %dma_start3A_205] : memref<2x128xi32, #tpu.memory_space<vmem>> -> memref<1x128xi32, #tpu.memory_space<vmem>>
      %dma_start3A_207 = tpu.memref_squeeze %dma_start3A_206 : memref<1x128xi32, #tpu.memory_space<vmem>> -> memref<128xi32, #tpu.memory_space<vmem>>
      %dma_start3A_208 = tpu.memref_slice %arg3[%mul3A_203] : memref<321024xi32, #tpu.memory_space<hbm>> -> memref<128xi32, #tpu.memory_space<hbm>>
      %dma_start3A_209 = arith.constant 0 : i32
      %dma_start3A_210 = tpu.memref_slice %arg6[%dma_start3A_204, %dma_start3A_209] : memref<2x128xi32, #tpu.memory_space<vmem>> -> memref<1x128xi32, #tpu.memory_space<vmem>>
      %dma_start3A_211 = tpu.memref_squeeze %dma_start3A_210 : memref<1x128xi32, #tpu.memory_space<vmem>> -> memref<128xi32, #tpu.memory_space<vmem>>
      %dma_start3A_212 = tpu.memref_slice %arg3[%mul3A_203] : memref<321024xi32, #tpu.memory_space<hbm>> -> memref<128xi32, #tpu.memory_space<hbm>>
      tpu.enqueue_dma source(%dma_start3A_212 : memref<128xi32, #tpu.memory_space<hbm>>) target(%dma_start3A_211 : memref<128xi32, #tpu.memory_space<vmem>>) target_semaphore(%arg12 : memref<!tpu.dma_semaphore, #tpu.memory_space<semaphore_mem>>)
      %add3A_213 = arith.addi %add3A_31, %add3A_200 : i32
      %mul3A_214 = arith.constant 128 : i32
      %mul3A_215 = arith.muli %add3A_213, %mul3A_214 : i32
      %dma_start3A_216 = arith.constant 0 : i32
      %dma_start3A_217 = arith.constant 0 : i32
      %dma_start3A_218 = tpu.memref_slice %arg7[%dma_start3A_216, %dma_start3A_217] : memref<2x128xi32, #tpu.memory_space<vmem>> -> memref<1x128xi32, #tpu.memory_space<vmem>>
      %dma_start3A_219 = tpu.memref_squeeze %dma_start3A_218 : memref<1x128xi32, #tpu.memory_space<vmem>> -> memref<128xi32, #tpu.memory_space<vmem>>
      %dma_start3A_220 = tpu.memref_slice %arg4[%mul3A_215] : memref<321024xi32, #tpu.memory_space<hbm>> -> memref<128xi32, #tpu.memory_space<hbm>>
      %dma_start3A_221 = arith.constant 0 : i32
      %dma_start3A_222 = tpu.memref_slice %arg7[%dma_start3A_216, %dma_start3A_221] : memref<2x128xi32, #tpu.memory_space<vmem>> -> memref<1x128xi32, #tpu.memory_space<vmem>>
      %dma_start3A_223 = tpu.memref_squeeze %dma_start3A_222 : memref<1x128xi32, #tpu.memory_space<vmem>> -> memref<128xi32, #tpu.memory_space<vmem>>
      %dma_start3A_224 = tpu.memref_slice %arg4[%mul3A_215] : memref<321024xi32, #tpu.memory_space<hbm>> -> memref<128xi32, #tpu.memory_space<hbm>>
      tpu.enqueue_dma source(%dma_start3A_224 : memref<128xi32, #tpu.memory_space<hbm>>) target(%dma_start3A_223 : memref<128xi32, #tpu.memory_space<vmem>>) target_semaphore(%arg14 : memref<!tpu.dma_semaphore, #tpu.memory_space<semaphore_mem>>)
      %mul3A_225 = arith.constant 2 : i32
      %mul3A_226 = arith.muli %mul3A_225, %scan3A_153 : i32
      %add3A_227 = arith.constant 1 : i32
      %add3A_228 = arith.addi %mul3A_226, %add3A_227 : i32
      %dma_wait3A_229 = arith.constant 0 : i32
      %dma_wait3A_230 = arith.constant 0 : i32
      %dma_wait3A_231 = tpu.memref_slice %arg6[%dma_wait3A_229, %dma_wait3A_230] : memref<2x128xi32, #tpu.memory_space<vmem>> -> memref<1x128xi32, #tpu.memory_space<vmem>>
      %dma_wait3A_232 = tpu.memref_squeeze %dma_wait3A_231 : memref<1x128xi32, #tpu.memory_space<vmem>> -> memref<128xi32, #tpu.memory_space<vmem>>
      %dma_wait3A_233 = arith.constant 0 : i32
      %dma_wait3A_234 = tpu.memref_slice %arg3[%dma_wait3A_233] : memref<321024xi32, #tpu.memory_space<hbm>> -> memref<128xi32, #tpu.memory_space<hbm>>
      %dma_wait3A_235 = arith.constant 0 : i32
      %dma_wait3A_236 = tpu.memref_slice %arg6[%dma_wait3A_229, %dma_wait3A_235] : memref<2x128xi32, #tpu.memory_space<vmem>> -> memref<1x128xi32, #tpu.memory_space<vmem>>
      %dma_wait3A_237 = tpu.memref_squeeze %dma_wait3A_236 : memref<1x128xi32, #tpu.memory_space<vmem>> -> memref<128xi32, #tpu.memory_space<vmem>>
      %dma_wait3A_238 = arith.constant 0 : i32
      %dma_wait3A_239 = tpu.memref_slice %arg3[%dma_wait3A_238] : memref<321024xi32, #tpu.memory_space<hbm>> -> memref<128xi32, #tpu.memory_space<hbm>>
      tpu.wait_dma2 semaphore(%arg12 : memref<!tpu.dma_semaphore, #tpu.memory_space<semaphore_mem>>) src(%dma_wait3A_239 : memref<128xi32, #tpu.memory_space<hbm>>) dst(%dma_wait3A_237 : memref<128xi32, #tpu.memory_space<vmem>>)
      %dma_wait3A_240 = arith.constant 0 : i32
      %dma_wait3A_241 = arith.constant 0 : i32
      %dma_wait3A_242 = tpu.memref_slice %arg7[%dma_wait3A_240, %dma_wait3A_241] : memref<2x128xi32, #tpu.memory_space<vmem>> -> memref<1x128xi32, #tpu.memory_space<vmem>>
      %dma_wait3A_243 = tpu.memref_squeeze %dma_wait3A_242 : memref<1x128xi32, #tpu.memory_space<vmem>> -> memref<128xi32, #tpu.memory_space<vmem>>
      %dma_wait3A_244 = arith.constant 0 : i32
      %dma_wait3A_245 = tpu.memref_slice %arg4[%dma_wait3A_244] : memref<321024xi32, #tpu.memory_space<hbm>> -> memref<128xi32, #tpu.memory_space<hbm>>
      %dma_wait3A_246 = arith.constant 0 : i32
      %dma_wait3A_247 = tpu.memref_slice %arg7[%dma_wait3A_240, %dma_wait3A_246] : memref<2x128xi32, #tpu.memory_space<vmem>> -> memref<1x128xi32, #tpu.memory_space<vmem>>
      %dma_wait3A_248 = tpu.memref_squeeze %dma_wait3A_247 : memref<1x128xi32, #tpu.memory_space<vmem>> -> memref<128xi32, #tpu.memory_space<vmem>>
      %dma_wait3A_249 = arith.constant 0 : i32
      %dma_wait3A_250 = tpu.memref_slice %arg4[%dma_wait3A_249] : memref<321024xi32, #tpu.memory_space<hbm>> -> memref<128xi32, #tpu.memory_space<hbm>>
      tpu.wait_dma2 semaphore(%arg14 : memref<!tpu.dma_semaphore, #tpu.memory_space<semaphore_mem>>) src(%dma_wait3A_250 : memref<128xi32, #tpu.memory_space<hbm>>) dst(%dma_wait3A_248 : memref<128xi32, #tpu.memory_space<vmem>>)
      %dma_start3A_251 = arith.constant 0 : i32
      %dma_start3A_252 = arith.constant 0 : i32
      %dma_start3A_253 = tpu.memref_slice %arg6[%dma_start3A_251, %dma_start3A_252] : memref<2x128xi32, #tpu.memory_space<vmem>> -> memref<1x128xi32, #tpu.memory_space<vmem>>
      %dma_start3A_254 = tpu.memref_squeeze %dma_start3A_253 : memref<1x128xi32, #tpu.memory_space<vmem>> -> memref<128xi32, #tpu.memory_space<vmem>>
      %dma_start3A_255 = arith.constant 0 : i32
      %dma_start3A_256 = arith.constant 0 : i32
      %dma_start3A_257 = tpu.memref_slice %arg2[%dma_start3A_255, %dma_start3A_256] : memref<10000x128xf32, #tpu.memory_space<hbm>> -> memref<10000x128xf32, #tpu.memory_space<hbm>>
      tpu.enqueue_indirect_dma source(%dma_start3A_257 : memref<10000x128xf32, #tpu.memory_space<hbm>>) target(%arg8 : memref<128x128xf32, #tpu.memory_space<vmem>>) offsets(%dma_start3A_254 : memref<128xi32, #tpu.memory_space<vmem>>) semaphore(%arg16 : memref<!tpu.dma_semaphore, #tpu.memory_space<semaphore_mem>>)
      %dma_wait3A_258 = arith.constant 1 : i32
      %dma_wait3A_259 = arith.constant 0 : i32
      %dma_wait3A_260 = tpu.memref_slice %arg6[%dma_wait3A_258, %dma_wait3A_259] : memref<2x128xi32, #tpu.memory_space<vmem>> -> memref<1x128xi32, #tpu.memory_space<vmem>>
      %dma_wait3A_261 = tpu.memref_squeeze %dma_wait3A_260 : memref<1x128xi32, #tpu.memory_space<vmem>> -> memref<128xi32, #tpu.memory_space<vmem>>
      %dma_wait3A_262 = arith.constant 0 : i32
      %dma_wait3A_263 = arith.constant 0 : i32
      %dma_wait3A_264 = tpu.memref_slice %arg2[%dma_wait3A_262, %dma_wait3A_263] : memref<10000x128xf32, #tpu.memory_space<hbm>> -> memref<10000x128xf32, #tpu.memory_space<hbm>>
      tpu.wait_indirect_dma semaphore(%arg17 : memref<!tpu.dma_semaphore, #tpu.memory_space<semaphore_mem>>) src(%dma_wait3A_264 : memref<10000x128xf32, #tpu.memory_space<hbm>>) dst(%arg9 : memref<128x128xf32, #tpu.memory_space<vmem>>)
      %lt3A_265 = arith.cmpi slt, %add3A_228, %add3A_27 : i32
      %convert_element_type3A_266 = arith.extui %lt3A_265 : i1 to i32
      %cond3A_267 = arith.constant 0 : i32
      %cond3A_268 = arith.cmpi ne, %convert_element_type3A_266, %cond3A_267 : i32
      scf.if %cond3A_268 {
        %run_scoped3A = arith.constant 1 : i32
        "tpu.region"() ({
          %run_scoped3A_296 = tpu.sem_alloc : memref<!tpu.dma_semaphore, #tpu.memory_space<semaphore_mem>>
          %dma_start3A_297 = arith.constant 0 : i32
          %dma_start3A_298 = tpu.memref_slice %arg7[%run_scoped3A, %dma_start3A_297] : memref<2x128xi32, #tpu.memory_space<vmem>> -> memref<1x128xi32, #tpu.memory_space<vmem>>
          %dma_start3A_299 = tpu.memref_squeeze %dma_start3A_298 : memref<1x128xi32, #tpu.memory_space<vmem>> -> memref<128xi32, #tpu.memory_space<vmem>>
          %dma_start3A_300 = arith.constant 0 : i32
          %dma_start3A_301 = arith.constant 0 : i32
          %dma_start3A_302 = tpu.memref_slice %arg11[%dma_start3A_300, %dma_start3A_301] : memref<10000x128xf32, #tpu.memory_space<vmem_shared>> -> memref<10000x128xf32, #tpu.memory_space<vmem_shared>>
          tpu.enqueue_indirect_dma source(%arg9 : memref<128x128xf32, #tpu.memory_space<vmem>>) target(%dma_start3A_302 : memref<10000x128xf32, #tpu.memory_space<vmem_shared>>) offsets(%dma_start3A_299 : memref<128xi32, #tpu.memory_space<vmem>>) semaphore(%run_scoped3A_296 : memref<!tpu.dma_semaphore, #tpu.memory_space<semaphore_mem>>) {add = true}
          %dma_wait3A_303 = arith.constant 0 : i32
          %dma_wait3A_304 = tpu.memref_slice %arg7[%run_scoped3A, %dma_wait3A_303] : memref<2x128xi32, #tpu.memory_space<vmem>> -> memref<1x128xi32, #tpu.memory_space<vmem>>
          %dma_wait3A_305 = tpu.memref_squeeze %dma_wait3A_304 : memref<1x128xi32, #tpu.memory_space<vmem>> -> memref<128xi32, #tpu.memory_space<vmem>>
          %dma_wait3A_306 = arith.constant 0 : i32
          %dma_wait3A_307 = arith.constant 0 : i32
          %dma_wait3A_308 = tpu.memref_slice %arg11[%dma_wait3A_306, %dma_wait3A_307] : memref<10000x128xf32, #tpu.memory_space<vmem_shared>> -> memref<10000x128xf32, #tpu.memory_space<vmem_shared>>
          tpu.wait_indirect_dma semaphore(%run_scoped3A_296 : memref<!tpu.dma_semaphore, #tpu.memory_space<semaphore_mem>>) src(%arg9 : memref<128x128xf32, #tpu.memory_space<vmem>>) dst(%dma_wait3A_308 : memref<10000x128xf32, #tpu.memory_space<vmem_shared>>)
          tpu.yield
        }) : () -> ()
      } else {
      }
      %add3A_269 = arith.constant 2 : i32
      %add3A_270 = arith.addi %add3A_228, %add3A_269 : i32
      %add3A_271 = arith.addi %add3A_31, %add3A_270 : i32
      %mul3A_272 = arith.constant 128 : i32
      %mul3A_273 = arith.muli %add3A_271, %mul3A_272 : i32
      %dma_start3A_274 = arith.constant 1 : i32
      %dma_start3A_275 = arith.constant 0 : i32
      %dma_start3A_276 = tpu.memref_slice %arg6[%dma_start3A_274, %dma_start3A_275] : memref<2x128xi32, #tpu.memory_space<vmem>> -> memref<1x128xi32, #tpu.memory_space<vmem>>
      %dma_start3A_277 = tpu.memref_squeeze %dma_start3A_276 : memref<1x128xi32, #tpu.memory_space<vmem>> -> memref<128xi32, #tpu.memory_space<vmem>>
      %dma_start3A_278 = tpu.memref_slice %arg3[%mul3A_273] : memref<321024xi32, #tpu.memory_space<hbm>> -> memref<128xi32, #tpu.memory_space<hbm>>
      %dma_start3A_279 = arith.constant 0 : i32
      %dma_start3A_280 = tpu.memref_slice %arg6[%dma_start3A_274, %dma_start3A_279] : memref<2x128xi32, #tpu.memory_space<vmem>> -> memref<1x128xi32, #tpu.memory_space<vmem>>
      %dma_start3A_281 = tpu.memref_squeeze %dma_start3A_280 : memref<1x128xi32, #tpu.memory_space<vmem>> -> memref<128xi32, #tpu.memory_space<vmem>>
      %dma_start3A_282 = tpu.memref_slice %arg3[%mul3A_273] : memref<321024xi32, #tpu.memory_space<hbm>> -> memref<128xi32, #tpu.memory_space<hbm>>
      tpu.enqueue_dma source(%dma_start3A_282 : memref<128xi32, #tpu.memory_space<hbm>>) target(%dma_start3A_281 : memref<128xi32, #tpu.memory_space<vmem>>) target_semaphore(%arg13 : memref<!tpu.dma_semaphore, #tpu.memory_space<semaphore_mem>>)
      %add3A_283 = arith.addi %add3A_31, %add3A_270 : i32
      %mul3A_284 = arith.constant 128 : i32
      %mul3A_285 = arith.muli %add3A_283, %mul3A_284 : i32
      %dma_start3A_286 = arith.constant 1 : i32
      %dma_start3A_287 = arith.constant 0 : i32
      %dma_start3A_288 = tpu.memref_slice %arg7[%dma_start3A_286, %dma_start3A_287] : memref<2x128xi32, #tpu.memory_space<vmem>> -> memref<1x128xi32, #tpu.memory_space<vmem>>
      %dma_start3A_289 = tpu.memref_squeeze %dma_start3A_288 : memref<1x128xi32, #tpu.memory_space<vmem>> -> memref<128xi32, #tpu.memory_space<vmem>>
      %dma_start3A_290 = tpu.memref_slice %arg4[%mul3A_285] : memref<321024xi32, #tpu.memory_space<hbm>> -> memref<128xi32, #tpu.memory_space<hbm>>
      %dma_start3A_291 = arith.constant 0 : i32
      %dma_start3A_292 = tpu.memref_slice %arg7[%dma_start3A_286, %dma_start3A_291] : memref<2x128xi32, #tpu.memory_space<vmem>> -> memref<1x128xi32, #tpu.memory_space<vmem>>
      %dma_start3A_293 = tpu.memref_squeeze %dma_start3A_292 : memref<1x128xi32, #tpu.memory_space<vmem>> -> memref<128xi32, #tpu.memory_space<vmem>>
      %dma_start3A_294 = tpu.memref_slice %arg4[%mul3A_285] : memref<321024xi32, #tpu.memory_space<hbm>> -> memref<128xi32, #tpu.memory_space<hbm>>
      tpu.enqueue_dma source(%dma_start3A_294 : memref<128xi32, #tpu.memory_space<hbm>>) target(%dma_start3A_293 : memref<128xi32, #tpu.memory_space<vmem>>) target_semaphore(%arg15 : memref<!tpu.dma_semaphore, #tpu.memory_space<semaphore_mem>>)
      %scan3A_295 = arith.constant 0 : i32
      scf.yield %scan3A_295 : i32
    }
    %scan3A_117 = arith.constant 40 : i32
    %dma_wait3A_118 = arith.constant 0 : i32
    %dma_wait3A_119 = arith.constant 0 : i32
    %dma_wait3A_120 = tpu.memref_slice %arg6[%dma_wait3A_118, %dma_wait3A_119] : memref<2x128xi32, #tpu.memory_space<vmem>> -> memref<1x128xi32, #tpu.memory_space<vmem>>
    %dma_wait3A_121 = tpu.memref_squeeze %dma_wait3A_120 : memref<1x128xi32, #tpu.memory_space<vmem>> -> memref<128xi32, #tpu.memory_space<vmem>>
    %dma_wait3A_122 = arith.constant 0 : i32
    %dma_wait3A_123 = arith.constant 0 : i32
    %dma_wait3A_124 = tpu.memref_slice %arg2[%dma_wait3A_122, %dma_wait3A_123] : memref<10000x128xf32, #tpu.memory_space<hbm>> -> memref<10000x128xf32, #tpu.memory_space<hbm>>
    tpu.wait_indirect_dma semaphore(%arg16 : memref<!tpu.dma_semaphore, #tpu.memory_space<semaphore_mem>>) src(%dma_wait3A_124 : memref<10000x128xf32, #tpu.memory_space<hbm>>) dst(%arg8 : memref<128x128xf32, #tpu.memory_space<vmem>>)
    %dma_wait3A_125 = arith.constant 1 : i32
    %dma_wait3A_126 = arith.constant 0 : i32
    %dma_wait3A_127 = tpu.memref_slice %arg6[%dma_wait3A_125, %dma_wait3A_126] : memref<2x128xi32, #tpu.memory_space<vmem>> -> memref<1x128xi32, #tpu.memory_space<vmem>>
    %dma_wait3A_128 = tpu.memref_squeeze %dma_wait3A_127 : memref<1x128xi32, #tpu.memory_space<vmem>> -> memref<128xi32, #tpu.memory_space<vmem>>
    %dma_wait3A_129 = arith.constant 0 : i32
    %dma_wait3A_130 = tpu.memref_slice %arg3[%dma_wait3A_129] : memref<321024xi32, #tpu.memory_space<hbm>> -> memref<128xi32, #tpu.memory_space<hbm>>
    %dma_wait3A_131 = arith.constant 0 : i32
    %dma_wait3A_132 = tpu.memref_slice %arg6[%dma_wait3A_125, %dma_wait3A_131] : memref<2x128xi32, #tpu.memory_space<vmem>> -> memref<1x128xi32, #tpu.memory_space<vmem>>
    %dma_wait3A_133 = tpu.memref_squeeze %dma_wait3A_132 : memref<1x128xi32, #tpu.memory_space<vmem>> -> memref<128xi32, #tpu.memory_space<vmem>>
    %dma_wait3A_134 = arith.constant 0 : i32
    %dma_wait3A_135 = tpu.memref_slice %arg3[%dma_wait3A_134] : memref<321024xi32, #tpu.memory_space<hbm>> -> memref<128xi32, #tpu.memory_space<hbm>>
    tpu.wait_dma2 semaphore(%arg13 : memref<!tpu.dma_semaphore, #tpu.memory_space<semaphore_mem>>) src(%dma_wait3A_135 : memref<128xi32, #tpu.memory_space<hbm>>) dst(%dma_wait3A_133 : memref<128xi32, #tpu.memory_space<vmem>>)
    %dma_wait3A_136 = arith.constant 1 : i32
    %dma_wait3A_137 = arith.constant 0 : i32
    %dma_wait3A_138 = tpu.memref_slice %arg7[%dma_wait3A_136, %dma_wait3A_137] : memref<2x128xi32, #tpu.memory_space<vmem>> -> memref<1x128xi32, #tpu.memory_space<vmem>>
    %dma_wait3A_139 = tpu.memref_squeeze %dma_wait3A_138 : memref<1x128xi32, #tpu.memory_space<vmem>> -> memref<128xi32, #tpu.memory_space<vmem>>
    %dma_wait3A_140 = arith.constant 0 : i32
    %dma_wait3A_141 = tpu.memref_slice %arg4[%dma_wait3A_140] : memref<321024xi32, #tpu.memory_space<hbm>> -> memref<128xi32, #tpu.memory_space<hbm>>
    %dma_wait3A_142 = arith.constant 0 : i32
    %dma_wait3A_143 = tpu.memref_slice %arg7[%dma_wait3A_136, %dma_wait3A_142] : memref<2x128xi32, #tpu.memory_space<vmem>> -> memref<1x128xi32, #tpu.memory_space<vmem>>
    %dma_wait3A_144 = tpu.memref_squeeze %dma_wait3A_143 : memref<1x128xi32, #tpu.memory_space<vmem>> -> memref<128xi32, #tpu.memory_space<vmem>>
    %dma_wait3A_145 = arith.constant 0 : i32
    %dma_wait3A_146 = tpu.memref_slice %arg4[%dma_wait3A_145] : memref<321024xi32, #tpu.memory_space<hbm>> -> memref<128xi32, #tpu.memory_space<hbm>>
    tpu.wait_dma2 semaphore(%arg15 : memref<!tpu.dma_semaphore, #tpu.memory_space<semaphore_mem>>) src(%dma_wait3A_146 : memref<128xi32, #tpu.memory_space<hbm>>) dst(%dma_wait3A_144 : memref<128xi32, #tpu.memory_space<vmem>>)
    %barrier3A_147 = arith.constant 0 : index
    tpu.barrier barrier_id(%barrier3A_147)
    %mul3A_148 = arith.constant 624 : i32
    %mul3A_149 = arith.muli %arg1, %mul3A_148 : i32
    "tpu.region"() ({
      %run_scoped3A = tpu.sem_alloc : memref<!tpu.dma_semaphore, #tpu.memory_space<semaphore_mem>>
      %dma_start3A_153 = arith.constant 0 : i32
      %dma_start3A_154 = tpu.memref_slice %arg5[%arg0, %mul3A_149, %dma_start3A_153] : memref<2x10000x128xf32, #tpu.memory_space<hbm>> -> memref<1x624x128xf32, #tpu.memory_space<hbm>>
      %dma_start3A_155 = tpu.memref_squeeze %dma_start3A_154 : memref<1x624x128xf32, #tpu.memory_space<hbm>> -> memref<624x128xf32, #tpu.memory_space<hbm>>
      %dma_start3A_156 = arith.constant 0 : i32
      %dma_start3A_157 = tpu.memref_slice %arg11[%mul3A_149, %dma_start3A_156] : memref<10000x128xf32, #tpu.memory_space<vmem_shared>> -> memref<624x128xf32, #tpu.memory_space<vmem_shared>>
      tpu.enqueue_dma source(%dma_start3A_157 : memref<624x128xf32, #tpu.memory_space<vmem_shared>>) target(%dma_start3A_155 : memref<624x128xf32, #tpu.memory_space<hbm>>) target_semaphore(%run_scoped3A : memref<!tpu.dma_semaphore, #tpu.memory_space<semaphore_mem>>)
      %dma_wait3A_158 = arith.constant 0 : i32
      %dma_wait3A_159 = tpu.memref_slice %arg5[%arg0, %mul3A_149, %dma_wait3A_158] : memref<2x10000x128xf32, #tpu.memory_space<hbm>> -> memref<1x624x128xf32, #tpu.memory_space<hbm>>
      %dma_wait3A_160 = tpu.memref_squeeze %dma_wait3A_159 : memref<1x624x128xf32, #tpu.memory_space<hbm>> -> memref<624x128xf32, #tpu.memory_space<hbm>>
      %dma_wait3A_161 = arith.constant 0 : i32
      %dma_wait3A_162 = tpu.memref_slice %arg11[%mul3A_149, %dma_wait3A_161] : memref<10000x128xf32, #tpu.memory_space<vmem_shared>> -> memref<624x128xf32, #tpu.memory_space<vmem_shared>>
      tpu.wait_dma2 semaphore(%run_scoped3A : memref<!tpu.dma_semaphore, #tpu.memory_space<semaphore_mem>>) src(%dma_wait3A_162 : memref<624x128xf32, #tpu.memory_space<vmem_shared>>) dst(%dma_wait3A_160 : memref<624x128xf32, #tpu.memory_space<hbm>>)
      tpu.yield
    }) : () -> ()
    %eq3A_150 = arith.constant 15 : i32
    %eq3A_151 = arith.cmpi eq, %arg1, %eq3A_150 : i32
    %convert_element_type3A = arith.extui %eq3A_151 : i1 to i32
    %cond3A = arith.constant 0 : i32
    %cond3A_152 = arith.cmpi ne, %convert_element_type3A, %cond3A : i32
    scf.if %cond3A_152 {
      "tpu.region"() ({
        %run_scoped3A = tpu.sem_alloc : memref<!tpu.dma_semaphore, #tpu.memory_space<semaphore_mem>>
        %dma_start3A_153 = arith.constant 9984 : i32
        %dma_start3A_154 = arith.constant 0 : i32
        %dma_start3A_155 = tpu.memref_slice %arg5[%arg0, %dma_start3A_153, %dma_start3A_154] : memref<2x10000x128xf32, #tpu.memory_space<hbm>> -> memref<1x16x128xf32, #tpu.memory_space<hbm>>
        %dma_start3A_156 = tpu.memref_squeeze %dma_start3A_155 : memref<1x16x128xf32, #tpu.memory_space<hbm>> -> memref<16x128xf32, #tpu.memory_space<hbm>>
        %dma_start3A_157 = arith.constant 9984 : i32
        %dma_start3A_158 = arith.constant 0 : i32
        %dma_start3A_159 = tpu.memref_slice %arg11[%dma_start3A_157, %dma_start3A_158] : memref<10000x128xf32, #tpu.memory_space<vmem_shared>> -> memref<16x128xf32, #tpu.memory_space<vmem_shared>>
        tpu.enqueue_dma source(%dma_start3A_159 : memref<16x128xf32, #tpu.memory_space<vmem_shared>>) target(%dma_start3A_156 : memref<16x128xf32, #tpu.memory_space<hbm>>) target_semaphore(%run_scoped3A : memref<!tpu.dma_semaphore, #tpu.memory_space<semaphore_mem>>)
        %dma_wait3A_160 = arith.constant 9984 : i32
        %dma_wait3A_161 = arith.constant 0 : i32
        %dma_wait3A_162 = tpu.memref_slice %arg5[%arg0, %dma_wait3A_160, %dma_wait3A_161] : memref<2x10000x128xf32, #tpu.memory_space<hbm>> -> memref<1x16x128xf32, #tpu.memory_space<hbm>>
        %dma_wait3A_163 = tpu.memref_squeeze %dma_wait3A_162 : memref<1x16x128xf32, #tpu.memory_space<hbm>> -> memref<16x128xf32, #tpu.memory_space<hbm>>
        %dma_wait3A_164 = arith.constant 9984 : i32
        %dma_wait3A_165 = arith.constant 0 : i32
        %dma_wait3A_166 = tpu.memref_slice %arg11[%dma_wait3A_164, %dma_wait3A_165] : memref<10000x128xf32, #tpu.memory_space<vmem_shared>> -> memref<16x128xf32, #tpu.memory_space<vmem_shared>>
        tpu.wait_dma2 semaphore(%run_scoped3A : memref<!tpu.dma_semaphore, #tpu.memory_space<semaphore_mem>>) src(%dma_wait3A_166 : memref<16x128xf32, #tpu.memory_space<vmem_shared>>) dst(%dma_wait3A_163 : memref<16x128xf32, #tpu.memory_space<hbm>>)
        tpu.yield
      }) : () -> ()
    } else {
    }
    return
  }
}

module attributes {stable_mosaic.version = 14 : i64} {
  func.func @body(%arg0: i32, %arg1: memref<1000x128xf32, #tpu.memory_space<vmem>>, %arg2: memref<128x128xf32, #tpu.memory_space<vmem>>, %arg3: memref<1x128xf32, #tpu.memory_space<vmem>>, %arg4: memref<1000x128xf32, #tpu.memory_space<vmem>>) attributes {dimension_semantics = [#tpu.dimension_semantics<arbitrary>], iteration_bounds = array<i64: 10>, scalar_prefetch = 0 : i64, scratch_operands = 0 : i64, tpu.core_type = #tpu.core_type<tc>, window_params = [{transform_indices = @transform_0, window_bounds = array<i64: 1000, 128>}, {pipeline_mode = #tpu.pipeline_mode<synchronous>, transform_indices = @transform_1, window_bounds = array<i64: 128, 128>}, {pipeline_mode = #tpu.pipeline_mode<synchronous>, transform_indices = @transform_2, window_bounds = array<i64: 1, 128>}, {transform_indices = @transform_3, window_bounds = array<i64: 1000, 128>}]} {
    %get3A = arith.constant 0 : index
    %get3A_0 = arith.constant 0 : index
    %get3A_1 = vector.load %arg1[%get3A, %get3A_0] : memref<1000x128xf32, #tpu.memory_space<vmem>>, vector<1000x128xf32>
    %get3A_2 = arith.constant 0 : index
    %get3A_3 = arith.constant 0 : index
    %get3A_4 = vector.load %arg2[%get3A_2, %get3A_3] : memref<128x128xf32, #tpu.memory_space<vmem>>, vector<128x128xf32>
    %dot_general3A = arith.constant dense<0.000000e+00> : vector<1000x128xf32>
    %dot_general3A_5 = tpu.matmul %get3A_1, %get3A_4, %dot_general3A {dimension_numbers = #tpu.dot_dimension_numbers<[1], [0], [0], [1], [0, 0, 1, 1], [], []>, precision = #tpu.contract_precision<fp32>, transpose_lhs_hint = false} : vector<1000x128xf32>, vector<128x128xf32>, vector<1000x128xf32> -> vector<1000x128xf32>
    %get3A_6 = arith.constant 0 : index
    %get3A_7 = arith.constant 0 : index
    %get3A_8 = vector.load %arg3[%get3A_6, %get3A_7] : memref<1x128xf32, #tpu.memory_space<vmem>>, vector<1x128xf32>
    %add3A = vector.broadcast %get3A_8 : vector<1x128xf32> to vector<1000x128xf32>
    %add3A_9 = arith.addf %dot_general3A_5, %add3A : vector<1000x128xf32>
    %max3A = arith.constant 0.000000e+00 : f32
    %max3A_10 = vector.broadcast %max3A : f32 to vector<1000x128xf32>
    %max3A_11 = arith.maximumf %add3A_9, %max3A_10 : vector<1000x128xf32>
    %swap3A = arith.constant 0 : index
    %swap3A_12 = arith.constant 0 : index
    %swap3A_13 = vector.load %arg4[%swap3A, %swap3A_12] : memref<1000x128xf32, #tpu.memory_space<vmem>>, vector<1000x128xf32>
    tpu.vector_store %arg4[%swap3A, %swap3A_12], %max3A_11 {strides = array<i32>} : memref<1000x128xf32, #tpu.memory_space<vmem>>, vector<1000x128xf32>,
    return
  }
  func.func @transform_0(%arg0: i32) -> (i32, i32) {
    %c0_i32 = arith.constant 0 : i32
    %c0_i32_0 = arith.constant 0 : i32
    return %arg0, %c0_i32 : i32, i32
  }
  func.func @transform_1(%arg0: i32) -> (i32, i32) {
    %c0_i32 = arith.constant 0 : i32
    %c0_i32_0 = arith.constant 0 : i32
    %c0_i32_1 = arith.constant 0 : i32
    return %c0_i32, %c0_i32_0 : i32, i32
  }
  func.func @transform_2(%arg0: i32) -> (i32, i32) {
    %c0_i32 = arith.constant 0 : i32
    %c0_i32_0 = arith.constant 0 : i32
    %c0_i32_1 = arith.constant 0 : i32
    return %c0_i32, %c0_i32_0 : i32, i32
  }
  func.func @transform_3(%arg0: i32) -> (i32, i32) {
    %c0_i32 = arith.constant 0 : i32
    %c0_i32_0 = arith.constant 0 : i32
    return %arg0, %c0_i32 : i32, i32
  }
}

module attributes {stable_mosaic.version = 14 : i64} {
  func.func @body(%arg0: i32, %arg1: memref<1000x128xf32, #tpu.memory_space<vmem>>, %arg2: memref<2x1000x128xf32, #tpu.memory_space<vmem>>, %arg3: memref<2x1000x1xf32, #tpu.memory_space<vmem>>, %arg4: memref<128x128xf32, #tpu.memory_space<vmem>>, %arg5: memref<128x128xf32, #tpu.memory_space<vmem>>, %arg6: memref<1x128xf32, #tpu.memory_space<vmem>>, %arg7: memref<128x128xf32, #tpu.memory_space<vmem>>, %arg8: memref<1x128xf32, #tpu.memory_space<vmem>>, %arg9: memref<1000x128xf32, #tpu.memory_space<vmem>>, %arg10: memref<1000x128xf32, #tpu.memory_space<vmem>>) attributes {dimension_semantics = [#tpu.dimension_semantics<arbitrary>], iteration_bounds = array<i64: 10>, scalar_prefetch = 0 : i64, scratch_operands = 0 : i64, tpu.core_type = #tpu.core_type<tc>, window_params = [{transform_indices = @transform_0, window_bounds = array<i64: 1000, 128>}, {transform_indices = @transform_1, window_bounds = array<i64: 2, 1000, 128>}, {transform_indices = @transform_2, window_bounds = array<i64: 2, 1000, 1>}, {pipeline_mode = #tpu.pipeline_mode<synchronous>, transform_indices = @transform_3, window_bounds = array<i64: 128, 128>}, {pipeline_mode = #tpu.pipeline_mode<synchronous>, transform_indices = @transform_4, window_bounds = array<i64: 128, 128>}, {pipeline_mode = #tpu.pipeline_mode<synchronous>, transform_indices = @transform_5, window_bounds = array<i64: 1, 128>}, {pipeline_mode = #tpu.pipeline_mode<synchronous>, transform_indices = @transform_6, window_bounds = array<i64: 128, 128>}, {pipeline_mode = #tpu.pipeline_mode<synchronous>, transform_indices = @transform_7, window_bounds = array<i64: 1, 128>}, {transform_indices = @transform_8, window_bounds = array<i64: 1000, 128>}, {transform_indices = @transform_9, window_bounds = array<i64: 1000, 128>}]} {
    %get3A = arith.constant 0 : index
    %get3A_0 = arith.constant 0 : index
    %get3A_1 = arith.constant 0 : index
    %get3A_2 = vector.load %arg3[%get3A, %get3A_0, %get3A_1] : memref<2x1000x1xf32, #tpu.memory_space<vmem>>, vector<1x1000x1xf32>
    %get3A_3 = vector.shape_cast %get3A_2 : vector<1x1000x1xf32> to vector<1000x1xf32>
    %get3A_4 = arith.constant 1 : index
    %get3A_5 = arith.constant 0 : index
    %get3A_6 = arith.constant 0 : index
    %get3A_7 = vector.load %arg3[%get3A_4, %get3A_5, %get3A_6] : memref<2x1000x1xf32, #tpu.memory_space<vmem>>, vector<1x1000x1xf32>
    %get3A_8 = vector.shape_cast %get3A_7 : vector<1x1000x1xf32> to vector<1000x1xf32>
    %add3A = arith.addf %get3A_3, %get3A_8 : vector<1000x1xf32>
    %get3A_9 = arith.constant 0 : index
    %get3A_10 = arith.constant 0 : index
    %get3A_11 = arith.constant 0 : index
    %get3A_12 = vector.load %arg2[%get3A_9, %get3A_10, %get3A_11] : memref<2x1000x128xf32, #tpu.memory_space<vmem>>, vector<1x1000x128xf32>
    %get3A_13 = vector.shape_cast %get3A_12 : vector<1x1000x128xf32> to vector<1000x128xf32>
    %get3A_14 = arith.constant 1 : index
    %get3A_15 = arith.constant 0 : index
    %get3A_16 = arith.constant 0 : index
    %get3A_17 = vector.load %arg2[%get3A_14, %get3A_15, %get3A_16] : memref<2x1000x128xf32, #tpu.memory_space<vmem>>, vector<1x1000x128xf32>
    %get3A_18 = vector.shape_cast %get3A_17 : vector<1x1000x128xf32> to vector<1000x128xf32>
    %add3A_19 = arith.addf %get3A_13, %get3A_18 : vector<1000x128xf32>
    %max3A = arith.constant 1.000000e+00 : f32
    %max3A_20 = vector.broadcast %max3A : f32 to vector<1000x1xf32>
    %max3A_21 = arith.maximumf %add3A, %max3A_20 : vector<1000x1xf32>
    %div3A = vector.broadcast %max3A_21 : vector<1000x1xf32> to vector<1000x128xf32>
    %div3A_22 = arith.divf %add3A_19, %div3A : vector<1000x128xf32>
    %get3A_23 = arith.constant 0 : index
    %get3A_24 = arith.constant 0 : index
    %get3A_25 = vector.load %arg1[%get3A_23, %get3A_24] : memref<1000x128xf32, #tpu.memory_space<vmem>>, vector<1000x128xf32>
    %get3A_26 = arith.constant 0 : index
    %get3A_27 = arith.constant 0 : index
    %get3A_28 = vector.load %arg4[%get3A_26, %get3A_27] : memref<128x128xf32, #tpu.memory_space<vmem>>, vector<128x128xf32>
    %dot_general3A = arith.constant dense<0.000000e+00> : vector<1000x128xf32>
    %dot_general3A_29 = tpu.matmul %get3A_25, %get3A_28, %dot_general3A {dimension_numbers = #tpu.dot_dimension_numbers<[1], [0], [0], [1], [0, 0, 1, 1], [], []>, precision = #tpu.contract_precision<fp32>, transpose_lhs_hint = false} : vector<1000x128xf32>, vector<128x128xf32>, vector<1000x128xf32> -> vector<1000x128xf32>
    %get3A_30 = arith.constant 0 : index
    %get3A_31 = arith.constant 0 : index
    %get3A_32 = vector.load %arg5[%get3A_30, %get3A_31] : memref<128x128xf32, #tpu.memory_space<vmem>>, vector<128x128xf32>
    %dot_general3A_33 = arith.constant dense<0.000000e+00> : vector<1000x128xf32>
    %dot_general3A_34 = tpu.matmul %div3A_22, %get3A_32, %dot_general3A_33 {dimension_numbers = #tpu.dot_dimension_numbers<[1], [0], [0], [1], [0, 0, 1, 1], [], []>, precision = #tpu.contract_precision<fp32>, transpose_lhs_hint = false} : vector<1000x128xf32>, vector<128x128xf32>, vector<1000x128xf32> -> vector<1000x128xf32>
    %add3A_35 = arith.addf %dot_general3A_29, %dot_general3A_34 : vector<1000x128xf32>
    %get3A_36 = arith.constant 0 : index
    %get3A_37 = arith.constant 0 : index
    %get3A_38 = vector.load %arg6[%get3A_36, %get3A_37] : memref<1x128xf32, #tpu.memory_space<vmem>>, vector<1x128xf32>
    %add3A_39 = vector.broadcast %get3A_38 : vector<1x128xf32> to vector<1000x128xf32>
    %add3A_40 = arith.addf %add3A_35, %add3A_39 : vector<1000x128xf32>
    %max3A_41 = arith.constant 0.000000e+00 : f32
    %max3A_42 = vector.broadcast %max3A_41 : f32 to vector<1000x128xf32>
    %max3A_43 = arith.maximumf %add3A_40, %max3A_42 : vector<1000x128xf32>
    %mul3A = arith.mulf %max3A_43, %max3A_43 : vector<1000x128xf32>
    %reduce_sum3A = arith.constant dense<0.000000e+00> : vector<1000xf32>
    %reduce_sum3A_44 = vector.multi_reduction <add>, %mul3A, %reduce_sum3A [1] : vector<1000x128xf32> to vector<1000xf32>
    %broadcast_in_dim3A = vector.shape_cast %reduce_sum3A_44 : vector<1000xf32> to vector<1000x1xf32>
    %sqrt3A = math.sqrt %broadcast_in_dim3A : vector<1000x1xf32>
    %max3A_45 = arith.constant 9.99999997E-7 : f32
    %max3A_46 = vector.broadcast %max3A_45 : f32 to vector<1000x1xf32>
    %max3A_47 = arith.maximumf %sqrt3A, %max3A_46 : vector<1000x1xf32>
    %div3A_48 = vector.broadcast %max3A_47 : vector<1000x1xf32> to vector<1000x128xf32>
    %div3A_49 = arith.divf %max3A_43, %div3A_48 : vector<1000x128xf32>
    %swap3A = arith.constant 0 : index
    %swap3A_50 = arith.constant 0 : index
    %swap3A_51 = vector.load %arg9[%swap3A, %swap3A_50] : memref<1000x128xf32, #tpu.memory_space<vmem>>, vector<1000x128xf32>
    tpu.vector_store %arg9[%swap3A, %swap3A_50], %div3A_49 {strides = array<i32>} : memref<1000x128xf32, #tpu.memory_space<vmem>>, vector<1000x128xf32>,
    %get3A_52 = arith.constant 0 : index
    %get3A_53 = arith.constant 0 : index
    %get3A_54 = vector.load %arg7[%get3A_52, %get3A_53] : memref<128x128xf32, #tpu.memory_space<vmem>>, vector<128x128xf32>
    %dot_general3A_55 = arith.constant dense<0.000000e+00> : vector<1000x128xf32>
    %dot_general3A_56 = tpu.matmul %div3A_49, %get3A_54, %dot_general3A_55 {dimension_numbers = #tpu.dot_dimension_numbers<[1], [0], [0], [1], [0, 0, 1, 1], [], []>, precision = #tpu.contract_precision<fp32>, transpose_lhs_hint = false} : vector<1000x128xf32>, vector<128x128xf32>, vector<1000x128xf32> -> vector<1000x128xf32>
    %get3A_57 = arith.constant 0 : index
    %get3A_58 = arith.constant 0 : index
    %get3A_59 = vector.load %arg8[%get3A_57, %get3A_58] : memref<1x128xf32, #tpu.memory_space<vmem>>, vector<1x128xf32>
    %add3A_60 = vector.broadcast %get3A_59 : vector<1x128xf32> to vector<1000x128xf32>
    %add3A_61 = arith.addf %dot_general3A_56, %add3A_60 : vector<1000x128xf32>
    %max3A_62 = arith.constant 0.000000e+00 : f32
    %max3A_63 = vector.broadcast %max3A_62 : f32 to vector<1000x128xf32>
    %max3A_64 = arith.maximumf %add3A_61, %max3A_63 : vector<1000x128xf32>
    %swap3A_65 = arith.constant 0 : index
    %swap3A_66 = arith.constant 0 : index
    %swap3A_67 = vector.load %arg10[%swap3A_65, %swap3A_66] : memref<1000x128xf32, #tpu.memory_space<vmem>>, vector<1000x128xf32>
    tpu.vector_store %arg10[%swap3A_65, %swap3A_66], %max3A_64 {strides = array<i32>} : memref<1000x128xf32, #tpu.memory_space<vmem>>, vector<1000x128xf32>,
    return
  }
  func.func @transform_0(%arg0: i32) -> (i32, i32) {
    %c0_i32 = arith.constant 0 : i32
    %c0_i32_0 = arith.constant 0 : i32
    return %arg0, %c0_i32 : i32, i32
  }
  func.func @transform_1(%arg0: i32) -> (i32, i32, i32) {
    %c0_i32 = arith.constant 0 : i32
    %c0_i32_0 = arith.constant 0 : i32
    %c0_i32_1 = arith.constant 0 : i32
    return %c0_i32, %arg0, %c0_i32_0 : i32, i32, i32
  }
  func.func @transform_2(%arg0: i32) -> (i32, i32, i32) {
    %c0_i32 = arith.constant 0 : i32
    %c0_i32_0 = arith.constant 0 : i32
    %c0_i32_1 = arith.constant 0 : i32
    return %c0_i32, %arg0, %c0_i32_0 : i32, i32, i32
  }
  func.func @transform_3(%arg0: i32) -> (i32, i32) {
    %c0_i32 = arith.constant 0 : i32
    %c0_i32_0 = arith.constant 0 : i32
    %c0_i32_1 = arith.constant 0 : i32
    return %c0_i32, %c0_i32_0 : i32, i32
  }
  func.func @transform_4(%arg0: i32) -> (i32, i32) {
    %c0_i32 = arith.constant 0 : i32
    %c0_i32_0 = arith.constant 0 : i32
    %c0_i32_1 = arith.constant 0 : i32
    return %c0_i32, %c0_i32_0 : i32, i32
  }
  func.func @transform_5(%arg0: i32) -> (i32, i32) {
    %c0_i32 = arith.constant 0 : i32
    %c0_i32_0 = arith.constant 0 : i32
    %c0_i32_1 = arith.constant 0 : i32
    return %c0_i32, %c0_i32_0 : i32, i32
  }
  func.func @transform_6(%arg0: i32) -> (i32, i32) {
    %c0_i32 = arith.constant 0 : i32
    %c0_i32_0 = arith.constant 0 : i32
    %c0_i32_1 = arith.constant 0 : i32
    return %c0_i32, %c0_i32_0 : i32, i32
  }
  func.func @transform_7(%arg0: i32) -> (i32, i32) {
    %c0_i32 = arith.constant 0 : i32
    %c0_i32_0 = arith.constant 0 : i32
    %c0_i32_1 = arith.constant 0 : i32
    return %c0_i32, %c0_i32_0 : i32, i32
  }
  func.func @transform_8(%arg0: i32) -> (i32, i32) {
    %c0_i32 = arith.constant 0 : i32
    %c0_i32_0 = arith.constant 0 : i32
    return %arg0, %c0_i32 : i32, i32
  }
  func.func @transform_9(%arg0: i32) -> (i32, i32) {
    %c0_i32 = arith.constant 0 : i32
    %c0_i32_0 = arith.constant 0 : i32
    return %arg0, %c0_i32 : i32, i32
  }
}

module attributes {stable_mosaic.version = 14 : i64} {
  func.func @body(%arg0: i32, %arg1: memref<1000x128xf32, #tpu.memory_space<vmem>>, %arg2: memref<2x1000x128xf32, #tpu.memory_space<vmem>>, %arg3: memref<2x1000x1xf32, #tpu.memory_space<vmem>>, %arg4: memref<128x128xf32, #tpu.memory_space<vmem>>, %arg5: memref<128x128xf32, #tpu.memory_space<vmem>>, %arg6: memref<1x128xf32, #tpu.memory_space<vmem>>, %arg7: memref<128x128xf32, #tpu.memory_space<vmem>>, %arg8: memref<1x128xf32, #tpu.memory_space<vmem>>, %arg9: memref<1000x128xf32, #tpu.memory_space<vmem>>, %arg10: memref<1000x128xf32, #tpu.memory_space<vmem>>) attributes {dimension_semantics = [#tpu.dimension_semantics<arbitrary>], iteration_bounds = array<i64: 10>, scalar_prefetch = 0 : i64, scratch_operands = 0 : i64, tpu.core_type = #tpu.core_type<tc>, window_params = [{transform_indices = @transform_0, window_bounds = array<i64: 1000, 128>}, {transform_indices = @transform_1, window_bounds = array<i64: 2, 1000, 128>}, {transform_indices = @transform_2, window_bounds = array<i64: 2, 1000, 1>}, {pipeline_mode = #tpu.pipeline_mode<synchronous>, transform_indices = @transform_3, window_bounds = array<i64: 128, 128>}, {pipeline_mode = #tpu.pipeline_mode<synchronous>, transform_indices = @transform_4, window_bounds = array<i64: 128, 128>}, {pipeline_mode = #tpu.pipeline_mode<synchronous>, transform_indices = @transform_5, window_bounds = array<i64: 1, 128>}, {pipeline_mode = #tpu.pipeline_mode<synchronous>, transform_indices = @transform_6, window_bounds = array<i64: 128, 128>}, {pipeline_mode = #tpu.pipeline_mode<synchronous>, transform_indices = @transform_7, window_bounds = array<i64: 1, 128>}, {transform_indices = @transform_8, window_bounds = array<i64: 1000, 128>}, {transform_indices = @transform_9, window_bounds = array<i64: 1000, 128>}]} {
    %get3A = arith.constant 0 : index
    %get3A_0 = arith.constant 0 : index
    %get3A_1 = arith.constant 0 : index
    %get3A_2 = vector.load %arg3[%get3A, %get3A_0, %get3A_1] : memref<2x1000x1xf32, #tpu.memory_space<vmem>>, vector<1x1000x1xf32>
    %get3A_3 = vector.shape_cast %get3A_2 : vector<1x1000x1xf32> to vector<1000x1xf32>
    %get3A_4 = arith.constant 1 : index
    %get3A_5 = arith.constant 0 : index
    %get3A_6 = arith.constant 0 : index
    %get3A_7 = vector.load %arg3[%get3A_4, %get3A_5, %get3A_6] : memref<2x1000x1xf32, #tpu.memory_space<vmem>>, vector<1x1000x1xf32>
    %get3A_8 = vector.shape_cast %get3A_7 : vector<1x1000x1xf32> to vector<1000x1xf32>
    %add3A = arith.addf %get3A_3, %get3A_8 : vector<1000x1xf32>
    %get3A_9 = arith.constant 0 : index
    %get3A_10 = arith.constant 0 : index
    %get3A_11 = arith.constant 0 : index
    %get3A_12 = vector.load %arg2[%get3A_9, %get3A_10, %get3A_11] : memref<2x1000x128xf32, #tpu.memory_space<vmem>>, vector<1x1000x128xf32>
    %get3A_13 = vector.shape_cast %get3A_12 : vector<1x1000x128xf32> to vector<1000x128xf32>
    %get3A_14 = arith.constant 1 : index
    %get3A_15 = arith.constant 0 : index
    %get3A_16 = arith.constant 0 : index
    %get3A_17 = vector.load %arg2[%get3A_14, %get3A_15, %get3A_16] : memref<2x1000x128xf32, #tpu.memory_space<vmem>>, vector<1x1000x128xf32>
    %get3A_18 = vector.shape_cast %get3A_17 : vector<1x1000x128xf32> to vector<1000x128xf32>
    %add3A_19 = arith.addf %get3A_13, %get3A_18 : vector<1000x128xf32>
    %max3A = arith.constant 1.000000e+00 : f32
    %max3A_20 = vector.broadcast %max3A : f32 to vector<1000x1xf32>
    %max3A_21 = arith.maximumf %add3A, %max3A_20 : vector<1000x1xf32>
    %div3A = vector.broadcast %max3A_21 : vector<1000x1xf32> to vector<1000x128xf32>
    %div3A_22 = arith.divf %add3A_19, %div3A : vector<1000x128xf32>
    %get3A_23 = arith.constant 0 : index
    %get3A_24 = arith.constant 0 : index
    %get3A_25 = vector.load %arg1[%get3A_23, %get3A_24] : memref<1000x128xf32, #tpu.memory_space<vmem>>, vector<1000x128xf32>
    %get3A_26 = arith.constant 0 : index
    %get3A_27 = arith.constant 0 : index
    %get3A_28 = vector.load %arg4[%get3A_26, %get3A_27] : memref<128x128xf32, #tpu.memory_space<vmem>>, vector<128x128xf32>
    %dot_general3A = arith.constant dense<0.000000e+00> : vector<1000x128xf32>
    %dot_general3A_29 = tpu.matmul %get3A_25, %get3A_28, %dot_general3A {dimension_numbers = #tpu.dot_dimension_numbers<[1], [0], [0], [1], [0, 0, 1, 1], [], []>, precision = #tpu.contract_precision<fp32>, transpose_lhs_hint = false} : vector<1000x128xf32>, vector<128x128xf32>, vector<1000x128xf32> -> vector<1000x128xf32>
    %get3A_30 = arith.constant 0 : index
    %get3A_31 = arith.constant 0 : index
    %get3A_32 = vector.load %arg5[%get3A_30, %get3A_31] : memref<128x128xf32, #tpu.memory_space<vmem>>, vector<128x128xf32>
    %dot_general3A_33 = arith.constant dense<0.000000e+00> : vector<1000x128xf32>
    %dot_general3A_34 = tpu.matmul %div3A_22, %get3A_32, %dot_general3A_33 {dimension_numbers = #tpu.dot_dimension_numbers<[1], [0], [0], [1], [0, 0, 1, 1], [], []>, precision = #tpu.contract_precision<fp32>, transpose_lhs_hint = false} : vector<1000x128xf32>, vector<128x128xf32>, vector<1000x128xf32> -> vector<1000x128xf32>
    %add3A_35 = arith.addf %dot_general3A_29, %dot_general3A_34 : vector<1000x128xf32>
    %get3A_36 = arith.constant 0 : index
    %get3A_37 = arith.constant 0 : index
    %get3A_38 = vector.load %arg6[%get3A_36, %get3A_37] : memref<1x128xf32, #tpu.memory_space<vmem>>, vector<1x128xf32>
    %add3A_39 = vector.broadcast %get3A_38 : vector<1x128xf32> to vector<1000x128xf32>
    %add3A_40 = arith.addf %add3A_35, %add3A_39 : vector<1000x128xf32>
    %max3A_41 = arith.constant 0.000000e+00 : f32
    %max3A_42 = vector.broadcast %max3A_41 : f32 to vector<1000x128xf32>
    %max3A_43 = arith.maximumf %add3A_40, %max3A_42 : vector<1000x128xf32>
    %mul3A = arith.mulf %max3A_43, %max3A_43 : vector<1000x128xf32>
    %reduce_sum3A = arith.constant dense<0.000000e+00> : vector<1000xf32>
    %reduce_sum3A_44 = vector.multi_reduction <add>, %mul3A, %reduce_sum3A [1] : vector<1000x128xf32> to vector<1000xf32>
    %broadcast_in_dim3A = vector.shape_cast %reduce_sum3A_44 : vector<1000xf32> to vector<1000x1xf32>
    %sqrt3A = math.sqrt %broadcast_in_dim3A : vector<1000x1xf32>
    %max3A_45 = arith.constant 9.99999997E-7 : f32
    %max3A_46 = vector.broadcast %max3A_45 : f32 to vector<1000x1xf32>
    %max3A_47 = arith.maximumf %sqrt3A, %max3A_46 : vector<1000x1xf32>
    %div3A_48 = vector.broadcast %max3A_47 : vector<1000x1xf32> to vector<1000x128xf32>
    %div3A_49 = arith.divf %max3A_43, %div3A_48 : vector<1000x128xf32>
    %swap3A = arith.constant 0 : index
    %swap3A_50 = arith.constant 0 : index
    %swap3A_51 = vector.load %arg9[%swap3A, %swap3A_50] : memref<1000x128xf32, #tpu.memory_space<vmem>>, vector<1000x128xf32>
    tpu.vector_store %arg9[%swap3A, %swap3A_50], %div3A_49 {strides = array<i32>} : memref<1000x128xf32, #tpu.memory_space<vmem>>, vector<1000x128xf32>,
    %get3A_52 = arith.constant 0 : index
    %get3A_53 = arith.constant 0 : index
    %get3A_54 = vector.load %arg7[%get3A_52, %get3A_53] : memref<128x128xf32, #tpu.memory_space<vmem>>, vector<128x128xf32>
    %dot_general3A_55 = arith.constant dense<0.000000e+00> : vector<1000x128xf32>
    %dot_general3A_56 = tpu.matmul %div3A_49, %get3A_54, %dot_general3A_55 {dimension_numbers = #tpu.dot_dimension_numbers<[1], [0], [0], [1], [0, 0, 1, 1], [], []>, precision = #tpu.contract_precision<fp32>, transpose_lhs_hint = false} : vector<1000x128xf32>, vector<128x128xf32>, vector<1000x128xf32> -> vector<1000x128xf32>
    %get3A_57 = arith.constant 0 : index
    %get3A_58 = arith.constant 0 : index
    %get3A_59 = vector.load %arg8[%get3A_57, %get3A_58] : memref<1x128xf32, #tpu.memory_space<vmem>>, vector<1x128xf32>
    %add3A_60 = vector.broadcast %get3A_59 : vector<1x128xf32> to vector<1000x128xf32>
    %add3A_61 = arith.addf %dot_general3A_56, %add3A_60 : vector<1000x128xf32>
    %max3A_62 = arith.constant 0.000000e+00 : f32
    %max3A_63 = vector.broadcast %max3A_62 : f32 to vector<1000x128xf32>
    %max3A_64 = arith.maximumf %add3A_61, %max3A_63 : vector<1000x128xf32>
    %swap3A_65 = arith.constant 0 : index
    %swap3A_66 = arith.constant 0 : index
    %swap3A_67 = vector.load %arg10[%swap3A_65, %swap3A_66] : memref<1000x128xf32, #tpu.memory_space<vmem>>, vector<1000x128xf32>
    tpu.vector_store %arg10[%swap3A_65, %swap3A_66], %max3A_64 {strides = array<i32>} : memref<1000x128xf32, #tpu.memory_space<vmem>>, vector<1000x128xf32>,
    return
  }
  func.func @transform_0(%arg0: i32) -> (i32, i32) {
    %c0_i32 = arith.constant 0 : i32
    %c0_i32_0 = arith.constant 0 : i32
    return %arg0, %c0_i32 : i32, i32
  }
  func.func @transform_1(%arg0: i32) -> (i32, i32, i32) {
    %c0_i32 = arith.constant 0 : i32
    %c0_i32_0 = arith.constant 0 : i32
    %c0_i32_1 = arith.constant 0 : i32
    return %c0_i32, %arg0, %c0_i32_0 : i32, i32, i32
  }
  func.func @transform_2(%arg0: i32) -> (i32, i32, i32) {
    %c0_i32 = arith.constant 0 : i32
    %c0_i32_0 = arith.constant 0 : i32
    %c0_i32_1 = arith.constant 0 : i32
    return %c0_i32, %arg0, %c0_i32_0 : i32, i32, i32
  }
  func.func @transform_3(%arg0: i32) -> (i32, i32) {
    %c0_i32 = arith.constant 0 : i32
    %c0_i32_0 = arith.constant 0 : i32
    %c0_i32_1 = arith.constant 0 : i32
    return %c0_i32, %c0_i32_0 : i32, i32
  }
  func.func @transform_4(%arg0: i32) -> (i32, i32) {
    %c0_i32 = arith.constant 0 : i32
    %c0_i32_0 = arith.constant 0 : i32
    %c0_i32_1 = arith.constant 0 : i32
    return %c0_i32, %c0_i32_0 : i32, i32
  }
  func.func @transform_5(%arg0: i32) -> (i32, i32) {
    %c0_i32 = arith.constant 0 : i32
    %c0_i32_0 = arith.constant 0 : i32
    %c0_i32_1 = arith.constant 0 : i32
    return %c0_i32, %c0_i32_0 : i32, i32
  }
  func.func @transform_6(%arg0: i32) -> (i32, i32) {
    %c0_i32 = arith.constant 0 : i32
    %c0_i32_0 = arith.constant 0 : i32
    %c0_i32_1 = arith.constant 0 : i32
    return %c0_i32, %c0_i32_0 : i32, i32
  }
  func.func @transform_7(%arg0: i32) -> (i32, i32) {
    %c0_i32 = arith.constant 0 : i32
    %c0_i32_0 = arith.constant 0 : i32
    %c0_i32_1 = arith.constant 0 : i32
    return %c0_i32, %c0_i32_0 : i32, i32
  }
  func.func @transform_8(%arg0: i32) -> (i32, i32) {
    %c0_i32 = arith.constant 0 : i32
    %c0_i32_0 = arith.constant 0 : i32
    return %arg0, %c0_i32 : i32, i32
  }
  func.func @transform_9(%arg0: i32) -> (i32, i32) {
    %c0_i32 = arith.constant 0 : i32
    %c0_i32_0 = arith.constant 0 : i32
    return %arg0, %c0_i32 : i32, i32
  }
}

</mosaic_0001>

<sc_bundles>
// kernel: kernel.10.cloned.1.call-start
scs
__scs_entry_jumppad:
0x0: {  	(pc) =	sbr.rel $0x88, $3  }
0x1: {  	(tag) =	ssettag $0x0;
	lr =	simm.s32 $0x1  }
0x2: {  	[smem:$0x3F95] =	sst lr;
	_ =	strace $0xD0000000  }
0x3: {  	_ = 	snop  }
0x4: {  	_ = 	snop  }
0x5: {  	_ = 	snop  }
0x6: {  	_ = 	snop  }
0x7: {  	_ = 	snop  }
__scs_overlays_trampoline_lowered:
0x8: {  	[smem:$0x3FA4] =	sst s0  }
0x9: {  	[smem:$0x3FA5] =	sst s1  }
0xa: {  	[smem:$0x3FA6] =	sst s2  }
0xb: {  	[smem:$0x3FA7] =	sst s3  }
0xc: {  	[smem:$0x3FA8] =	sst s4  }
0xd: {  	[smem:$0x3FA9] =	sst s5  }
0xe: {  	[smem:$0x3FAA] =	sst s6  }
0xf: {  	[smem:$0x3FAB] =	sst s7  }
0x10: {  	[smem:$0x3FAC] =	sst s8  }
0x11: {  	[smem:$0x3FAD] =	sst s9;
	s0 =	simm.s32 @!p0 $0x0  }
0x12: {  	s1 =	sld [smem:$0x3F93];
	s0 =	simm.s32 @p0 $0x1  }
0x13: {  	[smem:$0x3FAE] =	sst s0;
	s0 =	simm.s32 @!p1 $0x0  }
0x14: {  	s2 =	sld [smem:$0x3F92];
	s0 =	simm.s32 @p1 $0x1  }
0x15: {  	[smem:$0x3FAF] =	sst s0;
	s0 =	simm.s32 @!p2 $0x0  }
0x16: {  	s3 =	sld [smem:$0x3FDB];
	s0 =	simm.s32 @p2 $0x1  }
0x17: {  	s4 =	simm.s32 $0x1BF5;
	[smem:$0x3FB1] =	sst s0  }
0x18: {  	s0 =	sld [smem:$0x3F94];
	_ =	swait.ge [sflag:s4], $0x0  }
0x19: {  	s7 =	sld [smem:$0x3F95]  }
0x1a: {  	s8 =	sadd.s32 $0xFFFFE003, lr  }
0x1b: {  	s9 =	sadd.s32 $0xFFFFFEF7, lr;
	s5 =	simm.s32 $0xFFFFFFFF;
	p2 =	slt.u32 s8, $0xFFFFF086  }
0x1c: {  	p1 =	slt.u32 s9, $0xF7A;
	s5 =	simm.s32 @!p2 $0x0  }
0x1d: {  	s5 =	simm.s32 @p1 $0x1;
	p0 =	seq.s32 s7, s2  }
0x1e: {  	s7 =	smul.u32 @!p0 $0xF7A, s2;
	p2 =	seq.s32 @!p0 s5, $0x0  }
0x1f: {  	s9 =	smul.u32 $0xF7A, s1;
	s8 =	simm.s32 @!p0 $0x1BF5;
	p2 =	por !p2, p0  }
0x20: {  	[sflag:s8] =	ssyncset.s32 @!p0 $0xFFFFF086;
	s6 =	sadd.s32 @!p0 s3, s7;
	s7 =	simm.s32 @!p0 $0x108  }
0x21: {  	s3 =	sadd.s32 s3, s9;
	s6 =	sadd.s32 @!p0 $0x88, s6;
	s7 =	simm.s32 @p2 $0x1082  }
0x22: {  	[simem:s7], [sflag:s8] =	dma.local @!p0 [hbm:s6], $0xF7A  }
0x23: {  	s9 =	sor.u32 $0xD0000000, s2;
	s6 =	simm.s32 $0x108;
	_ =	swait.ge @!p0 [sflag:s8], $0x0  }
0x24: {  	s3 =	sadd.s32 $0x88, s3;
	s6 =	simm.s32 @!p1 $0x1082;
	[sflag:s4] =	ssyncset.s32 $0xFFFFF086  }
0x25: {  	[simem:s6], [sflag:s4] =	dma.local [hbm:s3], $0xF7A  }
0x26: {  	[smem:$0x3F95] =	sst s1;
	(tag) =	ssettag s2;
	_ =	strace s9  }
0x27: {  	s1 =	sld [smem:$0x3FA5]  }
0x28: {  	s2 =	sld [smem:$0x3FA6]  }
0x29: {  	s4 =	sld [smem:$0x3FA8]  }
0x2a: {  	p0 =	seq.s32 s5, $0x0;
	s5 =	sld [smem:$0x3FA9]  }
0x2b: {  	s6 =	sld [smem:$0x3FAA]  }
0x2c: {  	s7 =	sld [smem:$0x3FAB]  }
0x2d: {  	s3 =	simm.s32 $0x108;
	s8 =	sld [smem:$0x3FAC]  }
0x2e: {  	s3 =	simm.s32 @!p0 $0x1082;
	s9 =	sld [smem:$0x3FAD]  }
0x2f: {  	lr =	sadd.s32 s0, s3;
	s0 =	sld [smem:$0x3FA4]  }
0x30: {  	s3 =	sld [smem:$0x3FA7]  }
0x31: {  	[smem:$0x3FB0] =	sst s10  }
0x32: {  	s10 =	sld [smem:$0x3FAE];
	_ =	sdelay $0x3  }
0x33: {  	p0 =	seq.s32 s10, $0x1;
	s10 =	sld [smem:$0x3FB0];
	_ =	sdelay $0x3  }
0x34: {  	[smem:$0x3FB0] =	sst s10  }
0x35: {  	s10 =	sld [smem:$0x3FAF];
	_ =	sdelay $0x3  }
0x36: {  	p1 =	seq.s32 s10, $0x1;
	s10 =	sld [smem:$0x3FB0];
	_ =	sdelay $0x3  }
0x37: {  	[smem:$0x3FB0] =	sst s10  }
0x38: {  	s10 =	sld [smem:$0x3FB1]  }
0x39: {  	_ = 	snop;
	(pc) =	sbr.ind lr, $3  }
0x3a: {  	_ = 	snop  }
0x3b: {  	_ = 	snop  }
0x3c: {  	p2 =	seq.s32 s10, $0x1;
	s10 =	sld [smem:$0x3FB0]  }
0x3d: {  	_ =	shalt  }
0x3e: {  	_ =	shalt  }
0x3f: {  	_ =	shalt  }
0x40: {  	_ =	shalt  }
0x41: {  	_ =	shalt  }
0x42: {  	_ =	shalt  }
0x43: {  	_ =	shalt  }
0x44: {  	_ =	shalt  }
0x45: {  	_ =	shalt  }
0x46: {  	_ =	shalt  }
0x47: {  	_ =	shalt  }
0x48: {  	_ =	shalt  }
0x49: {  	_ =	shalt  }
0x4a: {  	_ =	shalt  }
0x4b: {  	_ =	shalt  }
0x4c: {  	_ =	shalt  }
0x4d: {  	_ =	shalt  }
0x4e: {  	_ =	shalt  }
0x4f: {  	_ =	shalt  }
0x50: {  	_ =	shalt  }
0x51: {  	_ =	shalt  }
0x52: {  	_ =	shalt  }
0x53: {  	_ =	shalt  }
0x54: {  	_ =	shalt  }
0x55: {  	_ =	shalt  }
0x56: {  	_ =	shalt  }
0x57: {  	_ =	shalt  }
0x58: {  	_ =	shalt  }
0x59: {  	_ =	shalt  }
0x5a: {  	_ =	shalt  }
0x5b: {  	_ =	shalt  }
0x5c: {  	_ =	shalt  }
0x5d: {  	_ =	shalt  }
0x5e: {  	_ =	shalt  }
0x5f: {  	_ =	shalt  }
0x60: {  	_ =	shalt  }
0x61: {  	_ =	shalt  }
0x62: {  	_ =	shalt  }
0x63: {  	_ =	shalt  }
0x64: {  	_ =	shalt  }
0x65: {  	_ =	shalt  }
0x66: {  	_ =	shalt  }
0x67: {  	_ =	shalt  }
0x68: {  	_ =	shalt  }
0x69: {  	_ =	shalt  }
0x6a: {  	_ =	shalt  }
0x6b: {  	_ =	shalt  }
0x6c: {  	_ =	shalt  }
0x6d: {  	_ =	shalt  }
0x6e: {  	_ =	shalt  }
0x6f: {  	_ =	shalt  }
0x70: {  	_ =	shalt  }
0x71: {  	_ =	shalt  }
0x72: {  	_ =	shalt  }
0x73: {  	_ =	shalt  }
0x74: {  	_ =	shalt  }
0x75: {  	_ =	shalt  }
0x76: {  	_ =	shalt  }
0x77: {  	_ =	shalt  }
0x78: {  	_ =	shalt  }
0x79: {  	_ =	shalt  }
0x7a: {  	_ =	shalt  }
0x7b: {  	_ =	shalt  }
0x7c: {  	_ =	shalt  }
0x7d: {  	_ =	shalt  }
0x7e: {  	_ =	shalt  }
0x7f: {  	_ =	shalt  }
0x80: {  	_ =	shalt  }
0x81: {  	_ =	shalt  }
0x82: {  	_ =	shalt  }
0x83: {  	_ =	shalt  }
0x84: {  	_ =	shalt  }
0x85: {  	_ =	shalt  }
0x86: {  	_ =	shalt  }
0x87: {  	_ =	shalt  }
.Lfunc_end0:
.L_simem_size_0:
called_computation.1_lowered:
.L_overlay_start_0:
0x88: {  	s2 =	sld [smem:$0x3FD9]  }
0x89: {  	s3 =	sld [smem:$0x3FFE];
	_ =	sdelay $0x1  }
0x8a: {  	s1 =	srdreg.scid  }
0x8b: {  	s0 =	sand.u32 $0x1, s1  }
0x8c: {  	s17 =	sshll.u32 s0, $0xA;
	s2 =	sadd.s32 s3, s2  }
0x8d: {  	s2 =	sadd.s32 s2, s17  }
0x8e: {  	[smem:$0x3FBC] =	sst s2  }
0x8f: {  	_ = 	snop  }
0x90: {  	s2 =	sld [smem:$0x3FD0];
	(tm) =	ssettm $0x1  }
0x91: {  	s18 =	sld [smem:$0x3FFB];
	_ =	sdelay $0x3  }
0x92: {  	_ =	strace s18  }
0x93: {  	s3 =	sld [smem:$0x3FFC];
	_ =	sdelay $0x3  }
0x94: {  	_ =	strace s3  }
0x95: {  	s3 =	sld [smem:$0x3FFD];
	_ =	sdelay $0x3  }
0x96: {  	_ =	strace s3  }
0x97: {  	_ =	strace $0x8FFFFFFF  }
0x98: {  	s19 =	sld [smem:$0x3FDB];
	_ =	sdelay $0x1  }
0x99: {  	s4 =	simm.s32 $_scs_section_size  }
0x9a: {  	s5 =	simm.s32 $_size__tile_overlayer_lowered;
	s6 =	simm.s32 $_tile_overlayer_lowered  }
0x9b: {  	s22 =	simm.s32 $0x1BFF;
	s21 =	sshll.u32 s6, $0x1;
	s3 =	sadd.s32 s4, s19  }
0x9c: {  	s7 =	simm.s32 $0x0;
	s20 =	sshll.u32 s5, $0x1;
	s5 =	sadd.s32 s21, s3  }
0x9d: {  	[timem:s7], [sflag:s22] =	dma.local [hbm:s5], s20  }
0x9e: {  	_ =	swait.ge [sflag:s22], s20  }
0x9f: {  	s4 =	ssub.s32 $0x0, s20;
	[sflag:s22] =	ssyncset.done $0x0  }
0xa0: {  	[sflag:s22] =	ssyncadd.s32 s4;
	_ =	sdelay $0x1  }
0xa1: {  	s23 =	simm.s32 $0x1B8B  }
0xa2: {  	_ =	swait.ge [sflag:s23], $0x1  }
0xa3: {  	[sflag:s23] =	ssyncset.done $0x0  }
0xa4: {  	s25 =	simm.s32 $0x1B8E;
	s24 =	sld [smem:$0x3FFE];
	[sflag:s23] =	ssyncadd.s32 $0xFFFFFFFF  }
0xa5: {  	s26 =	simm.s32 $execute0_lowered;
	[smem:$0x3FD2] =	sst s25  }
0xa6: {  	s5 =	sshll.u32 s26, $0x1;
	_ =	strace $0x80000049;
	[dreg:$0x1] =	wrdreg $0xFFFFFFFF  }
0xa7: {  	s28 =	simm.s32 $_size_execute0_lowered;
	s3 =	sadd.s32 s3, s5;
	[dreg:$0x0] =	wrdreg $0x0  }
0xa8: {  	s5 =	sshll.u32 s28, $0x1;
	[dreg:$0x2] =	wrdreg s3  }
0xa9: {  	[dreg:$0x3] =	wrdreg s5  }
0xaa: {  	[dreg:$0x4] =	wrdreg $0xC0  }
0xab: {  	_ =	task [dreg:s7], $0x5FFFF  }
0xac: {  	[dreg:$0x1] =	wrdreg $0xFFFFFFFF  }
0xad: {  	[dreg:$0x0] =	wrdreg $0x60  }
0xae: {  	[dreg:$0x2] =	wrdreg s2  }
0xaf: {  	[dreg:$0x3] =	wrdreg s24  }
0xb0: {  	[dreg:$0x4] =	wrdreg $0x8A000  }
0xb1: {  	[dreg:$0x5] =	wrdreg $0x9  }
0xb2: {  	_ =	task.clear_ibuf [dreg:s7], $0x6FFFF;
	_ =	strace $0x90000049  }
0xb3: {  	s29 =	simm.s32 $0x9;
	_ =	strace $0x8000004B  }
0xb4: {  	_ =	swait.ge [sflag:s29], $0x1  }
0xb5: {  	[sflag:s29] =	ssyncadd.s32 $0xFFFFFFFF  }
0xb6: {  	_ =	strace $0x9000004B  }
0xb7: {  	_ =	sfence  }
0xb8: {  	s30 =	sld [smem:$0x0];
	_ =	sdelay $0x2  }
0xb9: {  	s31 =	sshll.u32 s1, $0xD;
	s1 =	sshrl.u32 s1, $0x2  }
0xba: {  	s3 =	sand.u32 $0x4000, s31;
	s1 =	sadd.s32 s1, s30  }
0xbb: {  	s0 =	sor.u32 s3, s0;
	s1 =	sshll.u32 s1, $0x11  }
0xbc: {  	s0 =	sor.u32 s1, s0  }
0xbd: {  	s0 =	sadd.s32 $0x8F2B, s0  }
0xbe: {  	[sflag:s0] =	ssyncadd.remote.s32 $0x1  }
0xbf: {  	_ =	sfence.sel $0xFFFF  }
0xc0: {  	[dreg:$0x0] =	wrdreg $0xFFFFFFFF;
	(pc) =	sbr.abs _section_cstart, $3  }
0xc1: {  	[dreg:$0x1] =	wrdreg $0xFFFFFFFF  }
0xc2: {  	_ =	task.clear_ibuf [dreg:s7], $0x2FFFF;
	_ =	strace $0x9FFFFFFF  }
0xc3: {  	(tm) =	ssettm $0x7FFFFFFF  }
tec
execute0_lowered:
.L_overlay_start_1:
0x0: {  	(tag) =	ssettag $0x1  }
0x1: {  	s1 =	rddreg [dreg:$0x0]  }
0x2: {  	s0 =	rddreg [dreg:$0x1]  }
0x3: {  	s2 =	rddreg [dreg:$0x2];
	s3 =	simm.s32 $0x0;
	s4 =	srdreg.scid  }
0x4: {  	s25 =	stileid.u32;
	s28 =	simm.s32 $0x180;
	s29 =	simm.s32 $0x1  }
0x5: {  	s30 =	simm.s32 $0x3;
	s31 =	simm.s32 $0x200;
	[smem:$0x7FF] =	sst s3  }
0x6: {  	s7 =	sadd.s32 $0xC600, s0;
	s4 =	sand.u32 $0x1, s4;
	s10 =	smul.u32 $0x4E000, s25  }
0x7: {  	s8 =	sadd.s32 $0x2800, s0;
	s0 =	sadd.s32 $0x16400, s0;
	s14 =	smul.u32 $0x13800, s25  }
0x8: {  	p0 =	seq.s32 s25, $0xF;
	s22 =	smul.u32 $0x9C, s25;
	p1 =	sne.s32 s25, $0xF  }
0x9: {  	s6 =	sshll.u32 s25, $0x1;
	_ =	strace $0x8000004A;
	s18 =	smul.u32 $0x138800, s4  }
0xa: {  	s5 =	ssub.s32 $0x2, s4;
	s6 =	sor.u32 s4, s6;
	s4 =	smul.u32 $0x4E, s4  }
0xb: {  	s9 =	sshrl.u32 s5, $0x1;
	s11 =	smul.u32 $0x4E, s6;
	s12 =	smin.u32 s6, $0x4  }
0xc: {  	s16 =	sshrl.u32 s10, $0x2;
	s9 =	ssub.s32 s5, s9;
	s5 =	simm.s32 $0x28  }
0xd: {  	s6 =	sadd.s32 s16, s2;
	s21 =	sadd.s32 s14, s18;
	s4 =	sadd.s32 s4, s22  }
0xe: {  	s22 =	simm.s32 $0x8200;
	s5 =	simm.s32 @!p0 $0x27;
	s17 =	sadd.s32 s12, s11  }
0xf: {  	s11 =	sshrl.u32 s18, $0x3;
	s9 =	smax.u32 s9, $0x1;
	s4 =	sadd.s32 s12, s4  }
0x10: {  	p0 =	sgt.u32 s25, $0x1;
	s10 =	sshll.u32 s17, $0x4;
	s11 =	sadd.s32 s0, s11  }
0x11: {  	[dreg:$0xa] =	wrdreg s9;
	s4 =	sshll.u32 s4, $0x4;
	s13 =	sadd.s32 s7, s10  }
0x12: {  	s19 =	sadd.s32 $0x10, s10;
	s15 =	sadd.s32 s8, s10;
	s23 =	sadd.s32 $0x27000, s11  }
0x13: {  	s24 =	sadd.s32 $0x500, s10;
	s10 =	sadd.s32 $0x510, s10;
	[dreg:$0x4] =	wrdreg s13  }
0x14: {  	s26 =	sadd.s32 $0x30, s4;
	[dreg:$0x5] =	wrdreg s15;
	s20 =	sadd.s32 s7, s19  }
0x15: {  	s13 =	sadd.s32 s8, s19;
	[dreg:$0x9] =	wrdreg s23;
	s9 =	sand.u32 $0x1FFFFFF0, s24  }
0x16: {  	s10 =	sand.u32 $0x1FFFFFF0, s10;
	s18 =	sadd.s32 s26, s7;
	s19 =	sadd.s32 s26, s8  }
0x17: {  	s23 =	simm.s32 $0x7;
	s24 =	simm.s32 $0x100;
	[dreg:$0x6] =	wrdreg s20  }
0x18: {  	s26 =	simm.s32 $0x80;
	[dreg:$0x7] =	wrdreg s13;
	s13 =	sshrl.u32 s21, $0x3  }
0x19: {  	s14 =	sadd.s32 s7, s9;
	s15 =	sadd.s32 s8, s9;
	s16 =	sadd.s32 s7, s10  }
0x1a: {  	s17 =	sadd.s32 s8, s10;
	s7 =	sadd.s32 s4, s7;
	s4 =	sadd.s32 s4, s8  }
0x1b: {  	s8 =	simm.s32 $0x5;
	s9 =	simm.s32 $0x6;
	s10 =	simm.s32 $0x0  }
0x1c: {  	s0 =	sadd.s32 s0, s13;
	s20 =	sadd.s32 $0x20, s7;
	s21 =	sadd.s32 $0x20, s4  }
0x1d: {  	s4 =	simm.s32 $0x4;
	[dreg:$0x8] =	wrdreg s0;
	s0 =	sadd.s32 $0x138000, s2  }
0x1e: {  	v0 =	vimm.f32 $0.0e+00;
	s7 =	simm.s32 $0x4200;
	s25 =	sshrl.u32 @!p1 s0, $0x3;
	s0 =	simm.s32 $0x2  }
.LBB2_1:
0x1f: {  	s11 =	simm.s32 $0x0;
	s12 =	simm.s32 $0x200  }
.LBB2_2:
0x20: {  	p2 =	sne.s32 s12, $0x1E00;
	[tilespmem:s11+$0x8270] =	vst v0  }
0x21: {  	[tilespmem:s11+$0x8200] =	vst v0  }
0x22: {  	[tilespmem:s11+$0x8210] =	vst v0  }
.Ltmp0:
0x23: {  	[tilespmem:s11+$0x8220] =	vst v0;
	(pc) =	sbr.rel @p2 .LBB2_2-.Ltmp0, $4  }
0x24: {  	[tilespmem:s11+$0x8230] =	vst v0  }
0x25: {  	[tilespmem:s11+$0x8240] =	vst v0  }
0x26: {  	[tilespmem:s11+$0x8250] =	vst v0  }
0x27: {  	[tilespmem:s11+$0x8260] =	vst v0;
	s11 =	sshra.s32 s12, $0x2;
	s12 =	sadd.s32 $0x200, s12  }
0x28: {  	[tilespmem:s11+$0x8270] =	vst v0  }
0x29: {  	[tilespmem:s11+$0x8200] =	vst v0  }
0x2a: {  	[tilespmem:s11+$0x8210] =	vst v0  }
0x2b: {  	[tilespmem:s11+$0x8220] =	vst v0  }
0x2c: {  	[tilespmem:s11+$0x8230] =	vst v0  }
0x2d: {  	[tilespmem:s11+$0x8240] =	vst v0;
	p2 =	sne.s32 s5, $0x1  }
.Ltmp1:
0x2e: {  	[tilespmem:s11+$0x8250] =	vst v0;
	(pc) =	sbr.rel @!p2 .LBB2_5-.Ltmp1, $4  }
0x2f: {  	[tilespmem:s11+$0x8260] =	vst v0  }
0x30: {  	[spmem:s6] =	stream.linear.scatter [tilespmem:s22], [sflag:$0x7], $0x800, $0x38;
	[tilespmem:$0x1C280] =	vst v63  }
0x31: {  	_ =	swait.ge [sflag:s23], $0x800  }
0x32: {  	s11 =	sadd.s32 $0xFFFFFFFF, s5;
	s12 =	smov.u32 s6;
	[sflag:s23] =	ssyncset.done $0x0  }
.LBB2_4:
0x33: {  	p2 =	sne.s32 s11, $0x1;
	[sflag:s23] =	ssyncadd.s32 $0xFFFFF800;
	s12 =	sadd.s32 $0x800, s12  }
.Ltmp2:
0x34: {  	s11 =	sadd.s32 $0xFFFFFFFF, s11;
	(pc) =	sbr.rel @p2 .LBB2_4-.Ltmp2, $4  }
0x35: {  	_ = 	snop  }
0x36: {  	[spmem:s12] =	stream.linear.scatter [tilespmem:s22], [sflag:$0x7], $0x800, $0x38;
	[tilespmem:$0x1C280] =	vst v63  }
0x37: {  	_ =	swait.ge [sflag:s23], $0x800  }
0x38: {  	[sflag:s23] =	ssyncset.done $0x0  }
.LBB2_5:
0x39: {  	[sflag:s23] =	ssyncadd.s32 $0xFFFFF800  }
0x3a: {  	[bflag:$0x0] =	sbarrier.arrive $0xFFFF  }
0x3b: {  	s11 =	simm.s32 $0x0;
	s12 =	rddreg [dreg:$0x4]  }
0x3c: {  	[tilespmem:s11], [sflag:$0x1] =	stream.linear.gather [hbm4b:s12+s11], $0x80, $0x38;
	[tilespmem:$0x1C280] =	vst v63  }
0x3d: {  	s13 =	rddreg [dreg:$0x5]  }
0x3e: {  	[tilespmem:s24], [sflag:$0x3] =	stream.linear.gather [hbm4b:s13+s11], $0x80, $0x38;
	[tilespmem:$0x1C280] =	vst v63  }
0x3f: {  	s13 =	rddreg [dreg:$0x6]  }
0x40: {  	[tilespmem:s26], [sflag:$0x2] =	stream.linear.gather [hbm4b:s13+s11], $0x80, $0x38;
	[tilespmem:$0x1C280] =	vst v63  }
0x41: {  	s13 =	rddreg [dreg:$0x7]  }
0x42: {  	[tilespmem:s28], [sflag:$0x4] =	stream.linear.gather [hbm4b:s13+s11], $0x80, $0x38;
	[tilespmem:$0x1C280] =	vst v63  }
0x43: {  	_ =	swait.ge [sflag:s29], $0x80  }
0x44: {  	[sflag:s29] =	ssyncset.done $0x0  }
0x45: {  	[sflag:s29] =	ssyncadd.s32 $0xFFFFFF80  }
0x46: {  	_ =	swait.ge [sflag:s30], $0x80  }
0x47: {  	[sflag:s30] =	ssyncset.done $0x0  }
0x48: {  	[sflag:s30] =	ssyncadd.s32 $0xFFFFFF80  }
0x49: {  	[tilespmem:s31], [sflag:$0x5] =	stream.indirect.gather [hbm4b:s1+s26], $0x80, s11, s26, $0xb8;
	[tilespmem:$0x1C280] =	vst v63  }
0x4a: {  	_ =	swait.ge [sflag:s0], $0x80  }
0x4b: {  	[sflag:s0] =	ssyncset.done $0x0  }
0x4c: {  	[sflag:s0] =	ssyncadd.s32 $0xFFFFFF80  }
0x4d: {  	_ =	swait.ge [sflag:s4], $0x80  }
0x4e: {  	[sflag:s4] =	ssyncset.done $0x0  }
0x4f: {  	[sflag:s4] =	ssyncadd.s32 $0xFFFFFF80  }
0x50: {  	[tilespmem:s7], [sflag:$0x6] =	stream.indirect.gather [hbm4b:s1+s26], $0x80, s26, s26, $0xb8;
	[tilespmem:$0x1C280] =	vst v63  }
0x51: {  	_ =	swait.ge [sflag:s8], $0x4000  }
0x52: {  	[sflag:s8] =	ssyncset.done $0x0  }
0x53: {  	[sflag:s8] =	ssyncadd.s32 $0xFFFFC000  }
0x54: {  	[spmem:s2] =	stream.indirect.scatter.add.f32 [tilespmem:s31], [sflag:$0x7], $0x80, s24, s26, $0xb8;
	[tilespmem:$0x1C280] =	vst v63  }
0x55: {  	_ =	swait.ge [sflag:s23], $0x4000  }
0x56: {  	[sflag:s23] =	ssyncset.done $0x0  }
0x57: {  	s13 =	sadd.s32 $0x0, s20;
	[sflag:s23] =	ssyncadd.s32 $0xFFFFC000  }
0x58: {  	[tilespmem:s3], [sflag:$0x1] =	stream.linear.gather [hbm4b:s13+s3], $0x80, $0x38;
	[tilespmem:$0x1C280] =	vst v63  }
0x59: {  	s12 =	sadd.s32 $0x0, s21  }
0x5a: {  	[tilespmem:s24], [sflag:$0x3] =	stream.linear.gather [hbm4b:s12+s3], $0x80, $0x38;
	[tilespmem:$0x1C280] =	vst v63  }
0x5b: {  	_ =	swait.ge [sflag:s29], $0x80  }
0x5c: {  	[sflag:s29] =	ssyncset.done $0x0  }
0x5d: {  	[sflag:s29] =	ssyncadd.s32 $0xFFFFFF80  }
0x5e: {  	_ =	swait.ge [sflag:s30], $0x80  }
0x5f: {  	[sflag:s30] =	ssyncset.done $0x0  }
0x60: {  	[sflag:s30] =	ssyncadd.s32 $0xFFFFFF80  }
0x61: {  	[tilespmem:s31], [sflag:$0x5] =	stream.indirect.gather [hbm4b:s1+s26], $0x80, s3, s26, $0xb8;
	[tilespmem:$0x1C280] =	vst v63  }
0x62: {  	_ =	swait.ge [sflag:s9], $0x4000  }
0x63: {  	[sflag:s9] =	ssyncset.done $0x0  }
0x64: {  	[sflag:s9] =	ssyncadd.s32 $0xFFFFC000  }
0x65: {  	[spmem:s2] =	stream.indirect.scatter.add.f32 [tilespmem:s7], [sflag:$0x7], $0x80, s28, s26, $0xb8;
	[tilespmem:$0x1C280] =	vst v63  }
0x66: {  	_ =	swait.ge [sflag:s23], $0x4000  }
0x67: {  	s11 =	simm.s32 $0x20;
	[sflag:s23] =	ssyncset.done $0x0  }
0x68: {  	s13 =	sadd.s32 $0x0, s18;
	s12 =	sadd.s32 $0x0, s19;
	[sflag:s23] =	ssyncadd.s32 $0xFFFFC000  }
0x69: {  	[tilespmem:s26], [sflag:$0x2] =	stream.linear.gather [hbm4b:s13+s3], $0x80, $0x38;
	[tilespmem:$0x1C280] =	vst v63  }
.LBB2_6:
0x6a: {  	[tilespmem:s28], [sflag:$0x4] =	stream.linear.gather [hbm4b:s12+s3], $0x80, $0x38;
	[tilespmem:$0x1C280] =	vst v63  }
0x6b: {  	s12 =	smov.u32 s11  }
0x6c: {  	p2 =	sne.s32 s11, $0x4C0;
	s11 =	sadd.s32 $0x20, s11;
	_ =	swait.ge [sflag:s0], $0x80  }
0x6d: {  	[sflag:s0] =	ssyncset.done $0x0  }
0x6e: {  	[sflag:s0] =	ssyncadd.s32 $0xFFFFFF80  }
0x6f: {  	_ =	swait.ge [sflag:s4], $0x80  }
0x70: {  	[sflag:s4] =	ssyncset.done $0x0  }
0x71: {  	[sflag:s4] =	ssyncadd.s32 $0xFFFFFF80  }
0x72: {  	[tilespmem:s7], [sflag:$0x6] =	stream.indirect.gather [hbm4b:s1+s26], $0x80, s26, s26, $0xb8;
	[tilespmem:$0x1C280] =	vst v63  }
0x73: {  	_ =	swait.ge [sflag:s8], $0x4000  }
0x74: {  	[sflag:s8] =	ssyncset.done $0x0  }
0x75: {  	[sflag:s8] =	ssyncadd.s32 $0xFFFFC000  }
0x76: {  	[spmem:s2] =	stream.indirect.scatter.add.f32 [tilespmem:s31], [sflag:$0x7], $0x80, s24, s26, $0xb8;
	[tilespmem:$0x1C280] =	vst v63  }
0x77: {  	_ =	swait.ge [sflag:s23], $0x4000  }
0x78: {  	[sflag:s23] =	ssyncset.done $0x0  }
0x79: {  	s13 =	sadd.s32 s12, s20;
	[sflag:s23] =	ssyncadd.s32 $0xFFFFC000  }
0x7a: {  	[tilespmem:s3], [sflag:$0x1] =	stream.linear.gather [hbm4b:s13+s3], $0x80, $0x38;
	[tilespmem:$0x1C280] =	vst v63  }
0x7b: {  	s13 =	sadd.s32 s12, s21  }
0x7c: {  	[tilespmem:s24], [sflag:$0x3] =	stream.linear.gather [hbm4b:s13+s3], $0x80, $0x38;
	[tilespmem:$0x1C280] =	vst v63  }
0x7d: {  	_ =	swait.ge [sflag:s29], $0x80  }
0x7e: {  	[sflag:s29] =	ssyncset.done $0x0  }
0x7f: {  	[sflag:s29] =	ssyncadd.s32 $0xFFFFFF80  }
0x80: {  	_ =	swait.ge [sflag:s30], $0x80  }
0x81: {  	[sflag:s30] =	ssyncset.done $0x0  }
0x82: {  	[sflag:s30] =	ssyncadd.s32 $0xFFFFFF80  }
0x83: {  	[tilespmem:s31], [sflag:$0x5] =	stream.indirect.gather [hbm4b:s1+s26], $0x80, s3, s26, $0xb8;
	[tilespmem:$0x1C280] =	vst v63  }
0x84: {  	_ =	swait.ge [sflag:s9], $0x4000  }
0x85: {  	[sflag:s9] =	ssyncset.done $0x0  }
0x86: {  	[sflag:s9] =	ssyncadd.s32 $0xFFFFC000  }
0x87: {  	[spmem:s2] =	stream.indirect.scatter.add.f32 [tilespmem:s7], [sflag:$0x7], $0x80, s28, s26, $0xb8;
	[tilespmem:$0x1C280] =	vst v63  }
.Ltmp3:
0x88: {  	_ =	swait.ge [sflag:s23], $0x4000;
	(pc) =	sbr.rel @p2 .LBB2_6-.Ltmp3, $4  }
0x89: {  	[sflag:s23] =	ssyncset.done $0x0  }
0x8a: {  	s13 =	sadd.s32 s12, s18;
	[sflag:s23] =	ssyncadd.s32 $0xFFFFC000  }
0x8b: {  	[tilespmem:s26], [sflag:$0x2] =	stream.linear.gather [hbm4b:s13+s3], $0x80, $0x38;
	[tilespmem:$0x1C280] =	vst v63  }
0x8c: {  	s12 =	sadd.s32 s12, s19  }
0x8d: {  	[tilespmem:s28], [sflag:$0x4] =	stream.linear.gather [hbm4b:s12+s3], $0x80, $0x38;
	[tilespmem:$0x1C280] =	vst v63  }
0x8e: {  	_ =	swait.ge [sflag:s0], $0x80  }
0x8f: {  	[sflag:s0] =	ssyncset.done $0x0  }
0x90: {  	[sflag:s0] =	ssyncadd.s32 $0xFFFFFF80  }
0x91: {  	_ =	swait.ge [sflag:s4], $0x80  }
0x92: {  	[sflag:s4] =	ssyncset.done $0x0  }
0x93: {  	[sflag:s4] =	ssyncadd.s32 $0xFFFFFF80  }
0x94: {  	[tilespmem:s7], [sflag:$0x6] =	stream.indirect.gather [hbm4b:s1+s26], $0x80, s26, s26, $0xb8;
	[tilespmem:$0x1C280] =	vst v63  }
0x95: {  	_ =	swait.ge [sflag:s8], $0x4000  }
0x96: {  	s11 =	simm.s32 @!p0 $0x80;
	[sflag:s8] =	ssyncset.done $0x0  }
0x97: {  	s12 =	simm.s32 @!p0 $0x100;
	s13 =	simm.s32 @!p0 $0x200;
	[sflag:s8] =	ssyncadd.s32 $0xFFFFC000  }
0x98: {  	[spmem:s2] =	stream.indirect.scatter.add.f32 @!p0 [tilespmem:s13], [sflag:$0x7], $0x80, s12, s11, $0xb8;
	[tilespmem:$0x1C280] =	vst v63  }
0x99: {  	s11 =	simm.s32 @!p0 $0x7  }
0x9a: {  	_ =	swait.ge @!p0 [sflag:s11], $0x4000  }
0x9b: {  	[sflag:s11] =	ssyncset.done @!p0 $0x0  }
0x9c: {  	[sflag:s11] =	ssyncadd.s32 @!p0 $0xFFFFC000  }
0x9d: {  	[tilespmem:s3], [sflag:$0x1] =	stream.linear.gather [hbm4b:s14+s3], $0x80, $0x38;
	[tilespmem:$0x1C280] =	vst v63  }
0x9e: {  	_ = 	snop  }
0x9f: {  	[tilespmem:s24], [sflag:$0x3] =	stream.linear.gather [hbm4b:s15+s3], $0x80, $0x38;
	[tilespmem:$0x1C280] =	vst v63  }
0xa0: {  	_ =	swait.ge [sflag:s29], $0x80  }
0xa1: {  	[sflag:s29] =	ssyncset.done $0x0  }
0xa2: {  	[sflag:s29] =	ssyncadd.s32 $0xFFFFFF80  }
0xa3: {  	_ =	swait.ge [sflag:s30], $0x80  }
0xa4: {  	[sflag:s30] =	ssyncset.done $0x0  }
0xa5: {  	[sflag:s30] =	ssyncadd.s32 $0xFFFFFF80  }
0xa6: {  	[tilespmem:s31], [sflag:$0x5] =	stream.indirect.gather [hbm4b:s1+s26], $0x80, s3, s26, $0xb8;
	[tilespmem:$0x1C280] =	vst v63  }
0xa7: {  	_ =	swait.ge [sflag:s9], $0x4000  }
0xa8: {  	[sflag:s9] =	ssyncset.done $0x0  }
0xa9: {  	[sflag:s9] =	ssyncadd.s32 $0xFFFFC000  }
0xaa: {  	[tilespmem:s26], [sflag:$0x2] =	stream.linear.gather [hbm4b:s16+s3], $0x80, $0x38;
	[tilespmem:$0x1C280] =	vst v63  }
0xab: {  	_ = 	snop  }
0xac: {  	[tilespmem:s28], [sflag:$0x4] =	stream.linear.gather [hbm4b:s17+s3], $0x80, $0x38;
	[tilespmem:$0x1C280] =	vst v63  }
0xad: {  	_ =	swait.ge [sflag:s8], $0x4000  }
0xae: {  	[sflag:s8] =	ssyncset.done $0x0  }
0xaf: {  	[sflag:s8] =	ssyncadd.s32 $0xFFFFC000  }
0xb0: {  	_ =	swait.ge [sflag:s0], $0x80  }
0xb1: {  	[sflag:s0] =	ssyncset.done $0x0  }
0xb2: {  	[sflag:s0] =	ssyncadd.s32 $0xFFFFFF80  }
0xb3: {  	_ =	swait.ge [sflag:s4], $0x80  }
0xb4: {  	[sflag:s4] =	ssyncset.done $0x0  }
0xb5: {  	s12 =	stileid.u32;
	[sflag:s4] =	ssyncadd.s32 $0xFFFFFF80  }
0xb6: {  	s11 =	sshll.u32 s12, $0x6;
	[bflag:$0x0] =	sbarrier.arrive $0xFFFF  }
0xb7: {  	s12 =	sshrl.u32 s6, $0x3;
	s11 =	sor.u32 $0x1C07, s11;
	s13 =	rddreg [dreg:$0x8]  }
0xb8: {  	[hbm:s13], [sflag:s11] =	dma.local [spmem:s12], $0x2700  }
0xb9: {  	_ =	swait.ge [sflag:s23], $0x2700  }
0xba: {  	[sflag:s23] =	ssyncset.done $0x0  }
0xbb: {  	s12 =	rddreg [dreg:$0x9];
	[sflag:s23] =	ssyncadd.s32 $0xFFFFD900  }
0xbc: {  	[hbm:s12], [sflag:s11] =	dma.local @!p1 [spmem:s25], $0x100  }
0xbd: {  	s11 =	simm.s32 @!p1 $0x7  }
0xbe: {  	_ =	swait.ge @!p1 [sflag:s11], $0x100  }
0xbf: {  	s10 =	sadd.s32 $0x1, s10;
	s13 =	rddreg [dreg:$0xa]  }
0xc0: {  	p2 =	sne.s32 s10, s13  }
.Ltmp4:
0xc1: {  	_ = 	snop;
	(pc) =	sbr.rel @p2 .LBB2_1-.Ltmp4, $3  }
0xc2: {  	_ =	sdelay $0x1  }
0xc3: {  	[sflag:s11] =	ssyncset.done @!p1 $0x0  }
0xc4: {  	[sflag:s11] =	ssyncadd.s32 @!p1 $0xFFFFFF00  }
0xc5: {  	_ =	sfence.sel $0x180000  }
0xc6: {  	[bflag:$0x0] =	sbarrier.arrive $0xFFFF  }
0xc7: {  	_ =	strace $0x9000004A  }
0xc8: {  	s0 =	stileid.u32;
	[bflag:$0x2] =	sbarrier.arrive $0xFFFF  }
0xc9: {  	p0 =	sne.s32 s0, $0x0;
	s0 =	rddreg [dreg:$0x3]  }
0xca: {  	s0 =	sadd.s32 @!p0 $0x100000, s0  }
0xcb: {  	[sflag:s0] =	ssyncadd.tile.s32 @!p0 $0x1;
	_ =	shalt  }
.Lfunc_end2:
_tile_overlayer_lowered:
.L_overlay_start_2:
0xcc: {  	(tag) =	ssettag $0x2  }
0xcd: {  	s0 =	rddreg [dreg:$0x0];
	s2 =	stileid.u32  }
0xce: {  	s1 =	rddreg [dreg:$0x1];
	p0 =	sne.s32 s2, $0x0  }
0xcf: {  	s3 =	rddreg [dreg:$0x2];
	[bflag:$0x3] =	sbarrier.arrive $0xFFFF;
	s2 =	simm.s32 @!p0 $0x1C07  }
0xd0: {  	[timem:s3], [sflag:s2] =	dma.local @!p0 [hbm:s0], s1  }
0xd1: {  	s0 =	simm.s32 @!p0 $0x7  }
0xd2: {  	_ =	swait.ge @!p0 [sflag:s0], s1  }
0xd3: {  	s1 =	ssub.s32 @!p0 $0x0, s1;
	[sflag:s0] =	ssyncset.done @!p0 $0x0  }
0xd4: {  	[sflag:s0] =	ssyncadd.s32 @!p0 s1  }
0xd5: {  	[bflag:$0x3] =	sbarrier.arrive $0xFFFF  }
0xd6: {  	_ =	shalt  }

// kernel: kernel.7.cloned.1.call-start
scs
__scs_entry_jumppad:
0x0: {  	(pc) =	sbr.rel $0x88, $3  }
0x1: {  	(tag) =	ssettag $0x0;
	lr =	simm.s32 $0x1  }
0x2: {  	[smem:$0x3F95] =	sst lr;
	_ =	strace $0xD0000000  }
0x3: {  	_ = 	snop  }
0x4: {  	_ = 	snop  }
0x5: {  	_ = 	snop  }
0x6: {  	_ = 	snop  }
0x7: {  	_ = 	snop  }
__scs_overlays_trampoline_lowered:
0x8: {  	[smem:$0x3FA4] =	sst s0  }
0x9: {  	[smem:$0x3FA5] =	sst s1  }
0xa: {  	[smem:$0x3FA6] =	sst s2  }
0xb: {  	[smem:$0x3FA7] =	sst s3  }
0xc: {  	[smem:$0x3FA8] =	sst s4  }
0xd: {  	[smem:$0x3FA9] =	sst s5  }
0xe: {  	[smem:$0x3FAA] =	sst s6  }
0xf: {  	[smem:$0x3FAB] =	sst s7  }
0x10: {  	[smem:$0x3FAC] =	sst s8  }
0x11: {  	[smem:$0x3FAD] =	sst s9;
	s0 =	simm.s32 @!p0 $0x0  }
0x12: {  	s1 =	sld [smem:$0x3F93];
	s0 =	simm.s32 @p0 $0x1  }
0x13: {  	[smem:$0x3FAE] =	sst s0;
	s0 =	simm.s32 @!p1 $0x0  }
0x14: {  	s2 =	sld [smem:$0x3F92];
	s0 =	simm.s32 @p1 $0x1  }
0x15: {  	[smem:$0x3FAF] =	sst s0;
	s0 =	simm.s32 @!p2 $0x0  }
0x16: {  	s3 =	sld [smem:$0x3FDB];
	s0 =	simm.s32 @p2 $0x1  }
0x17: {  	s4 =	simm.s32 $0x1BF5;
	[smem:$0x3FB1] =	sst s0  }
0x18: {  	s0 =	sld [smem:$0x3F94];
	_ =	swait.ge [sflag:s4], $0x0  }
0x19: {  	s7 =	sld [smem:$0x3F95]  }
0x1a: {  	s8 =	sadd.s32 $0xFFFFE003, lr  }
0x1b: {  	s9 =	sadd.s32 $0xFFFFFEF7, lr;
	s5 =	simm.s32 $0xFFFFFFFF;
	p2 =	slt.u32 s8, $0xFFFFF086  }
0x1c: {  	p1 =	slt.u32 s9, $0xF7A;
	s5 =	simm.s32 @!p2 $0x0  }
0x1d: {  	s5 =	simm.s32 @p1 $0x1;
	p0 =	seq.s32 s7, s2  }
0x1e: {  	s7 =	smul.u32 @!p0 $0xF7A, s2;
	p2 =	seq.s32 @!p0 s5, $0x0  }
0x1f: {  	s9 =	smul.u32 $0xF7A, s1;
	s8 =	simm.s32 @!p0 $0x1BF5;
	p2 =	por !p2, p0  }
0x20: {  	[sflag:s8] =	ssyncset.s32 @!p0 $0xFFFFF086;
	s6 =	sadd.s32 @!p0 s3, s7;
	s7 =	simm.s32 @!p0 $0x108  }
0x21: {  	s3 =	sadd.s32 s3, s9;
	s6 =	sadd.s32 @!p0 $0x88, s6;
	s7 =	simm.s32 @p2 $0x1082  }
0x22: {  	[simem:s7], [sflag:s8] =	dma.local @!p0 [hbm:s6], $0xF7A  }
0x23: {  	s9 =	sor.u32 $0xD0000000, s2;
	s6 =	simm.s32 $0x108;
	_ =	swait.ge @!p0 [sflag:s8], $0x0  }
0x24: {  	s3 =	sadd.s32 $0x88, s3;
	s6 =	simm.s32 @!p1 $0x1082;
	[sflag:s4] =	ssyncset.s32 $0xFFFFF086  }
0x25: {  	[simem:s6], [sflag:s4] =	dma.local [hbm:s3], $0xF7A  }
0x26: {  	[smem:$0x3F95] =	sst s1;
	(tag) =	ssettag s2;
	_ =	strace s9  }
0x27: {  	s1 =	sld [smem:$0x3FA5]  }
0x28: {  	s2 =	sld [smem:$0x3FA6]  }
0x29: {  	s4 =	sld [smem:$0x3FA8]  }
0x2a: {  	p0 =	seq.s32 s5, $0x0;
	s5 =	sld [smem:$0x3FA9]  }
0x2b: {  	s6 =	sld [smem:$0x3FAA]  }
0x2c: {  	s7 =	sld [smem:$0x3FAB]  }
0x2d: {  	s3 =	simm.s32 $0x108;
	s8 =	sld [smem:$0x3FAC]  }
0x2e: {  	s3 =	simm.s32 @!p0 $0x1082;
	s9 =	sld [smem:$0x3FAD]  }
0x2f: {  	lr =	sadd.s32 s0, s3;
	s0 =	sld [smem:$0x3FA4]  }
0x30: {  	s3 =	sld [smem:$0x3FA7]  }
0x31: {  	[smem:$0x3FB0] =	sst s10  }
0x32: {  	s10 =	sld [smem:$0x3FAE];
	_ =	sdelay $0x3  }
0x33: {  	p0 =	seq.s32 s10, $0x1;
	s10 =	sld [smem:$0x3FB0];
	_ =	sdelay $0x3  }
0x34: {  	[smem:$0x3FB0] =	sst s10  }
0x35: {  	s10 =	sld [smem:$0x3FAF];
	_ =	sdelay $0x3  }
0x36: {  	p1 =	seq.s32 s10, $0x1;
	s10 =	sld [smem:$0x3FB0];
	_ =	sdelay $0x3  }
0x37: {  	[smem:$0x3FB0] =	sst s10  }
0x38: {  	s10 =	sld [smem:$0x3FB1]  }
0x39: {  	_ = 	snop;
	(pc) =	sbr.ind lr, $3  }
0x3a: {  	_ = 	snop  }
0x3b: {  	_ = 	snop  }
0x3c: {  	p2 =	seq.s32 s10, $0x1;
	s10 =	sld [smem:$0x3FB0]  }
0x3d: {  	_ =	shalt  }
0x3e: {  	_ =	shalt  }
0x3f: {  	_ =	shalt  }
0x40: {  	_ =	shalt  }
0x41: {  	_ =	shalt  }
0x42: {  	_ =	shalt  }
0x43: {  	_ =	shalt  }
0x44: {  	_ =	shalt  }
0x45: {  	_ =	shalt  }
0x46: {  	_ =	shalt  }
0x47: {  	_ =	shalt  }
0x48: {  	_ =	shalt  }
0x49: {  	_ =	shalt  }
0x4a: {  	_ =	shalt  }
0x4b: {  	_ =	shalt  }
0x4c: {  	_ =	shalt  }
0x4d: {  	_ =	shalt  }
0x4e: {  	_ =	shalt  }
0x4f: {  	_ =	shalt  }
0x50: {  	_ =	shalt  }
0x51: {  	_ =	shalt  }
0x52: {  	_ =	shalt  }
0x53: {  	_ =	shalt  }
0x54: {  	_ =	shalt  }
0x55: {  	_ =	shalt  }
0x56: {  	_ =	shalt  }
0x57: {  	_ =	shalt  }
0x58: {  	_ =	shalt  }
0x59: {  	_ =	shalt  }
0x5a: {  	_ =	shalt  }
0x5b: {  	_ =	shalt  }
0x5c: {  	_ =	shalt  }
0x5d: {  	_ =	shalt  }
0x5e: {  	_ =	shalt  }
0x5f: {  	_ =	shalt  }
0x60: {  	_ =	shalt  }
0x61: {  	_ =	shalt  }
0x62: {  	_ =	shalt  }
0x63: {  	_ =	shalt  }
0x64: {  	_ =	shalt  }
0x65: {  	_ =	shalt  }
0x66: {  	_ =	shalt  }
0x67: {  	_ =	shalt  }
0x68: {  	_ =	shalt  }
0x69: {  	_ =	shalt  }
0x6a: {  	_ =	shalt  }
0x6b: {  	_ =	shalt  }
0x6c: {  	_ =	shalt  }
0x6d: {  	_ =	shalt  }
0x6e: {  	_ =	shalt  }
0x6f: {  	_ =	shalt  }
0x70: {  	_ =	shalt  }
0x71: {  	_ =	shalt  }
0x72: {  	_ =	shalt  }
0x73: {  	_ =	shalt  }
0x74: {  	_ =	shalt  }
0x75: {  	_ =	shalt  }
0x76: {  	_ =	shalt  }
0x77: {  	_ =	shalt  }
0x78: {  	_ =	shalt  }
0x79: {  	_ =	shalt  }
0x7a: {  	_ =	shalt  }
0x7b: {  	_ =	shalt  }
0x7c: {  	_ =	shalt  }
0x7d: {  	_ =	shalt  }
0x7e: {  	_ =	shalt  }
0x7f: {  	_ =	shalt  }
0x80: {  	_ =	shalt  }
0x81: {  	_ =	shalt  }
0x82: {  	_ =	shalt  }
0x83: {  	_ =	shalt  }
0x84: {  	_ =	shalt  }
0x85: {  	_ =	shalt  }
0x86: {  	_ =	shalt  }
0x87: {  	_ =	shalt  }
.Lfunc_end0:
.L_simem_size_0:
called_computation_lowered:
.L_overlay_start_0:
0x88: {  	s2 =	sld [smem:$0x3FD9]  }
0x89: {  	s3 =	sld [smem:$0x3FFE];
	_ =	sdelay $0x1  }
0x8a: {  	s1 =	srdreg.scid  }
0x8b: {  	s0 =	sand.u32 $0x1, s1  }
0x8c: {  	s17 =	sshll.u32 s0, $0xA;
	s2 =	sadd.s32 s3, s2  }
0x8d: {  	s2 =	sadd.s32 s2, s17  }
0x8e: {  	[smem:$0x3FBC] =	sst s2  }
0x8f: {  	_ = 	snop  }
0x90: {  	s2 =	sld [smem:$0x3FD0];
	(tm) =	ssettm $0x1  }
0x91: {  	s18 =	sld [smem:$0x3FFB];
	_ =	sdelay $0x3  }
0x92: {  	_ =	strace s18  }
0x93: {  	s3 =	sld [smem:$0x3FFC];
	_ =	sdelay $0x3  }
0x94: {  	_ =	strace s3  }
0x95: {  	s3 =	sld [smem:$0x3FFD];
	_ =	sdelay $0x3  }
0x96: {  	_ =	strace s3  }
0x97: {  	_ =	strace $0x8FFFFFFF  }
0x98: {  	s19 =	sld [smem:$0x3FDB];
	_ =	sdelay $0x1  }
0x99: {  	s4 =	simm.s32 $_scs_section_size  }
0x9a: {  	s5 =	simm.s32 $_size__tile_overlayer_lowered;
	s6 =	simm.s32 $_tile_overlayer_lowered  }
0x9b: {  	s22 =	simm.s32 $0x1BFF;
	s21 =	sshll.u32 s6, $0x1;
	s3 =	sadd.s32 s4, s19  }
0x9c: {  	s7 =	simm.s32 $0x0;
	s20 =	sshll.u32 s5, $0x1;
	s5 =	sadd.s32 s21, s3  }
0x9d: {  	[timem:s7], [sflag:s22] =	dma.local [hbm:s5], s20  }
0x9e: {  	_ =	swait.ge [sflag:s22], s20  }
0x9f: {  	s4 =	ssub.s32 $0x0, s20;
	[sflag:s22] =	ssyncset.done $0x0  }
0xa0: {  	[sflag:s22] =	ssyncadd.s32 s4;
	_ =	sdelay $0x1  }
0xa1: {  	s23 =	simm.s32 $0x1B8B  }
0xa2: {  	_ =	swait.ge [sflag:s23], $0x1  }
0xa3: {  	[sflag:s23] =	ssyncset.done $0x0  }
0xa4: {  	s25 =	simm.s32 $0x1B8E;
	s24 =	sld [smem:$0x3FFE];
	[sflag:s23] =	ssyncadd.s32 $0xFFFFFFFF  }
0xa5: {  	s26 =	simm.s32 $execute0_lowered;
	[smem:$0x3FD2] =	sst s25  }
0xa6: {  	s5 =	sshll.u32 s26, $0x1;
	_ =	strace $0x80000046;
	[dreg:$0x1] =	wrdreg $0xFFFFFFFF  }
0xa7: {  	s28 =	simm.s32 $_size_execute0_lowered;
	s3 =	sadd.s32 s3, s5;
	[dreg:$0x0] =	wrdreg $0x0  }
0xa8: {  	s5 =	sshll.u32 s28, $0x1;
	[dreg:$0x2] =	wrdreg s3  }
0xa9: {  	[dreg:$0x3] =	wrdreg s5  }
0xaa: {  	[dreg:$0x4] =	wrdreg $0xC0  }
0xab: {  	_ =	task [dreg:s7], $0x5FFFF  }
0xac: {  	[dreg:$0x1] =	wrdreg $0xFFFFFFFF  }
0xad: {  	[dreg:$0x0] =	wrdreg $0x60  }
0xae: {  	[dreg:$0x2] =	wrdreg s2  }
0xaf: {  	[dreg:$0x3] =	wrdreg s24  }
0xb0: {  	[dreg:$0x4] =	wrdreg $0x8A000  }
0xb1: {  	[dreg:$0x5] =	wrdreg $0x1C5800  }
0xb2: {  	[dreg:$0x6] =	wrdreg $0x9  }
0xb3: {  	_ =	task.clear_ibuf [dreg:s7], $0x7FFFF;
	_ =	strace $0x90000046  }
0xb4: {  	s29 =	simm.s32 $0x9;
	_ =	strace $0x80000048  }
0xb5: {  	_ =	swait.ge [sflag:s29], $0x1  }
0xb6: {  	[sflag:s29] =	ssyncadd.s32 $0xFFFFFFFF  }
0xb7: {  	_ =	strace $0x90000048  }
0xb8: {  	_ =	sfence  }
0xb9: {  	s30 =	sld [smem:$0x0];
	_ =	sdelay $0x2  }
0xba: {  	s31 =	sshll.u32 s1, $0xD;
	s1 =	sshrl.u32 s1, $0x2  }
0xbb: {  	s3 =	sand.u32 $0x4000, s31;
	s1 =	sadd.s32 s1, s30  }
0xbc: {  	s0 =	sor.u32 s3, s0;
	s1 =	sshll.u32 s1, $0x11  }
0xbd: {  	s0 =	sor.u32 s1, s0  }
0xbe: {  	s0 =	sadd.s32 $0x8F2B, s0  }
0xbf: {  	[sflag:s0] =	ssyncadd.remote.s32 $0x1  }
0xc0: {  	_ =	sfence.sel $0xFFFF  }
0xc1: {  	[dreg:$0x0] =	wrdreg $0xFFFFFFFF;
	(pc) =	sbr.abs _section_cstart, $3  }
0xc2: {  	[dreg:$0x1] =	wrdreg $0xFFFFFFFF  }
0xc3: {  	_ =	task.clear_ibuf [dreg:s7], $0x2FFFF;
	_ =	strace $0x9FFFFFFF  }
0xc4: {  	(tm) =	ssettm $0x7FFFFFFF  }
0xc5: {  	_ =	shalt  }
tec
execute0_lowered:
.L_overlay_start_1:
0x0: {  	(tag) =	ssettag $0x1  }
0x1: {  	s1 =	rddreg [dreg:$0x0]  }
0x2: {  	s0 =	rddreg [dreg:$0x1]  }
0x3: {  	s2 =	rddreg [dreg:$0x2]  }
0x4: {  	s4 =	rddreg [dreg:$0x3]  }
0x5: {  	s5 =	simm.s32 $0x0;
	s3 =	srdreg.scid;
	s21 =	stileid.u32  }
0x6: {  	s28 =	simm.s32 $0x8;
	s30 =	simm.s32 $0x100;
	s31 =	simm.s32 $0x80  }
0x7: {  	s29 =	simm.s32 $0x1;
	[smem:$0x7FF] =	sst s5;
	s6 =	smul.u32 $0x500, s21  }
0x8: {  	s3 =	sand.u32 $0x1, s3;
	s9 =	sadd.s32 $0xC600, s0;
	s13 =	smul.u32 $0x4E000, s21  }
0x9: {  	s10 =	sadd.s32 $0x2800, s0;
	s11 =	sadd.s32 $0x16E00, s0;
	s22 =	smul.u32 $0xA00, s21  }
0xa: {  	s8 =	sshll.u32 s21, $0x1;
	p0 =	seq.s32 s21, $0xF;
	s17 =	smul.u32 $0x13800, s21  }
0xb: {  	s18 =	smul.u32 $0x9C, s21;
	p1 =	sgt.u32 s21, $0x1;
	_ =	strace $0x80000047  }
0xc: {  	s7 =	sshll.u32 s3, $0x7;
	s19 =	ssub.s32 $0x2, s3;
	s23 =	smul.u32 $0x138800, s3  }
0xd: {  	s8 =	sor.u32 s3, s8;
	s3 =	smul.u32 $0x4E, s3;
	s6 =	sor.u32 s7, s6  }
0xe: {  	s12 =	sshrl.u32 s19, $0x1;
	s14 =	smul.u32 $0x4E, s8;
	s20 =	sshrl.u32 s13, $0x2  }
0xf: {  	s15 =	smin.u32 s8, $0x4;
	s13 =	sshrl.u32 s22, $0x2;
	s6 =	sshrl.u32 s6, $0x3  }
0x10: {  	s12 =	ssub.s32 s19, s12;
	s7 =	sadd.s32 s20, s2;
	s17 =	sadd.s32 s17, s23  }
0x11: {  	s3 =	sadd.s32 s3, s18;
	s0 =	sadd.s32 s6, s0;
	s6 =	simm.s32 $0x28  }
0x12: {  	s8 =	sadd.s32 s15, s14;
	s17 =	sshrl.u32 s17, $0x3;
	s3 =	sadd.s32 s15, s3  }
0x13: {  	s14 =	simm.s32 $0x5;
	s15 =	simm.s32 $0x7;
	s6 =	simm.s32 @!p0 $0x27  }
0x14: {  	s16 =	sshll.u32 s8, $0x4;
	s8 =	sadd.s32 s13, s4;
	s3 =	sshll.u32 s3, $0x4  }
0x15: {  	s0 =	sadd.s32 $0x16400, s0;
	p0 =	sne.s32 s21, $0xF;
	[dreg:$0x12] =	wrdreg s6  }
0x16: {  	s24 =	sadd.s32 s9, s16;
	s25 =	sadd.s32 s10, s16;
	[dreg:$0xf] =	wrdreg s0  }
0x17: {  	s26 =	sadd.s32 $0x10, s16;
	s6 =	sadd.s32 s11, s17;
	[dreg:$0x5] =	wrdreg s24  }
0x18: {  	s17 =	sshrl.u32 s23, $0x3;
	s22 =	sadd.s32 $0x510, s16;
	[dreg:$0x6] =	wrdreg s25  }
0x19: {  	s19 =	sadd.s32 s9, s26;
	s13 =	sadd.s32 s10, s26;
	[dreg:$0x9] =	wrdreg s6  }
0x1a: {  	s11 =	sadd.s32 s11, s17;
	s23 =	sand.u32 $0x1FFFFFF0, s22;
	s24 =	sadd.s32 $0x30, s3  }
0x1b: {  	s26 =	smax.u32 s12, $0x1;
	s12 =	simm.s32 $0x4200;
	[dreg:$0x7] =	wrdreg s19  }
0x1c: {  	s17 =	simm.s32 $0x0;
	[dreg:$0x8] =	wrdreg s13;
	s19 =	sadd.s32 $0x500, s16  }
0x1d: {  	s11 =	sadd.s32 $0x27000, s11;
	s25 =	sadd.s32 s9, s23;
	[dreg:$0x10] =	wrdreg s26  }
0x1e: {  	s26 =	simm.s32 $0x8200;
	s16 =	simm.s32 $0x6;
	[dreg:$0xa] =	wrdreg s11  }
0x1f: {  	s20 =	sand.u32 $0x1FFFFFF0, s19;
	[dreg:$0xd] =	wrdreg s25;
	s19 =	sadd.s32 s24, s9  }
0x20: {  	s25 =	simm.s32 $0x20;
	s13 =	sadd.s32 s9, s20;
	s11 =	sadd.s32 s10, s20  }
0x21: {  	s20 =	sadd.s32 s24, s10;
	s9 =	sadd.s32 s3, s9;
	[dreg:$0xb] =	wrdreg s13  }
0x22: {  	s3 =	sadd.s32 s3, s10;
	[dreg:$0xc] =	wrdreg s11;
	s11 =	sadd.s32 s10, s23  }
0x23: {  	s10 =	sadd.s32 $0x138000, s2;
	s23 =	sadd.s32 $0x20, s9;
	s24 =	sadd.s32 $0x20, s3  }
0x24: {  	s3 =	simm.s32 $0x3;
	s9 =	simm.s32 $0x200;
	s13 =	simm.s32 $0x1C280  }
0x25: {  	[dreg:$0xe] =	wrdreg s11;
	s0 =	sshrl.u32 @!p0 s10, $0x3;
	s10 =	simm.s32 $0x2  }
0x26: {  	v0 =	vimm.f32 $0.0e+00;
	v1 =	vimm.f32 $1.000000000e+00;
	s11 =	simm.s32 $0x4;
	[dreg:$0x11] =	wrdreg s0;
	s0 =	simm.s32 $0x180  }
.LBB2_1:
0x27: {  	s18 =	simm.s32 $0x0;
	s21 =	simm.s32 $0x200  }
.LBB2_2:
0x28: {  	p2 =	sne.s32 s21, $0x1E00;
	[tilespmem:s18+$0x8270] =	vst v0  }
0x29: {  	[tilespmem:s18+$0x8200] =	vst v0  }
0x2a: {  	[tilespmem:s18+$0x8210] =	vst v0  }
.Ltmp0:
0x2b: {  	[tilespmem:s18+$0x8220] =	vst v0;
	(pc) =	sbr.rel @p2 .LBB2_2-.Ltmp0, $4  }
0x2c: {  	[tilespmem:s18+$0x8230] =	vst v0  }
0x2d: {  	[tilespmem:s18+$0x8240] =	vst v0  }
0x2e: {  	[tilespmem:s18+$0x8250] =	vst v0  }
0x2f: {  	[tilespmem:s18+$0x8260] =	vst v0;
	s18 =	sshra.s32 s21, $0x2;
	s21 =	sadd.s32 $0x200, s21  }
0x30: {  	[tilespmem:s18+$0x8270] =	vst v0  }
0x31: {  	[tilespmem:s18+$0x8200] =	vst v0  }
0x32: {  	[tilespmem:s18+$0x8210] =	vst v0  }
0x33: {  	[tilespmem:s18+$0x8220] =	vst v0  }
0x34: {  	[tilespmem:s18+$0x8230] =	vst v0  }
0x35: {  	[tilespmem:s18+$0x8240] =	vst v0  }
0x36: {  	[tilespmem:s18+$0x8250] =	vst v0  }
0x37: {  	[tilespmem:s18+$0x8260] =	vst v0  }
0x38: {  	[tilespmem:$0x1C300] =	vst v0  }
0x39: {  	[tilespmem:$0x1C310] =	vst v0  }
0x3a: {  	[tilespmem:$0x1C320] =	vst v0  }
0x3b: {  	[tilespmem:$0x1C330] =	vst v0  }
0x3c: {  	[tilespmem:$0x1C340] =	vst v0  }
0x3d: {  	[tilespmem:$0x1C350] =	vst v0  }
0x3e: {  	[tilespmem:$0x1C360] =	vst v0  }
0x3f: {  	[tilespmem:$0x1C370] =	vst v0  }
0x40: {  	[tilespmem:$0x1C380] =	vst v0  }
0x41: {  	[tilespmem:$0x1C390] =	vst v0  }
0x42: {  	[tilespmem:$0x1C3A0] =	vst v0  }
0x43: {  	[tilespmem:$0x1C3B0] =	vst v0  }
0x44: {  	[tilespmem:$0x1C3C0] =	vst v0  }
0x45: {  	[tilespmem:$0x1C3D0] =	vst v0  }
0x46: {  	[tilespmem:$0x1C3E0] =	vst v0  }
0x47: {  	[tilespmem:$0x1C3F0] =	vst v0  }
0x48: {  	[tilespmem:$0x1C400] =	vst v0  }
0x49: {  	[tilespmem:$0x1C410] =	vst v0  }
0x4a: {  	[tilespmem:$0x1C420] =	vst v0  }
0x4b: {  	[tilespmem:$0x1C430] =	vst v0  }
0x4c: {  	[tilespmem:$0x1C440] =	vst v0  }
0x4d: {  	[tilespmem:$0x1C450] =	vst v0  }
0x4e: {  	[tilespmem:$0x1C460] =	vst v0  }
0x4f: {  	[tilespmem:$0x1C470] =	vst v0  }
0x50: {  	[tilespmem:$0x1C480] =	vst v0  }
0x51: {  	[tilespmem:$0x1C490] =	vst v0  }
0x52: {  	[tilespmem:$0x1C4A0] =	vst v0  }
0x53: {  	[tilespmem:$0x1C4B0] =	vst v0  }
0x54: {  	[tilespmem:$0x1C4C0] =	vst v0  }
0x55: {  	[tilespmem:$0x1C4D0] =	vst v0  }
0x56: {  	[tilespmem:$0x1C4E0] =	vst v0  }
0x57: {  	[tilespmem:$0x1C4F0] =	vst v0  }
0x58: {  	[tilespmem:$0x1C500] =	vst v0  }
0x59: {  	[tilespmem:$0x1C510] =	vst v0  }
0x5a: {  	[tilespmem:$0x1C520] =	vst v0  }
0x5b: {  	[tilespmem:$0x1C530] =	vst v0  }
0x5c: {  	[tilespmem:$0x1C540] =	vst v0  }
0x5d: {  	[tilespmem:$0x1C550] =	vst v0  }
0x5e: {  	[tilespmem:$0x1C560] =	vst v0  }
0x5f: {  	[tilespmem:$0x1C570] =	vst v0  }
0x60: {  	[tilespmem:$0x1C280] =	vst v1  }
0x61: {  	[tilespmem:$0x1C290] =	vst v1  }
0x62: {  	[tilespmem:$0x1C2A0] =	vst v1  }
0x63: {  	[tilespmem:$0x1C2B0] =	vst v1  }
0x64: {  	s6 =	rddreg [dreg:$0x12];
	[tilespmem:$0x1C2C0] =	vst v1  }
0x65: {  	[tilespmem:$0x1C2D0] =	vst v1;
	p2 =	sne.s32 s6, $0x1  }
.Ltmp1:
0x66: {  	[tilespmem:$0x1C2E0] =	vst v1;
	(pc) =	sbr.rel @!p2 .LBB2_5-.Ltmp1, $4  }
0x67: {  	[tilespmem:$0x1C2F0] =	vst v1  }
0x68: {  	[spmem:s7] =	stream.linear.scatter [tilespmem:s26], [sflag:$0x8], $0x800, $0x38;
	[tilespmem:$0x1C800] =	vst v63  }
0x69: {  	_ =	swait.ge [sflag:s28], $0x800  }
0x6a: {  	s21 =	smov.u32 s7;
	s18 =	sadd.s32 $0xFFFFFFFF, s6;
	[sflag:s28] =	ssyncset.done $0x0  }
.LBB2_4:
0x6b: {  	p2 =	sne.s32 s18, $0x1;
	[sflag:s28] =	ssyncadd.s32 $0xFFFFF800;
	s21 =	sadd.s32 $0x800, s21  }
.Ltmp2:
0x6c: {  	s18 =	sadd.s32 $0xFFFFFFFF, s18;
	(pc) =	sbr.rel @p2 .LBB2_4-.Ltmp2, $4  }
0x6d: {  	_ = 	snop  }
0x6e: {  	[spmem:s21] =	stream.linear.scatter [tilespmem:s26], [sflag:$0x8], $0x800, $0x38;
	[tilespmem:$0x1C800] =	vst v63  }
0x6f: {  	_ =	swait.ge [sflag:s28], $0x800  }
0x70: {  	[sflag:s28] =	ssyncset.done $0x0  }
.LBB2_5:
0x71: {  	[sflag:s28] =	ssyncadd.s32 $0xFFFFF800;
	s18 =	simm.s32 $0x1C300  }
0x72: {  	[spmem:s8] =	stream.linear.scatter [tilespmem:s18], [sflag:$0x8], $0x280, $0x38;
	[tilespmem:$0x1C800] =	vst v63  }
0x73: {  	_ =	swait.ge [sflag:s28], $0x280  }
0x74: {  	[sflag:s28] =	ssyncset.done $0x0  }
0x75: {  	[sflag:s28] =	ssyncadd.s32 $0xFFFFFD80  }
0x76: {  	[bflag:$0x0] =	sbarrier.arrive $0xFFFF  }
0x77: {  	s18 =	simm.s32 $0x0;
	s21 =	rddreg [dreg:$0x5]  }
0x78: {  	[tilespmem:s18], [sflag:$0x1] =	stream.linear.gather [hbm4b:s21+s18], $0x80, $0x38;
	[tilespmem:$0x1C800] =	vst v63  }
0x79: {  	s22 =	rddreg [dreg:$0x6]  }
0x7a: {  	[tilespmem:s30], [sflag:$0x3] =	stream.linear.gather [hbm4b:s22+s18], $0x80, $0x38;
	[tilespmem:$0x1C800] =	vst v63  }
0x7b: {  	s6 =	rddreg [dreg:$0x7]  }
0x7c: {  	[tilespmem:s31], [sflag:$0x2] =	stream.linear.gather [hbm4b:s6+s18], $0x80, $0x38;
	[tilespmem:$0x1C800] =	vst v63  }
0x7d: {  	s22 =	rddreg [dreg:$0x8]  }
0x7e: {  	[tilespmem:s0], [sflag:$0x4] =	stream.linear.gather [hbm4b:s22+s18], $0x80, $0x38;
	[tilespmem:$0x1C800] =	vst v63  }
0x7f: {  	_ =	swait.ge [sflag:s29], $0x80  }
0x80: {  	[sflag:s29] =	ssyncset.done $0x0  }
0x81: {  	[sflag:s29] =	ssyncadd.s32 $0xFFFFFF80  }
0x82: {  	_ =	swait.ge [sflag:s3], $0x80  }
0x83: {  	[sflag:s3] =	ssyncset.done $0x0  }
0x84: {  	[sflag:s3] =	ssyncadd.s32 $0xFFFFFF80  }
0x85: {  	[tilespmem:s9], [sflag:$0x5] =	stream.indirect.gather [hbm4b:s1+s31], $0x80, s18, s31, $0xb8;
	[tilespmem:$0x1C800] =	vst v63  }
0x86: {  	_ =	swait.ge [sflag:s10], $0x80  }
0x87: {  	[sflag:s10] =	ssyncset.done $0x0  }
0x88: {  	[sflag:s10] =	ssyncadd.s32 $0xFFFFFF80  }
0x89: {  	_ =	swait.ge [sflag:s11], $0x80  }
0x8a: {  	[sflag:s11] =	ssyncset.done $0x0  }
0x8b: {  	[sflag:s11] =	ssyncadd.s32 $0xFFFFFF80  }
0x8c: {  	[tilespmem:s12], [sflag:$0x6] =	stream.indirect.gather [hbm4b:s1+s31], $0x80, s31, s31, $0xb8;
	[tilespmem:$0x1C800] =	vst v63  }
0x8d: {  	_ = 	snop  }
0x8e: {  	[spmem:s4] =	stream.indirect.scatter.add.f32 [tilespmem:s13], [sflag:$0x7], $0x1, s30, s31, $0xb8;
	[tilespmem:$0x1C800] =	vst v63  }
0x8f: {  	_ =	swait.ge [sflag:s14], $0x4000  }
0x90: {  	[sflag:s14] =	ssyncset.done $0x0  }
0x91: {  	[sflag:s14] =	ssyncadd.s32 $0xFFFFC000  }
0x92: {  	_ =	swait.ge [sflag:s15], $0x80  }
0x93: {  	[sflag:s15] =	ssyncset.done $0x0  }
0x94: {  	[sflag:s15] =	ssyncadd.s32 $0xFFFFFF80  }
0x95: {  	[spmem:s2] =	stream.indirect.scatter.add.f32 [tilespmem:s9], [sflag:$0x8], $0x80, s30, s31, $0xb8;
	[tilespmem:$0x1C800] =	vst v63  }
0x96: {  	_ =	swait.ge [sflag:s28], $0x4000  }
0x97: {  	[sflag:s28] =	ssyncset.done $0x0  }
0x98: {  	s6 =	sadd.s32 $0x0, s23;
	[sflag:s28] =	ssyncadd.s32 $0xFFFFC000  }
0x99: {  	[tilespmem:s5], [sflag:$0x1] =	stream.linear.gather [hbm4b:s6+s5], $0x80, $0x38;
	[tilespmem:$0x1C800] =	vst v63  }
0x9a: {  	s21 =	sadd.s32 $0x0, s24  }
0x9b: {  	[tilespmem:s30], [sflag:$0x3] =	stream.linear.gather [hbm4b:s21+s5], $0x80, $0x38;
	[tilespmem:$0x1C800] =	vst v63  }
0x9c: {  	_ =	swait.ge [sflag:s29], $0x80  }
0x9d: {  	[sflag:s29] =	ssyncset.done $0x0  }
0x9e: {  	[sflag:s29] =	ssyncadd.s32 $0xFFFFFF80  }
0x9f: {  	_ =	swait.ge [sflag:s3], $0x80  }
0xa0: {  	[sflag:s3] =	ssyncset.done $0x0  }
0xa1: {  	[sflag:s3] =	ssyncadd.s32 $0xFFFFFF80  }
0xa2: {  	[tilespmem:s9], [sflag:$0x5] =	stream.indirect.gather [hbm4b:s1+s31], $0x80, s5, s31, $0xb8;
	[tilespmem:$0x1C800] =	vst v63  }
0xa3: {  	_ = 	snop  }
0xa4: {  	[spmem:s4] =	stream.indirect.scatter.add.f32 [tilespmem:s13], [sflag:$0x7], $0x1, s0, s31, $0xb8;
	[tilespmem:$0x1C800] =	vst v63  }
0xa5: {  	_ =	swait.ge [sflag:s16], $0x4000  }
0xa6: {  	[sflag:s16] =	ssyncset.done $0x0  }
0xa7: {  	[sflag:s16] =	ssyncadd.s32 $0xFFFFC000  }
0xa8: {  	_ =	swait.ge [sflag:s15], $0x80  }
0xa9: {  	[sflag:s15] =	ssyncset.done $0x0  }
0xaa: {  	[sflag:s15] =	ssyncadd.s32 $0xFFFFFF80  }
0xab: {  	[spmem:s2] =	stream.indirect.scatter.add.f32 [tilespmem:s12], [sflag:$0x8], $0x80, s0, s31, $0xb8;
	[tilespmem:$0x1C800] =	vst v63  }
0xac: {  	_ =	swait.ge [sflag:s28], $0x4000  }
0xad: {  	s22 =	sadd.s32 $0x0, s19;
	[sflag:s28] =	ssyncset.done $0x0  }
0xae: {  	s18 =	simm.s32 $0x20;
	s21 =	sadd.s32 $0x0, s20;
	[sflag:s28] =	ssyncadd.s32 $0xFFFFC000  }
0xaf: {  	[tilespmem:s31], [sflag:$0x2] =	stream.linear.gather [hbm4b:s22+s5], $0x80, $0x38;
	[tilespmem:$0x1C800] =	vst v63  }
.LBB2_6:
0xb0: {  	[tilespmem:s0], [sflag:$0x4] =	stream.linear.gather [hbm4b:s21+s5], $0x80, $0x38;
	[tilespmem:$0x1C800] =	vst v63  }
0xb1: {  	s21 =	smov.u32 s18  }
0xb2: {  	p2 =	sne.s32 s18, $0x4C0;
	s18 =	sadd.s32 $0x20, s18;
	_ =	swait.ge [sflag:s10], $0x80  }
0xb3: {  	[sflag:s10] =	ssyncset.done $0x0  }
0xb4: {  	[sflag:s10] =	ssyncadd.s32 $0xFFFFFF80  }
0xb5: {  	_ =	swait.ge [sflag:s11], $0x80  }
0xb6: {  	[sflag:s11] =	ssyncset.done $0x0  }
0xb7: {  	[sflag:s11] =	ssyncadd.s32 $0xFFFFFF80  }
0xb8: {  	[tilespmem:s12], [sflag:$0x6] =	stream.indirect.gather [hbm4b:s1+s31], $0x80, s31, s31, $0xb8;
	[tilespmem:$0x1C800] =	vst v63  }
0xb9: {  	_ = 	snop  }
0xba: {  	[spmem:s4] =	stream.indirect.scatter.add.f32 [tilespmem:s13], [sflag:$0x7], $0x1, s30, s31, $0xb8;
	[tilespmem:$0x1C800] =	vst v63  }
0xbb: {  	_ =	swait.ge [sflag:s14], $0x4000  }
0xbc: {  	[sflag:s14] =	ssyncset.done $0x0  }
0xbd: {  	[sflag:s14] =	ssyncadd.s32 $0xFFFFC000  }
0xbe: {  	_ =	swait.ge [sflag:s15], $0x80  }
0xbf: {  	[sflag:s15] =	ssyncset.done $0x0  }
0xc0: {  	[sflag:s15] =	ssyncadd.s32 $0xFFFFFF80  }
0xc1: {  	[spmem:s2] =	stream.indirect.scatter.add.f32 [tilespmem:s9], [sflag:$0x8], $0x80, s30, s31, $0xb8;
	[tilespmem:$0x1C800] =	vst v63  }
0xc2: {  	_ =	swait.ge [sflag:s28], $0x4000  }
0xc3: {  	[sflag:s28] =	ssyncset.done $0x0  }
0xc4: {  	s22 =	sadd.s32 s21, s23;
	[sflag:s28] =	ssyncadd.s32 $0xFFFFC000  }
0xc5: {  	[tilespmem:s5], [sflag:$0x1] =	stream.linear.gather [hbm4b:s22+s5], $0x80, $0x38;
	[tilespmem:$0x1C800] =	vst v63  }
0xc6: {  	s22 =	sadd.s32 s21, s24  }
0xc7: {  	[tilespmem:s30], [sflag:$0x3] =	stream.linear.gather [hbm4b:s22+s5], $0x80, $0x38;
	[tilespmem:$0x1C800] =	vst v63  }
0xc8: {  	_ =	swait.ge [sflag:s29], $0x80  }
0xc9: {  	[sflag:s29] =	ssyncset.done $0x0  }
0xca: {  	[sflag:s29] =	ssyncadd.s32 $0xFFFFFF80  }
0xcb: {  	_ =	swait.ge [sflag:s3], $0x80  }
0xcc: {  	[sflag:s3] =	ssyncset.done $0x0  }
0xcd: {  	[sflag:s3] =	ssyncadd.s32 $0xFFFFFF80  }
0xce: {  	[tilespmem:s9], [sflag:$0x5] =	stream.indirect.gather [hbm4b:s1+s31], $0x80, s5, s31, $0xb8;
	[tilespmem:$0x1C800] =	vst v63  }
0xcf: {  	_ = 	snop  }
0xd0: {  	[spmem:s4] =	stream.indirect.scatter.add.f32 [tilespmem:s13], [sflag:$0x7], $0x1, s0, s31, $0xb8;
	[tilespmem:$0x1C800] =	vst v63  }
0xd1: {  	_ =	swait.ge [sflag:s16], $0x4000  }
0xd2: {  	[sflag:s16] =	ssyncset.done $0x0  }
0xd3: {  	[sflag:s16] =	ssyncadd.s32 $0xFFFFC000  }
0xd4: {  	_ =	swait.ge [sflag:s15], $0x80  }
0xd5: {  	[sflag:s15] =	ssyncset.done $0x0  }
0xd6: {  	[sflag:s15] =	ssyncadd.s32 $0xFFFFFF80  }
0xd7: {  	[spmem:s2] =	stream.indirect.scatter.add.f32 [tilespmem:s12], [sflag:$0x8], $0x80, s0, s31, $0xb8;
	[tilespmem:$0x1C800] =	vst v63  }
.Ltmp3:
0xd8: {  	_ =	swait.ge [sflag:s28], $0x4000;
	(pc) =	sbr.rel @p2 .LBB2_6-.Ltmp3, $4  }
0xd9: {  	[sflag:s28] =	ssyncset.done $0x0  }
0xda: {  	s22 =	sadd.s32 s21, s19;
	[sflag:s28] =	ssyncadd.s32 $0xFFFFC000  }
0xdb: {  	[tilespmem:s31], [sflag:$0x2] =	stream.linear.gather [hbm4b:s22+s5], $0x80, $0x38;
	[tilespmem:$0x1C800] =	vst v63  }
0xdc: {  	s21 =	sadd.s32 s21, s20  }
0xdd: {  	[tilespmem:s0], [sflag:$0x4] =	stream.linear.gather [hbm4b:s21+s5], $0x80, $0x38;
	[tilespmem:$0x1C800] =	vst v63  }
0xde: {  	_ =	swait.ge [sflag:s10], $0x80  }
0xdf: {  	[sflag:s10] =	ssyncset.done $0x0  }
0xe0: {  	[sflag:s10] =	ssyncadd.s32 $0xFFFFFF80  }
0xe1: {  	_ =	swait.ge [sflag:s11], $0x80  }
0xe2: {  	[sflag:s11] =	ssyncset.done $0x0  }
0xe3: {  	[sflag:s11] =	ssyncadd.s32 $0xFFFFFF80  }
0xe4: {  	[tilespmem:s12], [sflag:$0x6] =	stream.indirect.gather [hbm4b:s1+s31], $0x80, s31, s31, $0xb8;
	[tilespmem:$0x1C800] =	vst v63  }
0xe5: {  	s18 =	simm.s32 @!p1 $0x80;
	s21 =	simm.s32 @!p1 $0x100;
	s22 =	simm.s32 @!p1 $0x1C280  }
0xe6: {  	[spmem:s4] =	stream.indirect.scatter.add.f32 @!p1 [tilespmem:s22], [sflag:$0x7], $0x1, s21, s18, $0xb8;
	[tilespmem:$0x1C800] =	vst v63  }
0xe7: {  	s22 =	simm.s32 @!p1 $0x5  }
0xe8: {  	_ =	swait.ge @!p1 [sflag:s22], $0x4000  }
0xe9: {  	[sflag:s22] =	ssyncset.done @!p1 $0x0  }
0xea: {  	[sflag:s22] =	ssyncadd.s32 @!p1 $0xFFFFC000;
	s22 =	simm.s32 @!p1 $0x7  }
0xeb: {  	_ =	swait.ge @!p1 [sflag:s22], $0x80  }
0xec: {  	[sflag:s22] =	ssyncset.done @!p1 $0x0  }
0xed: {  	[sflag:s22] =	ssyncadd.s32 @!p1 $0xFFFFFF80;
	s22 =	simm.s32 @!p1 $0x200  }
0xee: {  	[spmem:s2] =	stream.indirect.scatter.add.f32 @!p1 [tilespmem:s22], [sflag:$0x8], $0x80, s21, s18, $0xb8;
	[tilespmem:$0x1C800] =	vst v63  }
0xef: {  	s18 =	simm.s32 @!p1 $0x8  }
0xf0: {  	s18 =	simm.s32 @p1 $0x5  }
0xf1: {  	_ =	swait.ge [sflag:s18], $0x4000  }
0xf2: {  	[sflag:s18] =	ssyncset.done $0x0  }
0xf3: {  	s6 =	rddreg [dreg:$0xb];
	[sflag:s18] =	ssyncadd.s32 $0xFFFFC000  }
0xf4: {  	[tilespmem:s5], [sflag:$0x1] =	stream.linear.gather [hbm4b:s6+s5], $0x80, $0x38;
	[tilespmem:$0x1C800] =	vst v63  }
0xf5: {  	s21 =	rddreg [dreg:$0xc]  }
0xf6: {  	[tilespmem:s30], [sflag:$0x3] =	stream.linear.gather [hbm4b:s21+s5], $0x80, $0x38;
	[tilespmem:$0x1C800] =	vst v63  }
0xf7: {  	_ =	swait.ge [sflag:s29], $0x80  }
0xf8: {  	[sflag:s29] =	ssyncset.done $0x0  }
0xf9: {  	[sflag:s29] =	ssyncadd.s32 $0xFFFFFF80  }
0xfa: {  	_ =	swait.ge [sflag:s3], $0x80  }
0xfb: {  	[sflag:s3] =	ssyncset.done $0x0  }
0xfc: {  	[sflag:s3] =	ssyncadd.s32 $0xFFFFFF80  }
0xfd: {  	[tilespmem:s9], [sflag:$0x5] =	stream.indirect.gather [hbm4b:s1+s31], $0x80, s5, s31, $0xb8;
	[tilespmem:$0x1C800] =	vst v63  }
0xfe: {  	_ =	swait.ge [sflag:s16], $0x4000  }
0xff: {  	[sflag:s16] =	ssyncset.done $0x0  }
0x100: {  	s22 =	rddreg [dreg:$0xd];
	[sflag:s16] =	ssyncadd.s32 $0xFFFFC000  }
0x101: {  	[tilespmem:s31], [sflag:$0x2] =	stream.linear.gather [hbm4b:s22+s5], $0x80, $0x38;
	[tilespmem:$0x1C800] =	vst v63  }
0x102: {  	s6 =	rddreg [dreg:$0xe]  }
0x103: {  	[tilespmem:s0], [sflag:$0x4] =	stream.linear.gather [hbm4b:s6+s5], $0x80, $0x38;
	[tilespmem:$0x1C800] =	vst v63  }
0x104: {  	_ =	swait.ge [sflag:s14], $0x4000  }
0x105: {  	[sflag:s14] =	ssyncset.done $0x0  }
0x106: {  	[sflag:s14] =	ssyncadd.s32 $0xFFFFC000  }
0x107: {  	_ =	swait.ge [sflag:s10], $0x80  }
0x108: {  	[sflag:s10] =	ssyncset.done $0x0  }
0x109: {  	[sflag:s10] =	ssyncadd.s32 $0xFFFFFF80  }
0x10a: {  	_ =	swait.ge [sflag:s11], $0x80  }
0x10b: {  	[sflag:s11] =	ssyncset.done $0x0  }
0x10c: {  	s21 =	stileid.u32;
	[sflag:s11] =	ssyncadd.s32 $0xFFFFFF80  }
0x10d: {  	s18 =	sshll.u32 s21, $0x6;
	[bflag:$0x0] =	sbarrier.arrive $0xFFFF  }
0x10e: {  	s18 =	sor.u32 $0x1C08, s18;
	s22 =	sshrl.u32 s7, $0x3;
	s6 =	rddreg [dreg:$0x9]  }
0x10f: {  	[hbm:s6], [sflag:s18] =	dma.local [spmem:s22], $0x2700  }
0x110: {  	_ =	swait.ge [sflag:s28], $0x2700  }
0x111: {  	[sflag:s28] =	ssyncset.done $0x0;
	s21 =	rddreg [dreg:$0xa]  }
0x112: {  	s22 =	rddreg [dreg:$0x11];
	[sflag:s28] =	ssyncadd.s32 $0xFFFFD900  }
0x113: {  	[hbm:s21], [sflag:s18] =	dma.local @!p0 [spmem:s22], $0x100  }
0x114: {  	s21 =	simm.s32 @!p0 $0x8  }
0x115: {  	_ =	swait.ge @!p0 [sflag:s21], $0x100  }
0x116: {  	s6 =	simm.s32 $0x10;
	[sflag:s21] =	ssyncset.done @!p0 $0x0  }
0x117: {  	s22 =	rddreg [dreg:$0xf];
	[sflag:s21] =	ssyncadd.s32 @!p0 $0xFFFFFF00;
	s21 =	sshrl.u32 s8, $0x3  }
0x118: {  	[hbm:s22@s25], [sflag:s18] =	dma.strided [spmem:s21@s6], $0x50, s29, $0x10   }
0x119: {  	_ =	swait.ge [sflag:s28], $0x50  }
0x11a: {  	s17 =	sadd.s32 $0x1, s17;
	s22 =	rddreg [dreg:$0x10]  }
0x11b: {  	p2 =	sne.s32 s17, s22  }
.Ltmp4:
0x11c: {  	_ = 	snop;
	(pc) =	sbr.rel @p2 .LBB2_1-.Ltmp4, $3  }
0x11d: {  	_ =	sdelay $0x1  }
0x11e: {  	[sflag:s28] =	ssyncset.done $0x0  }
0x11f: {  	[sflag:s28] =	ssyncadd.s32 $0xFFFFFFB0  }
0x120: {  	_ =	sfence.sel $0x180000  }
0x121: {  	[bflag:$0x0] =	sbarrier.arrive $0xFFFF  }
0x122: {  	_ =	strace $0x90000047  }
0x123: {  	s0 =	stileid.u32;
	[bflag:$0x2] =	sbarrier.arrive $0xFFFF  }
0x124: {  	p0 =	sne.s32 s0, $0x0;
	s0 =	rddreg [dreg:$0x4]  }
0x125: {  	s0 =	sadd.s32 @!p0 $0x100000, s0  }
0x126: {  	[sflag:s0] =	ssyncadd.tile.s32 @!p0 $0x1;
	_ =	shalt  }
.Lfunc_end2:
_tile_overlayer_lowered:
.L_overlay_start_2:
0x127: {  	(tag) =	ssettag $0x2  }
0x128: {  	s0 =	rddreg [dreg:$0x0];
	s2 =	stileid.u32  }
0x129: {  	s1 =	rddreg [dreg:$0x1];
	p0 =	sne.s32 s2, $0x0  }
0x12a: {  	s3 =	rddreg [dreg:$0x2];
	[bflag:$0x3] =	sbarrier.arrive $0xFFFF;
	s2 =	simm.s32 @!p0 $0x1C08  }
0x12b: {  	[timem:s3], [sflag:s2] =	dma.local @!p0 [hbm:s0], s1  }
0x12c: {  	s0 =	simm.s32 @!p0 $0x8  }
0x12d: {  	_ =	swait.ge @!p0 [sflag:s0], s1  }
0x12e: {  	s1 =	ssub.s32 @!p0 $0x0, s1;
	[sflag:s0] =	ssyncset.done @!p0 $0x0  }
0x12f: {  	[sflag:s0] =	ssyncadd.s32 @!p0 s1  }
0x130: {  	[bflag:$0x3] =	sbarrier.arrive $0xFFFF  }
0x131: {  	_ =	shalt  }

</sc_bundles>
